<compile_context>
chip_gen: v7x
topology: tpu7x:2x2x1
jax: 0.10.2.dev20260603
libtpu: 0.0.44.dev20260713+nightly
codegen_flags: <defaults>
</compile_context>

<pallas_src>
import functools

import jax
import jax.numpy as jnp
from jax import lax
from jax.experimental import pallas as pl
from jax.experimental.pallas import tpu as pltpu
from jax.experimental.pallas import tpu_sc as plsc

N = 10000
E = 320000
D = 128
H = 128
DH = 256
OUT = 40

NC = 2
NS = 16
NW = NC * NS
NACC = 10112
RPT = NACC // NS
NTC = 10240
RPTD = NTC // NS
RBLK = 1280
GBLK = NTC // RBLK
EPAD = NW * 79 * 128
NEB = 79

_mesh = plsc.VectorSubcoreMesh(core_axis_name="c", subcore_axis_name="s")



@functools.partial(
    pl.kernel, mesh=_mesh,
    out_type=jax.ShapeDtypeStruct((NC * NTC,), jnp.float32),
    scratch_types=[
        pltpu.VMEM((NEB, 128), jnp.int32),
        pltpu.VMEM((128,), jnp.float32),
        pltpu.VMEM_SHARED((NTC,), jnp.float32),
        pltpu.SemaphoreType.DMA,
        pltpu.SemaphoreType.DMA,
    ],
)
def _deg_kernel(dst_hbm, ones_hbm, zeros1_hbm, out_hbm, idx_v, ones_v, hist_sh, dsem0, dsem1):
    c = lax.axis_index("c")
    s = lax.axis_index("s")
    w = c * NS + s
    pltpu.sync_copy(zeros1_hbm.at[pl.ds(s * RPTD, RPTD)], hist_sh.at[pl.ds(s * RPTD, RPTD)])
    pltpu.sync_copy(ones_hbm, ones_v)
    pltpu.sync_copy(dst_hbm.at[w], idx_v)
    plsc.subcore_barrier()

    def _dstart(j, sem):
        pltpu.async_copy(ones_v, hist_sh.at[idx_v.at[j]], sem, add=True)

    def _dwait(sem):
        pltpu.make_async_copy(ones_v, hist_sh.at[idx_v.at[0]], sem).wait()

    _dstart(0, dsem0)

    def body(i, carry):
        j = 2 * i
        _dstart(j + 1, dsem1)
        _dwait(dsem0)
        _dstart(j + 2, dsem0)
        _dwait(dsem1)
        return carry

    lax.fori_loop(0, (NEB - 1) // 2, body, 0)
    _dwait(dsem0)
    plsc.subcore_barrier()
    pltpu.sync_copy(hist_sh.at[pl.ds(s * RPTD, RPTD)],
                    out_hbm.at[pl.ds(c * NTC + s * RPTD, RPTD)])



@functools.partial(
    pl.kernel, mesh=_mesh,
    out_type=jax.ShapeDtypeStruct((NC, NTC, H), jnp.float32),
    scratch_types=[
        pltpu.VMEM((NEB, 128), jnp.int32),
        pltpu.VMEM((2, 128), jnp.int32),
        pltpu.VMEM((2, 128, H), jnp.float32),
        pltpu.VMEM_SHARED((NACC, H), jnp.float32),
        pltpu.SemaphoreType.DMA,
        pltpu.SemaphoreType.DMA,
    ],
)
def _scat_kernel(y_hbm, srcw_hbm, dstw_hbm, zeros2_hbm, out_hbm,
                 src_v, dstc_v, rows_v, acc_sh, gsem0, gsem1):
    c = lax.axis_index("c")
    s = lax.axis_index("s")
    w = c * NS + s
    @pl.when(c == 0)
    def _():
        pltpu.sync_copy(y_hbm.at[pl.ds(s * RPT, RPT)], acc_sh.at[pl.ds(s * RPT, RPT)])

    @pl.when(c != 0)
    def _():
        pltpu.sync_copy(zeros2_hbm.at[pl.ds(s * RPT, RPT)], acc_sh.at[pl.ds(s * RPT, RPT)])

    pltpu.sync_copy(srcw_hbm.at[w], src_v)
    plsc.subcore_barrier()

    def _start(j, b, sem):
        pltpu.async_copy(y_hbm.at[src_v.at[j]], rows_v.at[b], sem)
        pltpu.async_copy(dstw_hbm.at[w, j], dstc_v.at[b], sem)

    def _wait(b, sem):
        pltpu.make_async_copy(y_hbm.at[src_v.at[0]], rows_v.at[b], sem).wait()
        pltpu.make_async_copy(dstw_hbm.at[0, 0], dstc_v.at[b], sem).wait()

    def _scat(b):
        pltpu.sync_copy(rows_v.at[b], acc_sh.at[dstc_v.at[b]], add=True)

    _start(0, 0, gsem0)

    def body(i, carry):
        j = 2 * i
        _start(j + 1, 1, gsem1)
        _wait(0, gsem0)
        _scat(0)
        _start(j + 2, 0, gsem0)
        _wait(1, gsem1)
        _scat(1)
        return carry

    lax.fori_loop(0, (NEB - 1) // 2, body, 0)
    _wait(0, gsem0)
    _scat(0)
    plsc.subcore_barrier()
    pltpu.sync_copy(acc_sh.at[pl.ds(s * RPT, RPT)], out_hbm.at[c, pl.ds(s * RPT, RPT)])



def _stage0_body(deg_ref, x_ref, w_ref, y_ref, dinv_ref):
    deg = deg_ref[0, :] + deg_ref[1, :] + 1.0
    dcol = lax.rsqrt(deg)[:, None]
    dinv_ref[...] = dcol
    xw = jnp.dot(x_ref[...], w_ref[...], preferred_element_type=jnp.float32)
    y_ref[...] = xw * dcol


_stage0 = pl.pallas_call(
    _stage0_body,
    grid=(GBLK,),
    in_specs=[
        pl.BlockSpec((2, RBLK), lambda i: (0, i)),
        pl.BlockSpec((RBLK, 128), lambda i: (i, 0)),
        pl.BlockSpec((128, 128), lambda i: (0, 0)),
    ],
    out_specs=[
        pl.BlockSpec((RBLK, 128), lambda i: (i, 0)),
        pl.BlockSpec((RBLK, 1), lambda i: (i, 0)),
    ],
    out_shape=[
        jax.ShapeDtypeStruct((NTC, H), jnp.float32),
        jax.ShapeDtypeStruct((NTC, 1), jnp.float32),
    ],
)


def _ln_relu(gcn, g, be):
    a = jnp.maximum(gcn, 0.0)
    m = jnp.mean(a, axis=-1, keepdims=True)
    v = jnp.mean((a - m) ** 2, axis=-1, keepdims=True)
    return (a - m) / jnp.sqrt(v + 1e-5) * g[None, :] + be[None, :]


def _mid_body(p_ref, dinv_ref, b_ref, g_ref, be_ref, w_ref, o_ref):
    d = dinv_ref[...]
    z = p_ref[0] + p_ref[1]
    gcn = z * d + b_ref[...][None, :]
    h = _ln_relu(gcn, g_ref[...], be_ref[...])
    o_ref[...] = jnp.dot(h, w_ref[...], preferred_element_type=jnp.float32) * d


_stage_mid = pl.pallas_call(
    _mid_body,
    grid=(GBLK,),
    in_specs=[
        pl.BlockSpec((2, RBLK, 128), lambda i: (0, i, 0)),
        pl.BlockSpec((RBLK, 1), lambda i: (i, 0)),
        pl.BlockSpec((128,), lambda i: (0,)),
        pl.BlockSpec((128,), lambda i: (0,)),
        pl.BlockSpec((128,), lambda i: (0,)),
        pl.BlockSpec((128, 128), lambda i: (0, 0)),
    ],
    out_specs=pl.BlockSpec((RBLK, 128), lambda i: (i, 0)),
    out_shape=jax.ShapeDtypeStruct((NTC, H), jnp.float32),
)


def _s3_body(p_ref, dinv_ref, b_ref, g_ref, be_ref,
             wp0_ref, bp0_ref, wp1_ref, bp1_ref, wp2_ref, bp2_ref,
             emb_ref, lp_ref):
    d = dinv_ref[...]
    z = p_ref[0] + p_ref[1]
    emb = z * d + b_ref[...][None, :]
    emb_ref[...] = emb
    h = _ln_relu(emb, g_ref[...], be_ref[...])
    t = jnp.dot(h, wp0_ref[...], preferred_element_type=jnp.float32) + bp0_ref[...][None, :]
    t = jnp.dot(t, wp1_ref[...], preferred_element_type=jnp.float32) + bp1_ref[...][None, :]
    t = jnp.dot(t, wp2_ref[...], preferred_element_type=jnp.float32) + bp2_ref[...][None, :]
    mx = jnp.max(t, axis=-1, keepdims=True)
    lse = mx + jnp.log(jnp.sum(jnp.exp(t - mx), axis=-1, keepdims=True))
    lp_ref[...] = t - lse


_stage3 = pl.pallas_call(
    _s3_body,
    grid=(GBLK,),
    in_specs=[
        pl.BlockSpec((2, RBLK, 128), lambda i: (0, i, 0)),
        pl.BlockSpec((RBLK, 1), lambda i: (i, 0)),
        pl.BlockSpec((128,), lambda i: (0,)),
        pl.BlockSpec((128,), lambda i: (0,)),
        pl.BlockSpec((128,), lambda i: (0,)),
        pl.BlockSpec((128, DH), lambda i: (0, 0)),
        pl.BlockSpec((DH,), lambda i: (0,)),
        pl.BlockSpec((DH, DH // 2), lambda i: (0, 0)),
        pl.BlockSpec((DH // 2,), lambda i: (0,)),
        pl.BlockSpec((DH // 2, OUT), lambda i: (0, 0)),
        pl.BlockSpec((OUT,), lambda i: (0,)),
    ],
    out_specs=[
        pl.BlockSpec((RBLK, 128), lambda i: (i, 0)),
        pl.BlockSpec((RBLK, OUT), lambda i: (i, 0)),
    ],
    out_shape=[
        jax.ShapeDtypeStruct((N, H), jnp.float32),
        jax.ShapeDtypeStruct((N, OUT), jnp.float32),
    ],
)


def kernel(x, edge_index, W1, b1, g1, be1, Wc0, bc0, gc0, bec0,
           Wc1, bc1, gc1, bec1, Wp0, bp0, Wp1, bp1, Wp2, bp2):
    src = edge_index[0]
    dst = edge_index[1]
    pad = (N + (jnp.arange(EPAD - E, dtype=jnp.int32) % (NACC - N))).astype(jnp.int32)
    srcp = jnp.concatenate([src, pad]).reshape(NW, NEB, 128)
    dstp128 = jnp.concatenate([dst, pad]).reshape(NW, NEB, 128)
    ones128 = jnp.ones((128,), jnp.float32)
    zeros1 = jnp.zeros((NTC,), jnp.float32)
    zeros2 = jnp.zeros((NACC, H), jnp.float32)

    degp = _deg_kernel(dstp128, ones128, zeros1)
    xpad = jnp.pad(x, ((0, NTC - N), (0, 0)))
    y0, dinv = _stage0(degp.reshape(NC, NTC), xpad, W1)
    p0 = _scat_kernel(y0, srcp, dstp128, zeros2)
    y1 = _stage_mid(p0, dinv, b1, g1, be1, Wc0)
    p1 = _scat_kernel(y1, srcp, dstp128, zeros2)
    y2 = _stage_mid(p1, dinv, bc0, gc0, bec0, Wc1)
    p2 = _scat_kernel(y2, srcp, dstp128, zeros2)
    emb, logp = _stage3(p2, dinv, bc1, gc1, bec1,
                        Wp0, bp0, Wp1, bp1, Wp2, bp2)
    return emb, logp

# --- scband reference (transcript-rebuilt; emitter-appended) ---
"""Pipeline reference for scband-gnn-936302870770 (READ-ONLY COPY).

The authoritative reference and input builder live on the scoring server;
editing this copy changes nothing except your own understanding.
"""

import jax, jax.numpy as jnp
import numpy as np

N = 10000
E = 320000
D = 128
H = 128
DH = 256
OUT = 40

def _ln(x, g, b):
    m = jnp.mean(x, axis=-1, keepdims=True)
    v = jnp.mean((x - m) ** 2, axis=-1, keepdims=True)
    return (x - m) / jnp.sqrt(v + 1e-5) * g + b

def _gcn(x, edge_index, W, b):
    # Faithful PyG GCNConv: linear transform, add self-loops, symmetric deg normalization, scatter-add aggregation at dst, plus bias.
    n = x.shape[0]
    xw = x @ W
    loop = jnp.arange(n, dtype=edge_index.dtype)
    src = jnp.concatenate([edge_index[0], loop])
    dst = jnp.concatenate([edge_index[1], loop])
    deg = jnp.zeros((n,), xw.dtype).at[dst].add(1.0)
    dinv = jnp.where(deg > 0, deg ** -0.5, 0.0)
    norm = dinv[src] * dinv[dst]
    msg = xw[src] * norm[:, None]
    out = jnp.zeros_like(xw).at[dst].add(msg)
    return out + b

def setup_inputs(seed: int = 0) -> dict:
    key = jax.random.key(seed)
    ks = jax.random.split(key, 24)
    def lin(k, fi, fo):
        return (jax.random.normal(k, (fi, fo), jnp.float32) / np.sqrt(fi)).astype(jnp.float32)
    inp = {
        "x": jax.random.normal(ks[0], (N, D), jnp.float32),
        "edge_index": jax.random.randint(ks[1], (2, E), 0, N, jnp.int32),
        "W1": lin(ks[2], D, H), "b1": jnp.zeros((H,), jnp.float32),
        "g1": jnp.ones((H,), jnp.float32), "be1": jnp.zeros((H,), jnp.float32),
        "Wc0": lin(ks[3], H, H), "bc0": jnp.zeros((H,), jnp.float32),
        "gc0": jnp.ones((H,), jnp.float32), "bec0": jnp.zeros((H,), jnp.float32),
        "Wc1": lin(ks[4], H, H), "bc1": jnp.zeros((H,), jnp.float32),
        "gc1": jnp.ones((H,), jnp.float32), "bec1": jnp.zeros((H,), jnp.float32),
        "Wp0": lin(ks[5], H, DH), "bp0": jnp.zeros((DH,), jnp.float32),
        "Wp1": lin(ks[6], DH, DH // 2), "bp1": jnp.zeros((DH // 2,), jnp.float32),
        "Wp2": lin(ks[7], DH // 2, OUT), "bp2": jnp.zeros((OUT,), jnp.float32),
    }
    return inp

def reference(x, edge_index, W1, b1, g1, be1, Wc0, bc0, gc0, bec0, Wc1, bc1, gc1, bec1, Wp0, bp0, Wp1, bp1, Wp2, bp2):
    # conv1 + relu + layernorm (dropout is identity in eval mode)
    h = _gcn(x, edge_index, W1, b1)
    emb = h
    h = _ln(jax.nn.relu(h), g1, be1)
    for (Wc, bc, gc, bec) in ((Wc0, bc0, gc0, bec0), (Wc1, bc1, gc1, bec1)):
        h = _gcn(h, edge_index, Wc, bc)
        emb = h
        h = _ln(jax.nn.relu(h), gc, bec)
    h = (h @ Wp0 + bp0) @ Wp1 + bp1
    h = h @ Wp2 + bp2
    return (emb, jax.nn.log_softmax(h, axis=1))

if __name__ == "__main__":
    import jax
    _d = setup_inputs()
    print(jax.jit(kernel)(*tuple(_d.values())))

</pallas_src>

<mosaic_0001>
#map = affine_map<(d0, d1) -> (0, 0)>
#map1 = affine_map<(d0, d1) -> (0, 0, 0)>
module attributes {stable_mosaic.version = 14 : i64} {
  func.func @_scat_kernel(%arg0: i32, %arg1: i32, %arg2: memref<10240x128xf32, #tpu.memory_space<hbm>>, %arg3: memref<32x79x128xi32, #tpu.memory_space<hbm>>, %arg4: memref<32x79x128xi32, #tpu.memory_space<hbm>>, %arg5: memref<10112x128xf32, #tpu.memory_space<hbm>>, %arg6: memref<2x10240x128xf32, #tpu.memory_space<hbm>>, %arg7: memref<79x128xi32, #tpu.memory_space<vmem>>, %arg8: memref<2x128xi32, #tpu.memory_space<vmem>>, %arg9: memref<2x128x128xf32, #tpu.memory_space<vmem>>, %arg10: memref<10112x128xf32, #tpu.memory_space<vmem_shared>>, %arg11: memref<!tpu.dma_semaphore, #tpu.memory_space<semaphore_mem>>, %arg12: memref<!tpu.dma_semaphore, #tpu.memory_space<semaphore_mem>>) attributes {dimension_semantics = [#tpu.dimension_semantics<core_parallel>, #tpu.dimension_semantics<subcore_parallel>], iteration_bounds = array<i64: 2, 16>, scalar_prefetch = 0 : i64, scratch_operands = 6 : i64, tpu.core_type = #tpu.core_type<sc_vector_subcore>, window_params = [{transform_indices = #map}, {transform_indices = #map1}, {transform_indices = #map1}, {transform_indices = #map}, {transform_indices = #map1}]} {
    %mul3A = arith.constant 16 : i32
    %mul3A_0 = arith.muli %arg0, %mul3A : i32
    %add3A = arith.addi %mul3A_0, %arg1 : i32
    %eq3A = arith.constant 0 : i32
    %eq3A_1 = arith.cmpi eq, %arg0, %eq3A : i32
    %convert_element_type3A = arith.extui %eq3A_1 : i1 to i32
    %cond3A = arith.constant 0 : i32
    %cond3A_2 = arith.cmpi ne, %convert_element_type3A, %cond3A : i32
    scf.if %cond3A_2 {
      %mul3A_69 = arith.constant 632 : i32
      %mul3A_70 = arith.muli %arg1, %mul3A_69 : i32
      %mul3A_71 = arith.constant 632 : i32
      %mul3A_72 = arith.muli %arg1, %mul3A_71 : i32
      "tpu.region"() ({
        %run_scoped3A_73 = tpu.sem_alloc : memref<!tpu.dma_semaphore, #tpu.memory_space<semaphore_mem>>
        %dma_start3A_74 = arith.constant 0 : i32
        %dma_start3A_75 = tpu.memref_slice %arg10[%mul3A_72, %dma_start3A_74] : memref<10112x128xf32, #tpu.memory_space<vmem_shared>> -> memref<632x128xf32, #tpu.memory_space<vmem_shared>>
        %dma_start3A_76 = arith.constant 0 : i32
        %dma_start3A_77 = tpu.memref_slice %arg2[%mul3A_70, %dma_start3A_76] : memref<10240x128xf32, #tpu.memory_space<hbm>> -> memref<632x128xf32, #tpu.memory_space<hbm>>
        tpu.enqueue_dma source(%dma_start3A_77 : memref<632x128xf32, #tpu.memory_space<hbm>>) target(%dma_start3A_75 : memref<632x128xf32, #tpu.memory_space<vmem_shared>>) target_semaphore(%run_scoped3A_73 : memref<!tpu.dma_semaphore, #tpu.memory_space<semaphore_mem>>)
        %dma_wait3A_78 = arith.constant 0 : i32
        %dma_wait3A_79 = tpu.memref_slice %arg10[%mul3A_72, %dma_wait3A_78] : memref<10112x128xf32, #tpu.memory_space<vmem_shared>> -> memref<632x128xf32, #tpu.memory_space<vmem_shared>>
        %dma_wait3A_80 = arith.constant 0 : i32
        %dma_wait3A_81 = tpu.memref_slice %arg2[%mul3A_70, %dma_wait3A_80] : memref<10240x128xf32, #tpu.memory_space<hbm>> -> memref<632x128xf32, #tpu.memory_space<hbm>>
        tpu.wait_dma2 semaphore(%run_scoped3A_73 : memref<!tpu.dma_semaphore, #tpu.memory_space<semaphore_mem>>) src(%dma_wait3A_81 : memref<632x128xf32, #tpu.memory_space<hbm>>) dst(%dma_wait3A_79 : memref<632x128xf32, #tpu.memory_space<vmem_shared>>)
        tpu.yield
      }) : () -> ()
    } else {
    }
    %ne3A = arith.constant 0 : i32
    %ne3A_3 = arith.cmpi ne, %arg0, %ne3A : i32
    %convert_element_type3A_4 = arith.extui %ne3A_3 : i1 to i32
    %cond3A_5 = arith.constant 0 : i32
    %cond3A_6 = arith.cmpi ne, %convert_element_type3A_4, %cond3A_5 : i32
    scf.if %cond3A_6 {
      %mul3A_69 = arith.constant 632 : i32
      %mul3A_70 = arith.muli %arg1, %mul3A_69 : i32
      %mul3A_71 = arith.constant 632 : i32
      %mul3A_72 = arith.muli %arg1, %mul3A_71 : i32
      "tpu.region"() ({
        %run_scoped3A_73 = tpu.sem_alloc : memref<!tpu.dma_semaphore, #tpu.memory_space<semaphore_mem>>
        %dma_start3A_74 = arith.constant 0 : i32
        %dma_start3A_75 = tpu.memref_slice %arg10[%mul3A_72, %dma_start3A_74] : memref<10112x128xf32, #tpu.memory_space<vmem_shared>> -> memref<632x128xf32, #tpu.memory_space<vmem_shared>>
        %dma_start3A_76 = arith.constant 0 : i32
        %dma_start3A_77 = tpu.memref_slice %arg5[%mul3A_70, %dma_start3A_76] : memref<10112x128xf32, #tpu.memory_space<hbm>> -> memref<632x128xf32, #tpu.memory_space<hbm>>
        tpu.enqueue_dma source(%dma_start3A_77 : memref<632x128xf32, #tpu.memory_space<hbm>>) target(%dma_start3A_75 : memref<632x128xf32, #tpu.memory_space<vmem_shared>>) target_semaphore(%run_scoped3A_73 : memref<!tpu.dma_semaphore, #tpu.memory_space<semaphore_mem>>)
        %dma_wait3A_78 = arith.constant 0 : i32
        %dma_wait3A_79 = tpu.memref_slice %arg10[%mul3A_72, %dma_wait3A_78] : memref<10112x128xf32, #tpu.memory_space<vmem_shared>> -> memref<632x128xf32, #tpu.memory_space<vmem_shared>>
        %dma_wait3A_80 = arith.constant 0 : i32
        %dma_wait3A_81 = tpu.memref_slice %arg5[%mul3A_70, %dma_wait3A_80] : memref<10112x128xf32, #tpu.memory_space<hbm>> -> memref<632x128xf32, #tpu.memory_space<hbm>>
        tpu.wait_dma2 semaphore(%run_scoped3A_73 : memref<!tpu.dma_semaphore, #tpu.memory_space<semaphore_mem>>) src(%dma_wait3A_81 : memref<632x128xf32, #tpu.memory_space<hbm>>) dst(%dma_wait3A_79 : memref<632x128xf32, #tpu.memory_space<vmem_shared>>)
        tpu.yield
      }) : () -> ()
    } else {
    }
    "tpu.region"() ({
      %run_scoped3A_69 = tpu.sem_alloc : memref<!tpu.dma_semaphore, #tpu.memory_space<semaphore_mem>>
      %dma_start3A_70 = arith.constant 0 : i32
      %dma_start3A_71 = arith.constant 0 : i32
      %dma_start3A_72 = tpu.memref_slice %arg3[%add3A, %dma_start3A_70, %dma_start3A_71] : memref<32x79x128xi32, #tpu.memory_space<hbm>> -> memref<1x79x128xi32, #tpu.memory_space<hbm>>
      %dma_start3A_73 = tpu.memref_squeeze %dma_start3A_72 : memref<1x79x128xi32, #tpu.memory_space<hbm>> -> memref<79x128xi32, #tpu.memory_space<hbm>>
      %dma_start3A_74 = arith.constant 0 : i32
      %dma_start3A_75 = arith.constant 0 : i32
      %dma_start3A_76 = tpu.memref_slice %arg3[%add3A, %dma_start3A_74, %dma_start3A_75] : memref<32x79x128xi32, #tpu.memory_space<hbm>> -> memref<1x79x128xi32, #tpu.memory_space<hbm>>
      %dma_start3A_77 = tpu.memref_squeeze %dma_start3A_76 : memref<1x79x128xi32, #tpu.memory_space<hbm>> -> memref<79x128xi32, #tpu.memory_space<hbm>>
      tpu.enqueue_dma source(%dma_start3A_77 : memref<79x128xi32, #tpu.memory_space<hbm>>) target(%arg7 : memref<79x128xi32, #tpu.memory_space<vmem>>) target_semaphore(%run_scoped3A_69 : memref<!tpu.dma_semaphore, #tpu.memory_space<semaphore_mem>>)
      %dma_wait3A_78 = arith.constant 0 : i32
      %dma_wait3A_79 = arith.constant 0 : i32
      %dma_wait3A_80 = tpu.memref_slice %arg3[%add3A, %dma_wait3A_78, %dma_wait3A_79] : memref<32x79x128xi32, #tpu.memory_space<hbm>> -> memref<1x79x128xi32, #tpu.memory_space<hbm>>
      %dma_wait3A_81 = tpu.memref_squeeze %dma_wait3A_80 : memref<1x79x128xi32, #tpu.memory_space<hbm>> -> memref<79x128xi32, #tpu.memory_space<hbm>>
      %dma_wait3A_82 = arith.constant 0 : i32
      %dma_wait3A_83 = arith.constant 0 : i32
      %dma_wait3A_84 = tpu.memref_slice %arg3[%add3A, %dma_wait3A_82, %dma_wait3A_83] : memref<32x79x128xi32, #tpu.memory_space<hbm>> -> memref<1x79x128xi32, #tpu.memory_space<hbm>>
      %dma_wait3A_85 = tpu.memref_squeeze %dma_wait3A_84 : memref<1x79x128xi32, #tpu.memory_space<hbm>> -> memref<79x128xi32, #tpu.memory_space<hbm>>
      tpu.wait_dma2 semaphore(%run_scoped3A_69 : memref<!tpu.dma_semaphore, #tpu.memory_space<semaphore_mem>>) src(%dma_wait3A_85 : memref<79x128xi32, #tpu.memory_space<hbm>>) dst(%arg7 : memref<79x128xi32, #tpu.memory_space<vmem>>)
      tpu.yield
    }) : () -> ()
    %barrier3A = arith.constant 0 : index
    tpu.barrier barrier_id(%barrier3A)
    %dma_start3A = arith.constant 0 : i32
    %dma_start3A_7 = arith.constant 0 : i32
    %dma_start3A_8 = arith.constant 0 : i32
    %dma_start3A_9 = arith.constant 0 : i32
    %dma_start3A_10 = tpu.memref_slice %arg9[%dma_start3A_7, %dma_start3A_8, %dma_start3A_9] : memref<2x128x128xf32, #tpu.memory_space<vmem>> -> memref<1x128x128xf32, #tpu.memory_space<vmem>>
    %dma_start3A_11 = tpu.memref_squeeze %dma_start3A_10 : memref<1x128x128xf32, #tpu.memory_space<vmem>> -> memref<128x128xf32, #tpu.memory_space<vmem>>
    %dma_start3A_12 = arith.constant 0 : i32
    %dma_start3A_13 = tpu.memref_slice %arg7[%dma_start3A, %dma_start3A_12] : memref<79x128xi32, #tpu.memory_space<vmem>> -> memref<1x128xi32, #tpu.memory_space<vmem>>
    %dma_start3A_14 = tpu.memref_squeeze %dma_start3A_13 : memref<1x128xi32, #tpu.memory_space<vmem>> -> memref<128xi32, #tpu.memory_space<vmem>>
    %dma_start3A_15 = arith.constant 0 : i32
    %dma_start3A_16 = arith.constant 0 : i32
    %dma_start3A_17 = tpu.memref_slice %arg2[%dma_start3A_15, %dma_start3A_16] : memref<10240x128xf32, #tpu.memory_space<hbm>> -> memref<10240x128xf32, #tpu.memory_space<hbm>>
    tpu.enqueue_indirect_dma source(%dma_start3A_17 : memref<10240x128xf32, #tpu.memory_space<hbm>>) target(%dma_start3A_11 : memref<128x128xf32, #tpu.memory_space<vmem>>) offsets(%dma_start3A_14 : memref<128xi32, #tpu.memory_space<vmem>>) semaphore(%arg11 : memref<!tpu.dma_semaphore, #tpu.memory_space<semaphore_mem>>)
    %dma_start3A_18 = arith.constant 0 : i32
    %dma_start3A_19 = arith.constant 0 : i32
    %dma_start3A_20 = arith.constant 0 : i32
    %dma_start3A_21 = tpu.memref_slice %arg8[%dma_start3A_19, %dma_start3A_20] : memref<2x128xi32, #tpu.memory_space<vmem>> -> memref<1x128xi32, #tpu.memory_space<vmem>>
    %dma_start3A_22 = tpu.memref_squeeze %dma_start3A_21 : memref<1x128xi32, #tpu.memory_space<vmem>> -> memref<128xi32, #tpu.memory_space<vmem>>
    %dma_start3A_23 = arith.constant 0 : i32
    %dma_start3A_24 = tpu.memref_slice %arg4[%add3A, %dma_start3A_18, %dma_start3A_23] : memref<32x79x128xi32, #tpu.memory_space<hbm>> -> memref<1x1x128xi32, #tpu.memory_space<hbm>>
    %dma_start3A_25 = tpu.memref_squeeze %dma_start3A_24 : memref<1x1x128xi32, #tpu.memory_space<hbm>> -> memref<128xi32, #tpu.memory_space<hbm>>
    %dma_start3A_26 = arith.constant 0 : i32
    %dma_start3A_27 = tpu.memref_slice %arg8[%dma_start3A_19, %dma_start3A_26] : memref<2x128xi32, #tpu.memory_space<vmem>> -> memref<1x128xi32, #tpu.memory_space<vmem>>
    %dma_start3A_28 = tpu.memref_squeeze %dma_start3A_27 : memref<1x128xi32, #tpu.memory_space<vmem>> -> memref<128xi32, #tpu.memory_space<vmem>>
    %dma_start3A_29 = arith.constant 0 : i32
    %dma_start3A_30 = tpu.memref_slice %arg4[%add3A, %dma_start3A_18, %dma_start3A_29] : memref<32x79x128xi32, #tpu.memory_space<hbm>> -> memref<1x1x128xi32, #tpu.memory_space<hbm>>
    %dma_start3A_31 = tpu.memref_squeeze %dma_start3A_30 : memref<1x1x128xi32, #tpu.memory_space<hbm>> -> memref<128xi32, #tpu.memory_space<hbm>>
    tpu.enqueue_dma source(%dma_start3A_31 : memref<128xi32, #tpu.memory_space<hbm>>) target(%dma_start3A_28 : memref<128xi32, #tpu.memory_space<vmem>>) target_semaphore(%arg11 : memref<!tpu.dma_semaphore, #tpu.memory_space<semaphore_mem>>)
    %scan3A = arith.constant 0 : i32
    %scan3A_32 = arith.constant 0 : i32
    %scan3A_33 = arith.constant 39 : i32
    %scan3A_34 = arith.addi %scan3A_32, %scan3A_33 : i32
    %scan3A_35 = arith.constant 1 : i32
    scf.for %scan3A_69 = %scan3A_32 to %scan3A_34 step %scan3A_35  : i32 {
      %mul3A_70 = arith.constant 2 : i32
      %mul3A_71 = arith.muli %mul3A_70, %scan3A_69 : i32
      %add3A_72 = arith.constant 1 : i32
      %add3A_73 = arith.addi %mul3A_71, %add3A_72 : i32
      %dma_start3A_74 = arith.constant 1 : i32
      %dma_start3A_75 = arith.constant 0 : i32
      %dma_start3A_76 = arith.constant 0 : i32
      %dma_start3A_77 = tpu.memref_slice %arg9[%dma_start3A_74, %dma_start3A_75, %dma_start3A_76] : memref<2x128x128xf32, #tpu.memory_space<vmem>> -> memref<1x128x128xf32, #tpu.memory_space<vmem>>
      %dma_start3A_78 = tpu.memref_squeeze %dma_start3A_77 : memref<1x128x128xf32, #tpu.memory_space<vmem>> -> memref<128x128xf32, #tpu.memory_space<vmem>>
      %dma_start3A_79 = arith.constant 0 : i32
      %dma_start3A_80 = tpu.memref_slice %arg7[%add3A_73, %dma_start3A_79] : memref<79x128xi32, #tpu.memory_space<vmem>> -> memref<1x128xi32, #tpu.memory_space<vmem>>
      %dma_start3A_81 = tpu.memref_squeeze %dma_start3A_80 : memref<1x128xi32, #tpu.memory_space<vmem>> -> memref<128xi32, #tpu.memory_space<vmem>>
      %dma_start3A_82 = arith.constant 0 : i32
      %dma_start3A_83 = arith.constant 0 : i32
      %dma_start3A_84 = tpu.memref_slice %arg2[%dma_start3A_82, %dma_start3A_83] : memref<10240x128xf32, #tpu.memory_space<hbm>> -> memref<10240x128xf32, #tpu.memory_space<hbm>>
      tpu.enqueue_indirect_dma source(%dma_start3A_84 : memref<10240x128xf32, #tpu.memory_space<hbm>>) target(%dma_start3A_78 : memref<128x128xf32, #tpu.memory_space<vmem>>) offsets(%dma_start3A_81 : memref<128xi32, #tpu.memory_space<vmem>>) semaphore(%arg12 : memref<!tpu.dma_semaphore, #tpu.memory_space<semaphore_mem>>)
      %dma_start3A_85 = arith.constant 1 : i32
      %dma_start3A_86 = arith.constant 0 : i32
      %dma_start3A_87 = tpu.memref_slice %arg8[%dma_start3A_85, %dma_start3A_86] : memref<2x128xi32, #tpu.memory_space<vmem>> -> memref<1x128xi32, #tpu.memory_space<vmem>>
      %dma_start3A_88 = tpu.memref_squeeze %dma_start3A_87 : memref<1x128xi32, #tpu.memory_space<vmem>> -> memref<128xi32, #tpu.memory_space<vmem>>
      %dma_start3A_89 = arith.constant 0 : i32
      %dma_start3A_90 = tpu.memref_slice %arg4[%add3A, %add3A_73, %dma_start3A_89] : memref<32x79x128xi32, #tpu.memory_space<hbm>> -> memref<1x1x128xi32, #tpu.memory_space<hbm>>
      %dma_start3A_91 = tpu.memref_squeeze %dma_start3A_90 : memref<1x1x128xi32, #tpu.memory_space<hbm>> -> memref<128xi32, #tpu.memory_space<hbm>>
      %dma_start3A_92 = arith.constant 0 : i32
      %dma_start3A_93 = tpu.memref_slice %arg8[%dma_start3A_85, %dma_start3A_92] : memref<2x128xi32, #tpu.memory_space<vmem>> -> memref<1x128xi32, #tpu.memory_space<vmem>>
      %dma_start3A_94 = tpu.memref_squeeze %dma_start3A_93 : memref<1x128xi32, #tpu.memory_space<vmem>> -> memref<128xi32, #tpu.memory_space<vmem>>
      %dma_start3A_95 = arith.constant 0 : i32
      %dma_start3A_96 = tpu.memref_slice %arg4[%add3A, %add3A_73, %dma_start3A_95] : memref<32x79x128xi32, #tpu.memory_space<hbm>> -> memref<1x1x128xi32, #tpu.memory_space<hbm>>
      %dma_start3A_97 = tpu.memref_squeeze %dma_start3A_96 : memref<1x1x128xi32, #tpu.memory_space<hbm>> -> memref<128xi32, #tpu.memory_space<hbm>>
      tpu.enqueue_dma source(%dma_start3A_97 : memref<128xi32, #tpu.memory_space<hbm>>) target(%dma_start3A_94 : memref<128xi32, #tpu.memory_space<vmem>>) target_semaphore(%arg12 : memref<!tpu.dma_semaphore, #tpu.memory_space<semaphore_mem>>)
      %dma_wait3A_98 = arith.constant 0 : i32
      %dma_wait3A_99 = arith.constant 0 : i32
      %dma_wait3A_100 = arith.constant 0 : i32
      %dma_wait3A_101 = arith.constant 0 : i32
      %dma_wait3A_102 = tpu.memref_slice %arg9[%dma_wait3A_99, %dma_wait3A_100, %dma_wait3A_101] : memref<2x128x128xf32, #tpu.memory_space<vmem>> -> memref<1x128x128xf32, #tpu.memory_space<vmem>>
      %dma_wait3A_103 = tpu.memref_squeeze %dma_wait3A_102 : memref<1x128x128xf32, #tpu.memory_space<vmem>> -> memref<128x128xf32, #tpu.memory_space<vmem>>
      %dma_wait3A_104 = arith.constant 0 : i32
      %dma_wait3A_105 = tpu.memref_slice %arg7[%dma_wait3A_98, %dma_wait3A_104] : memref<79x128xi32, #tpu.memory_space<vmem>> -> memref<1x128xi32, #tpu.memory_space<vmem>>
      %dma_wait3A_106 = tpu.memref_squeeze %dma_wait3A_105 : memref<1x128xi32, #tpu.memory_space<vmem>> -> memref<128xi32, #tpu.memory_space<vmem>>
      %dma_wait3A_107 = arith.constant 0 : i32
      %dma_wait3A_108 = arith.constant 0 : i32
      %dma_wait3A_109 = tpu.memref_slice %arg2[%dma_wait3A_107, %dma_wait3A_108] : memref<10240x128xf32, #tpu.memory_space<hbm>> -> memref<10240x128xf32, #tpu.memory_space<hbm>>
      tpu.wait_indirect_dma semaphore(%arg11 : memref<!tpu.dma_semaphore, #tpu.memory_space<semaphore_mem>>) src(%dma_wait3A_109 : memref<10240x128xf32, #tpu.memory_space<hbm>>) dst(%dma_wait3A_103 : memref<128x128xf32, #tpu.memory_space<vmem>>)
      %dma_wait3A_110 = arith.constant 0 : i32
      %dma_wait3A_111 = arith.constant 0 : i32
      %dma_wait3A_112 = arith.constant 0 : i32
      %dma_wait3A_113 = arith.constant 0 : i32
      %dma_wait3A_114 = tpu.memref_slice %arg8[%dma_wait3A_112, %dma_wait3A_113] : memref<2x128xi32, #tpu.memory_space<vmem>> -> memref<1x128xi32, #tpu.memory_space<vmem>>
      %dma_wait3A_115 = tpu.memref_squeeze %dma_wait3A_114 : memref<1x128xi32, #tpu.memory_space<vmem>> -> memref<128xi32, #tpu.memory_space<vmem>>
      %dma_wait3A_116 = arith.constant 0 : i32
      %dma_wait3A_117 = tpu.memref_slice %arg4[%dma_wait3A_110, %dma_wait3A_111, %dma_wait3A_116] : memref<32x79x128xi32, #tpu.memory_space<hbm>> -> memref<1x1x128xi32, #tpu.memory_space<hbm>>
      %dma_wait3A_118 = tpu.memref_squeeze %dma_wait3A_117 : memref<1x1x128xi32, #tpu.memory_space<hbm>> -> memref<128xi32, #tpu.memory_space<hbm>>
      %dma_wait3A_119 = arith.constant 0 : i32
      %dma_wait3A_120 = tpu.memref_slice %arg8[%dma_wait3A_112, %dma_wait3A_119] : memref<2x128xi32, #tpu.memory_space<vmem>> -> memref<1x128xi32, #tpu.memory_space<vmem>>
      %dma_wait3A_121 = tpu.memref_squeeze %dma_wait3A_120 : memref<1x128xi32, #tpu.memory_space<vmem>> -> memref<128xi32, #tpu.memory_space<vmem>>
      %dma_wait3A_122 = arith.constant 0 : i32
      %dma_wait3A_123 = tpu.memref_slice %arg4[%dma_wait3A_110, %dma_wait3A_111, %dma_wait3A_122] : memref<32x79x128xi32, #tpu.memory_space<hbm>> -> memref<1x1x128xi32, #tpu.memory_space<hbm>>
      %dma_wait3A_124 = tpu.memref_squeeze %dma_wait3A_123 : memref<1x1x128xi32, #tpu.memory_space<hbm>> -> memref<128xi32, #tpu.memory_space<hbm>>
      tpu.wait_dma2 semaphore(%arg11 : memref<!tpu.dma_semaphore, #tpu.memory_space<semaphore_mem>>) src(%dma_wait3A_124 : memref<128xi32, #tpu.memory_space<hbm>>) dst(%dma_wait3A_121 : memref<128xi32, #tpu.memory_space<vmem>>)
      %run_scoped3A_125 = arith.constant 0 : i32
      %run_scoped3A_126 = arith.constant 0 : i32
      "tpu.region"() ({
        %run_scoped3A_182 = tpu.sem_alloc : memref<!tpu.dma_semaphore, #tpu.memory_space<semaphore_mem>>
        %dma_start3A_183 = arith.constant 0 : i32
        %dma_start3A_184 = arith.constant 0 : i32
        %dma_start3A_185 = tpu.memref_slice %arg9[%run_scoped3A_125, %dma_start3A_183, %dma_start3A_184] : memref<2x128x128xf32, #tpu.memory_space<vmem>> -> memref<1x128x128xf32, #tpu.memory_space<vmem>>
        %dma_start3A_186 = tpu.memref_squeeze %dma_start3A_185 : memref<1x128x128xf32, #tpu.memory_space<vmem>> -> memref<128x128xf32, #tpu.memory_space<vmem>>
        %dma_start3A_187 = arith.constant 0 : i32
        %dma_start3A_188 = tpu.memref_slice %arg8[%run_scoped3A_126, %dma_start3A_187] : memref<2x128xi32, #tpu.memory_space<vmem>> -> memref<1x128xi32, #tpu.memory_space<vmem>>
        %dma_start3A_189 = tpu.memref_squeeze %dma_start3A_188 : memref<1x128xi32, #tpu.memory_space<vmem>> -> memref<128xi32, #tpu.memory_space<vmem>>
        %dma_start3A_190 = arith.constant 0 : i32
        %dma_start3A_191 = arith.constant 0 : i32
        %dma_start3A_192 = tpu.memref_slice %arg10[%dma_start3A_190, %dma_start3A_191] : memref<10112x128xf32, #tpu.memory_space<vmem_shared>> -> memref<10112x128xf32, #tpu.memory_space<vmem_shared>>
        tpu.enqueue_indirect_dma source(%dma_start3A_186 : memref<128x128xf32, #tpu.memory_space<vmem>>) target(%dma_start3A_192 : memref<10112x128xf32, #tpu.memory_space<vmem_shared>>) offsets(%dma_start3A_189 : memref<128xi32, #tpu.memory_space<vmem>>) semaphore(%run_scoped3A_182 : memref<!tpu.dma_semaphore, #tpu.memory_space<semaphore_mem>>) {add = true}
        %dma_wait3A_193 = arith.constant 0 : i32
        %dma_wait3A_194 = arith.constant 0 : i32
        %dma_wait3A_195 = tpu.memref_slice %arg9[%run_scoped3A_125, %dma_wait3A_193, %dma_wait3A_194] : memref<2x128x128xf32, #tpu.memory_space<vmem>> -> memref<1x128x128xf32, #tpu.memory_space<vmem>>
        %dma_wait3A_196 = tpu.memref_squeeze %dma_wait3A_195 : memref<1x128x128xf32, #tpu.memory_space<vmem>> -> memref<128x128xf32, #tpu.memory_space<vmem>>
        %dma_wait3A_197 = arith.constant 0 : i32
        %dma_wait3A_198 = tpu.memref_slice %arg8[%run_scoped3A_126, %dma_wait3A_197] : memref<2x128xi32, #tpu.memory_space<vmem>> -> memref<1x128xi32, #tpu.memory_space<vmem>>
        %dma_wait3A_199 = tpu.memref_squeeze %dma_wait3A_198 : memref<1x128xi32, #tpu.memory_space<vmem>> -> memref<128xi32, #tpu.memory_space<vmem>>
        %dma_wait3A_200 = arith.constant 0 : i32
        %dma_wait3A_201 = arith.constant 0 : i32
        %dma_wait3A_202 = tpu.memref_slice %arg10[%dma_wait3A_200, %dma_wait3A_201] : memref<10112x128xf32, #tpu.memory_space<vmem_shared>> -> memref<10112x128xf32, #tpu.memory_space<vmem_shared>>
        tpu.wait_indirect_dma semaphore(%run_scoped3A_182 : memref<!tpu.dma_semaphore, #tpu.memory_space<semaphore_mem>>) src(%dma_wait3A_196 : memref<128x128xf32, #tpu.memory_space<vmem>>) dst(%dma_wait3A_202 : memref<10112x128xf32, #tpu.memory_space<vmem_shared>>)
        tpu.yield
      }) : () -> ()
      %add3A_127 = arith.constant 2 : i32
      %add3A_128 = arith.addi %mul3A_71, %add3A_127 : i32
      %dma_start3A_129 = arith.constant 0 : i32
      %dma_start3A_130 = arith.constant 0 : i32
      %dma_start3A_131 = arith.constant 0 : i32
      %dma_start3A_132 = tpu.memref_slice %arg9[%dma_start3A_129, %dma_start3A_130, %dma_start3A_131] : memref<2x128x128xf32, #tpu.memory_space<vmem>> -> memref<1x128x128xf32, #tpu.memory_space<vmem>>
      %dma_start3A_133 = tpu.memref_squeeze %dma_start3A_132 : memref<1x128x128xf32, #tpu.memory_space<vmem>> -> memref<128x128xf32, #tpu.memory_space<vmem>>
      %dma_start3A_134 = arith.constant 0 : i32
      %dma_start3A_135 = tpu.memref_slice %arg7[%add3A_128, %dma_start3A_134] : memref<79x128xi32, #tpu.memory_space<vmem>> -> memref<1x128xi32, #tpu.memory_space<vmem>>
      %dma_start3A_136 = tpu.memref_squeeze %dma_start3A_135 : memref<1x128xi32, #tpu.memory_space<vmem>> -> memref<128xi32, #tpu.memory_space<vmem>>
      %dma_start3A_137 = arith.constant 0 : i32
      %dma_start3A_138 = arith.constant 0 : i32
      %dma_start3A_139 = tpu.memref_slice %arg2[%dma_start3A_137, %dma_start3A_138] : memref<10240x128xf32, #tpu.memory_space<hbm>> -> memref<10240x128xf32, #tpu.memory_space<hbm>>
      tpu.enqueue_indirect_dma source(%dma_start3A_139 : memref<10240x128xf32, #tpu.memory_space<hbm>>) target(%dma_start3A_133 : memref<128x128xf32, #tpu.memory_space<vmem>>) offsets(%dma_start3A_136 : memref<128xi32, #tpu.memory_space<vmem>>) semaphore(%arg11 : memref<!tpu.dma_semaphore, #tpu.memory_space<semaphore_mem>>)
      %dma_start3A_140 = arith.constant 0 : i32
      %dma_start3A_141 = arith.constant 0 : i32
      %dma_start3A_142 = tpu.memref_slice %arg8[%dma_start3A_140, %dma_start3A_141] : memref<2x128xi32, #tpu.memory_space<vmem>> -> memref<1x128xi32, #tpu.memory_space<vmem>>
      %dma_start3A_143 = tpu.memref_squeeze %dma_start3A_142 : memref<1x128xi32, #tpu.memory_space<vmem>> -> memref<128xi32, #tpu.memory_space<vmem>>
      %dma_start3A_144 = arith.constant 0 : i32
      %dma_start3A_145 = tpu.memref_slice %arg4[%add3A, %add3A_128, %dma_start3A_144] : memref<32x79x128xi32, #tpu.memory_space<hbm>> -> memref<1x1x128xi32, #tpu.memory_space<hbm>>
      %dma_start3A_146 = tpu.memref_squeeze %dma_start3A_145 : memref<1x1x128xi32, #tpu.memory_space<hbm>> -> memref<128xi32, #tpu.memory_space<hbm>>
      %dma_start3A_147 = arith.constant 0 : i32
      %dma_start3A_148 = tpu.memref_slice %arg8[%dma_start3A_140, %dma_start3A_147] : memref<2x128xi32, #tpu.memory_space<vmem>> -> memref<1x128xi32, #tpu.memory_space<vmem>>
      %dma_start3A_149 = tpu.memref_squeeze %dma_start3A_148 : memref<1x128xi32, #tpu.memory_space<vmem>> -> memref<128xi32, #tpu.memory_space<vmem>>
      %dma_start3A_150 = arith.constant 0 : i32
      %dma_start3A_151 = tpu.memref_slice %arg4[%add3A, %add3A_128, %dma_start3A_150] : memref<32x79x128xi32, #tpu.memory_space<hbm>> -> memref<1x1x128xi32, #tpu.memory_space<hbm>>
      %dma_start3A_152 = tpu.memref_squeeze %dma_start3A_151 : memref<1x1x128xi32, #tpu.memory_space<hbm>> -> memref<128xi32, #tpu.memory_space<hbm>>
      tpu.enqueue_dma source(%dma_start3A_152 : memref<128xi32, #tpu.memory_space<hbm>>) target(%dma_start3A_149 : memref<128xi32, #tpu.memory_space<vmem>>) target_semaphore(%arg11 : memref<!tpu.dma_semaphore, #tpu.memory_space<semaphore_mem>>)
      %dma_wait3A_153 = arith.constant 0 : i32
      %dma_wait3A_154 = arith.constant 1 : i32
      %dma_wait3A_155 = arith.constant 0 : i32
      %dma_wait3A_156 = arith.constant 0 : i32
      %dma_wait3A_157 = tpu.memref_slice %arg9[%dma_wait3A_154, %dma_wait3A_155, %dma_wait3A_156] : memref<2x128x128xf32, #tpu.memory_space<vmem>> -> memref<1x128x128xf32, #tpu.memory_space<vmem>>
      %dma_wait3A_158 = tpu.memref_squeeze %dma_wait3A_157 : memref<1x128x128xf32, #tpu.memory_space<vmem>> -> memref<128x128xf32, #tpu.memory_space<vmem>>
      %dma_wait3A_159 = arith.constant 0 : i32
      %dma_wait3A_160 = tpu.memref_slice %arg7[%dma_wait3A_153, %dma_wait3A_159] : memref<79x128xi32, #tpu.memory_space<vmem>> -> memref<1x128xi32, #tpu.memory_space<vmem>>
      %dma_wait3A_161 = tpu.memref_squeeze %dma_wait3A_160 : memref<1x128xi32, #tpu.memory_space<vmem>> -> memref<128xi32, #tpu.memory_space<vmem>>
      %dma_wait3A_162 = arith.constant 0 : i32
      %dma_wait3A_163 = arith.constant 0 : i32
      %dma_wait3A_164 = tpu.memref_slice %arg2[%dma_wait3A_162, %dma_wait3A_163] : memref<10240x128xf32, #tpu.memory_space<hbm>> -> memref<10240x128xf32, #tpu.memory_space<hbm>>
      tpu.wait_indirect_dma semaphore(%arg12 : memref<!tpu.dma_semaphore, #tpu.memory_space<semaphore_mem>>) src(%dma_wait3A_164 : memref<10240x128xf32, #tpu.memory_space<hbm>>) dst(%dma_wait3A_158 : memref<128x128xf32, #tpu.memory_space<vmem>>)
      %dma_wait3A_165 = arith.constant 0 : i32
      %dma_wait3A_166 = arith.constant 0 : i32
      %dma_wait3A_167 = arith.constant 1 : i32
      %dma_wait3A_168 = arith.constant 0 : i32
      %dma_wait3A_169 = tpu.memref_slice %arg8[%dma_wait3A_167, %dma_wait3A_168] : memref<2x128xi32, #tpu.memory_space<vmem>> -> memref<1x128xi32, #tpu.memory_space<vmem>>
      %dma_wait3A_170 = tpu.memref_squeeze %dma_wait3A_169 : memref<1x128xi32, #tpu.memory_space<vmem>> -> memref<128xi32, #tpu.memory_space<vmem>>
      %dma_wait3A_171 = arith.constant 0 : i32
      %dma_wait3A_172 = tpu.memref_slice %arg4[%dma_wait3A_165, %dma_wait3A_166, %dma_wait3A_171] : memref<32x79x128xi32, #tpu.memory_space<hbm>> -> memref<1x1x128xi32, #tpu.memory_space<hbm>>
      %dma_wait3A_173 = tpu.memref_squeeze %dma_wait3A_172 : memref<1x1x128xi32, #tpu.memory_space<hbm>> -> memref<128xi32, #tpu.memory_space<hbm>>
      %dma_wait3A_174 = arith.constant 0 : i32
      %dma_wait3A_175 = tpu.memref_slice %arg8[%dma_wait3A_167, %dma_wait3A_174] : memref<2x128xi32, #tpu.memory_space<vmem>> -> memref<1x128xi32, #tpu.memory_space<vmem>>
      %dma_wait3A_176 = tpu.memref_squeeze %dma_wait3A_175 : memref<1x128xi32, #tpu.memory_space<vmem>> -> memref<128xi32, #tpu.memory_space<vmem>>
      %dma_wait3A_177 = arith.constant 0 : i32
      %dma_wait3A_178 = tpu.memref_slice %arg4[%dma_wait3A_165, %dma_wait3A_166, %dma_wait3A_177] : memref<32x79x128xi32, #tpu.memory_space<hbm>> -> memref<1x1x128xi32, #tpu.memory_space<hbm>>
      %dma_wait3A_179 = tpu.memref_squeeze %dma_wait3A_178 : memref<1x1x128xi32, #tpu.memory_space<hbm>> -> memref<128xi32, #tpu.memory_space<hbm>>
      tpu.wait_dma2 semaphore(%arg12 : memref<!tpu.dma_semaphore, #tpu.memory_space<semaphore_mem>>) src(%dma_wait3A_179 : memref<128xi32, #tpu.memory_space<hbm>>) dst(%dma_wait3A_176 : memref<128xi32, #tpu.memory_space<vmem>>)
      %run_scoped3A_180 = arith.constant 1 : i32
      %run_scoped3A_181 = arith.constant 1 : i32
      "tpu.region"() ({
        %run_scoped3A_182 = tpu.sem_alloc : memref<!tpu.dma_semaphore, #tpu.memory_space<semaphore_mem>>
        %dma_start3A_183 = arith.constant 0 : i32
        %dma_start3A_184 = arith.constant 0 : i32
        %dma_start3A_185 = tpu.memref_slice %arg9[%run_scoped3A_180, %dma_start3A_183, %dma_start3A_184] : memref<2x128x128xf32, #tpu.memory_space<vmem>> -> memref<1x128x128xf32, #tpu.memory_space<vmem>>
        %dma_start3A_186 = tpu.memref_squeeze %dma_start3A_185 : memref<1x128x128xf32, #tpu.memory_space<vmem>> -> memref<128x128xf32, #tpu.memory_space<vmem>>
        %dma_start3A_187 = arith.constant 0 : i32
        %dma_start3A_188 = tpu.memref_slice %arg8[%run_scoped3A_181, %dma_start3A_187] : memref<2x128xi32, #tpu.memory_space<vmem>> -> memref<1x128xi32, #tpu.memory_space<vmem>>
        %dma_start3A_189 = tpu.memref_squeeze %dma_start3A_188 : memref<1x128xi32, #tpu.memory_space<vmem>> -> memref<128xi32, #tpu.memory_space<vmem>>
        %dma_start3A_190 = arith.constant 0 : i32
        %dma_start3A_191 = arith.constant 0 : i32
        %dma_start3A_192 = tpu.memref_slice %arg10[%dma_start3A_190, %dma_start3A_191] : memref<10112x128xf32, #tpu.memory_space<vmem_shared>> -> memref<10112x128xf32, #tpu.memory_space<vmem_shared>>
        tpu.enqueue_indirect_dma source(%dma_start3A_186 : memref<128x128xf32, #tpu.memory_space<vmem>>) target(%dma_start3A_192 : memref<10112x128xf32, #tpu.memory_space<vmem_shared>>) offsets(%dma_start3A_189 : memref<128xi32, #tpu.memory_space<vmem>>) semaphore(%run_scoped3A_182 : memref<!tpu.dma_semaphore, #tpu.memory_space<semaphore_mem>>) {add = true}
        %dma_wait3A_193 = arith.constant 0 : i32
        %dma_wait3A_194 = arith.constant 0 : i32
        %dma_wait3A_195 = tpu.memref_slice %arg9[%run_scoped3A_180, %dma_wait3A_193, %dma_wait3A_194] : memref<2x128x128xf32, #tpu.memory_space<vmem>> -> memref<1x128x128xf32, #tpu.memory_space<vmem>>
        %dma_wait3A_196 = tpu.memref_squeeze %dma_wait3A_195 : memref<1x128x128xf32, #tpu.memory_space<vmem>> -> memref<128x128xf32, #tpu.memory_space<vmem>>
        %dma_wait3A_197 = arith.constant 0 : i32
        %dma_wait3A_198 = tpu.memref_slice %arg8[%run_scoped3A_181, %dma_wait3A_197] : memref<2x128xi32, #tpu.memory_space<vmem>> -> memref<1x128xi32, #tpu.memory_space<vmem>>
        %dma_wait3A_199 = tpu.memref_squeeze %dma_wait3A_198 : memref<1x128xi32, #tpu.memory_space<vmem>> -> memref<128xi32, #tpu.memory_space<vmem>>
        %dma_wait3A_200 = arith.constant 0 : i32
        %dma_wait3A_201 = arith.constant 0 : i32
        %dma_wait3A_202 = tpu.memref_slice %arg10[%dma_wait3A_200, %dma_wait3A_201] : memref<10112x128xf32, #tpu.memory_space<vmem_shared>> -> memref<10112x128xf32, #tpu.memory_space<vmem_shared>>
        tpu.wait_indirect_dma semaphore(%run_scoped3A_182 : memref<!tpu.dma_semaphore, #tpu.memory_space<semaphore_mem>>) src(%dma_wait3A_196 : memref<128x128xf32, #tpu.memory_space<vmem>>) dst(%dma_wait3A_202 : memref<10112x128xf32, #tpu.memory_space<vmem_shared>>)
        tpu.yield
      }) : () -> ()
    }
    %scan3A_36 = arith.constant 39 : i32
    %dma_wait3A = arith.constant 0 : i32
    %dma_wait3A_37 = arith.constant 0 : i32
    %dma_wait3A_38 = arith.constant 0 : i32
    %dma_wait3A_39 = arith.constant 0 : i32
    %dma_wait3A_40 = tpu.memref_slice %arg9[%dma_wait3A_37, %dma_wait3A_38, %dma_wait3A_39] : memref<2x128x128xf32, #tpu.memory_space<vmem>> -> memref<1x128x128xf32, #tpu.memory_space<vmem>>
    %dma_wait3A_41 = tpu.memref_squeeze %dma_wait3A_40 : memref<1x128x128xf32, #tpu.memory_space<vmem>> -> memref<128x128xf32, #tpu.memory_space<vmem>>
    %dma_wait3A_42 = arith.constant 0 : i32
    %dma_wait3A_43 = tpu.memref_slice %arg7[%dma_wait3A, %dma_wait3A_42] : memref<79x128xi32, #tpu.memory_space<vmem>> -> memref<1x128xi32, #tpu.memory_space<vmem>>
    %dma_wait3A_44 = tpu.memref_squeeze %dma_wait3A_43 : memref<1x128xi32, #tpu.memory_space<vmem>> -> memref<128xi32, #tpu.memory_space<vmem>>
    %dma_wait3A_45 = arith.constant 0 : i32
    %dma_wait3A_46 = arith.constant 0 : i32
    %dma_wait3A_47 = tpu.memref_slice %arg2[%dma_wait3A_45, %dma_wait3A_46] : memref<10240x128xf32, #tpu.memory_space<hbm>> -> memref<10240x128xf32, #tpu.memory_space<hbm>>
    tpu.wait_indirect_dma semaphore(%arg11 : memref<!tpu.dma_semaphore, #tpu.memory_space<semaphore_mem>>) src(%dma_wait3A_47 : memref<10240x128xf32, #tpu.memory_space<hbm>>) dst(%dma_wait3A_41 : memref<128x128xf32, #tpu.memory_space<vmem>>)
    %dma_wait3A_48 = arith.constant 0 : i32
    %dma_wait3A_49 = arith.constant 0 : i32
    %dma_wait3A_50 = arith.constant 0 : i32
    %dma_wait3A_51 = arith.constant 0 : i32
    %dma_wait3A_52 = tpu.memref_slice %arg8[%dma_wait3A_50, %dma_wait3A_51] : memref<2x128xi32, #tpu.memory_space<vmem>> -> memref<1x128xi32, #tpu.memory_space<vmem>>
    %dma_wait3A_53 = tpu.memref_squeeze %dma_wait3A_52 : memref<1x128xi32, #tpu.memory_space<vmem>> -> memref<128xi32, #tpu.memory_space<vmem>>
    %dma_wait3A_54 = arith.constant 0 : i32
    %dma_wait3A_55 = tpu.memref_slice %arg4[%dma_wait3A_48, %dma_wait3A_49, %dma_wait3A_54] : memref<32x79x128xi32, #tpu.memory_space<hbm>> -> memref<1x1x128xi32, #tpu.memory_space<hbm>>
    %dma_wait3A_56 = tpu.memref_squeeze %dma_wait3A_55 : memref<1x1x128xi32, #tpu.memory_space<hbm>> -> memref<128xi32, #tpu.memory_space<hbm>>
    %dma_wait3A_57 = arith.constant 0 : i32
    %dma_wait3A_58 = tpu.memref_slice %arg8[%dma_wait3A_50, %dma_wait3A_57] : memref<2x128xi32, #tpu.memory_space<vmem>> -> memref<1x128xi32, #tpu.memory_space<vmem>>
    %dma_wait3A_59 = tpu.memref_squeeze %dma_wait3A_58 : memref<1x128xi32, #tpu.memory_space<vmem>> -> memref<128xi32, #tpu.memory_space<vmem>>
    %dma_wait3A_60 = arith.constant 0 : i32
    %dma_wait3A_61 = tpu.memref_slice %arg4[%dma_wait3A_48, %dma_wait3A_49, %dma_wait3A_60] : memref<32x79x128xi32, #tpu.memory_space<hbm>> -> memref<1x1x128xi32, #tpu.memory_space<hbm>>
    %dma_wait3A_62 = tpu.memref_squeeze %dma_wait3A_61 : memref<1x1x128xi32, #tpu.memory_space<hbm>> -> memref<128xi32, #tpu.memory_space<hbm>>
    tpu.wait_dma2 semaphore(%arg11 : memref<!tpu.dma_semaphore, #tpu.memory_space<semaphore_mem>>) src(%dma_wait3A_62 : memref<128xi32, #tpu.memory_space<hbm>>) dst(%dma_wait3A_59 : memref<128xi32, #tpu.memory_space<vmem>>)
    %run_scoped3A = arith.constant 0 : i32
    %run_scoped3A_63 = arith.constant 0 : i32
    "tpu.region"() ({
      %run_scoped3A_69 = tpu.sem_alloc : memref<!tpu.dma_semaphore, #tpu.memory_space<semaphore_mem>>
      %dma_start3A_70 = arith.constant 0 : i32
      %dma_start3A_71 = arith.constant 0 : i32
      %dma_start3A_72 = tpu.memref_slice %arg9[%run_scoped3A, %dma_start3A_70, %dma_start3A_71] : memref<2x128x128xf32, #tpu.memory_space<vmem>> -> memref<1x128x128xf32, #tpu.memory_space<vmem>>
      %dma_start3A_73 = tpu.memref_squeeze %dma_start3A_72 : memref<1x128x128xf32, #tpu.memory_space<vmem>> -> memref<128x128xf32, #tpu.memory_space<vmem>>
      %dma_start3A_74 = arith.constant 0 : i32
      %dma_start3A_75 = tpu.memref_slice %arg8[%run_scoped3A_63, %dma_start3A_74] : memref<2x128xi32, #tpu.memory_space<vmem>> -> memref<1x128xi32, #tpu.memory_space<vmem>>
      %dma_start3A_76 = tpu.memref_squeeze %dma_start3A_75 : memref<1x128xi32, #tpu.memory_space<vmem>> -> memref<128xi32, #tpu.memory_space<vmem>>
      %dma_start3A_77 = arith.constant 0 : i32
      %dma_start3A_78 = arith.constant 0 : i32
      %dma_start3A_79 = tpu.memref_slice %arg10[%dma_start3A_77, %dma_start3A_78] : memref<10112x128xf32, #tpu.memory_space<vmem_shared>> -> memref<10112x128xf32, #tpu.memory_space<vmem_shared>>
      tpu.enqueue_indirect_dma source(%dma_start3A_73 : memref<128x128xf32, #tpu.memory_space<vmem>>) target(%dma_start3A_79 : memref<10112x128xf32, #tpu.memory_space<vmem_shared>>) offsets(%dma_start3A_76 : memref<128xi32, #tpu.memory_space<vmem>>) semaphore(%run_scoped3A_69 : memref<!tpu.dma_semaphore, #tpu.memory_space<semaphore_mem>>) {add = true}
      %dma_wait3A_80 = arith.constant 0 : i32
      %dma_wait3A_81 = arith.constant 0 : i32
      %dma_wait3A_82 = tpu.memref_slice %arg9[%run_scoped3A, %dma_wait3A_80, %dma_wait3A_81] : memref<2x128x128xf32, #tpu.memory_space<vmem>> -> memref<1x128x128xf32, #tpu.memory_space<vmem>>
      %dma_wait3A_83 = tpu.memref_squeeze %dma_wait3A_82 : memref<1x128x128xf32, #tpu.memory_space<vmem>> -> memref<128x128xf32, #tpu.memory_space<vmem>>
      %dma_wait3A_84 = arith.constant 0 : i32
      %dma_wait3A_85 = tpu.memref_slice %arg8[%run_scoped3A_63, %dma_wait3A_84] : memref<2x128xi32, #tpu.memory_space<vmem>> -> memref<1x128xi32, #tpu.memory_space<vmem>>
      %dma_wait3A_86 = tpu.memref_squeeze %dma_wait3A_85 : memref<1x128xi32, #tpu.memory_space<vmem>> -> memref<128xi32, #tpu.memory_space<vmem>>
      %dma_wait3A_87 = arith.constant 0 : i32
      %dma_wait3A_88 = arith.constant 0 : i32
      %dma_wait3A_89 = tpu.memref_slice %arg10[%dma_wait3A_87, %dma_wait3A_88] : memref<10112x128xf32, #tpu.memory_space<vmem_shared>> -> memref<10112x128xf32, #tpu.memory_space<vmem_shared>>
      tpu.wait_indirect_dma semaphore(%run_scoped3A_69 : memref<!tpu.dma_semaphore, #tpu.memory_space<semaphore_mem>>) src(%dma_wait3A_83 : memref<128x128xf32, #tpu.memory_space<vmem>>) dst(%dma_wait3A_89 : memref<10112x128xf32, #tpu.memory_space<vmem_shared>>)
      tpu.yield
    }) : () -> ()
    %barrier3A_64 = arith.constant 0 : index
    tpu.barrier barrier_id(%barrier3A_64)
    %mul3A_65 = arith.constant 632 : i32
    %mul3A_66 = arith.muli %arg1, %mul3A_65 : i32
    %mul3A_67 = arith.constant 632 : i32
    %mul3A_68 = arith.muli %arg1, %mul3A_67 : i32
    "tpu.region"() ({
      %run_scoped3A_69 = tpu.sem_alloc : memref<!tpu.dma_semaphore, #tpu.memory_space<semaphore_mem>>
      %dma_start3A_70 = arith.constant 0 : i32
      %dma_start3A_71 = tpu.memref_slice %arg6[%arg0, %mul3A_68, %dma_start3A_70] : memref<2x10240x128xf32, #tpu.memory_space<hbm>> -> memref<1x632x128xf32, #tpu.memory_space<hbm>>
      %dma_start3A_72 = tpu.memref_squeeze %dma_start3A_71 : memref<1x632x128xf32, #tpu.memory_space<hbm>> -> memref<632x128xf32, #tpu.memory_space<hbm>>
      %dma_start3A_73 = arith.constant 0 : i32
      %dma_start3A_74 = tpu.memref_slice %arg10[%mul3A_66, %dma_start3A_73] : memref<10112x128xf32, #tpu.memory_space<vmem_shared>> -> memref<632x128xf32, #tpu.memory_space<vmem_shared>>
      tpu.enqueue_dma source(%dma_start3A_74 : memref<632x128xf32, #tpu.memory_space<vmem_shared>>) target(%dma_start3A_72 : memref<632x128xf32, #tpu.memory_space<hbm>>) target_semaphore(%run_scoped3A_69 : memref<!tpu.dma_semaphore, #tpu.memory_space<semaphore_mem>>)
      %dma_wait3A_75 = arith.constant 0 : i32
      %dma_wait3A_76 = tpu.memref_slice %arg6[%arg0, %mul3A_68, %dma_wait3A_75] : memref<2x10240x128xf32, #tpu.memory_space<hbm>> -> memref<1x632x128xf32, #tpu.memory_space<hbm>>
      %dma_wait3A_77 = tpu.memref_squeeze %dma_wait3A_76 : memref<1x632x128xf32, #tpu.memory_space<hbm>> -> memref<632x128xf32, #tpu.memory_space<hbm>>
      %dma_wait3A_78 = arith.constant 0 : i32
      %dma_wait3A_79 = tpu.memref_slice %arg10[%mul3A_66, %dma_wait3A_78] : memref<10112x128xf32, #tpu.memory_space<vmem_shared>> -> memref<632x128xf32, #tpu.memory_space<vmem_shared>>
      tpu.wait_dma2 semaphore(%run_scoped3A_69 : memref<!tpu.dma_semaphore, #tpu.memory_space<semaphore_mem>>) src(%dma_wait3A_79 : memref<632x128xf32, #tpu.memory_space<vmem_shared>>) dst(%dma_wait3A_77 : memref<632x128xf32, #tpu.memory_space<hbm>>)
      tpu.yield
    }) : () -> ()
    return
  }
}

#map = affine_map<(d0, d1) -> (0, 0, 0)>
#map1 = affine_map<(d0, d1) -> (0)>
module attributes {stable_mosaic.version = 14 : i64} {
  func.func @_deg_kernel(%arg0: i32, %arg1: i32, %arg2: memref<32x79x128xi32, #tpu.memory_space<hbm>>, %arg3: memref<128xf32, #tpu.memory_space<hbm>>, %arg4: memref<10240xf32, #tpu.memory_space<hbm>>, %arg5: memref<20480xf32, #tpu.memory_space<hbm>>, %arg6: memref<79x128xi32, #tpu.memory_space<vmem>>, %arg7: memref<128xf32, #tpu.memory_space<vmem>>, %arg8: memref<10240xf32, #tpu.memory_space<vmem_shared>>, %arg9: memref<!tpu.dma_semaphore, #tpu.memory_space<semaphore_mem>>, %arg10: memref<!tpu.dma_semaphore, #tpu.memory_space<semaphore_mem>>) attributes {dimension_semantics = [#tpu.dimension_semantics<core_parallel>, #tpu.dimension_semantics<subcore_parallel>], iteration_bounds = array<i64: 2, 16>, scalar_prefetch = 0 : i64, scratch_operands = 5 : i64, tpu.core_type = #tpu.core_type<sc_vector_subcore>, window_params = [{transform_indices = #map}, {transform_indices = #map1}, {transform_indices = #map1}, {transform_indices = #map1}]} {
    %mul3A = arith.constant 16 : i32
    %mul3A_0 = arith.muli %arg0, %mul3A : i32
    %add3A = arith.addi %mul3A_0, %arg1 : i32
    %mul3A_1 = arith.constant 640 : i32
    %mul3A_2 = arith.muli %arg1, %mul3A_1 : i32
    %mul3A_3 = arith.constant 640 : i32
    %mul3A_4 = arith.muli %arg1, %mul3A_3 : i32
    "tpu.region"() ({
      %run_scoped3A = tpu.sem_alloc : memref<!tpu.dma_semaphore, #tpu.memory_space<semaphore_mem>>
      %dma_start3A_28 = tpu.memref_slice %arg8[%mul3A_4] : memref<10240xf32, #tpu.memory_space<vmem_shared>> -> memref<640xf32, #tpu.memory_space<vmem_shared>>
      %dma_start3A_29 = tpu.memref_slice %arg4[%mul3A_2] : memref<10240xf32, #tpu.memory_space<hbm>> -> memref<640xf32, #tpu.memory_space<hbm>>
      tpu.enqueue_dma source(%dma_start3A_29 : memref<640xf32, #tpu.memory_space<hbm>>) target(%dma_start3A_28 : memref<640xf32, #tpu.memory_space<vmem_shared>>) target_semaphore(%run_scoped3A : memref<!tpu.dma_semaphore, #tpu.memory_space<semaphore_mem>>)
      %dma_wait3A_30 = tpu.memref_slice %arg8[%mul3A_4] : memref<10240xf32, #tpu.memory_space<vmem_shared>> -> memref<640xf32, #tpu.memory_space<vmem_shared>>
      %dma_wait3A_31 = tpu.memref_slice %arg4[%mul3A_2] : memref<10240xf32, #tpu.memory_space<hbm>> -> memref<640xf32, #tpu.memory_space<hbm>>
      tpu.wait_dma2 semaphore(%run_scoped3A : memref<!tpu.dma_semaphore, #tpu.memory_space<semaphore_mem>>) src(%dma_wait3A_31 : memref<640xf32, #tpu.memory_space<hbm>>) dst(%dma_wait3A_30 : memref<640xf32, #tpu.memory_space<vmem_shared>>)
      tpu.yield
    }) : () -> ()
    "tpu.region"() ({
      %run_scoped3A = tpu.sem_alloc : memref<!tpu.dma_semaphore, #tpu.memory_space<semaphore_mem>>
      tpu.enqueue_dma source(%arg3 : memref<128xf32, #tpu.memory_space<hbm>>) target(%arg7 : memref<128xf32, #tpu.memory_space<vmem>>) target_semaphore(%run_scoped3A : memref<!tpu.dma_semaphore, #tpu.memory_space<semaphore_mem>>)
      tpu.wait_dma2 semaphore(%run_scoped3A : memref<!tpu.dma_semaphore, #tpu.memory_space<semaphore_mem>>) src(%arg3 : memref<128xf32, #tpu.memory_space<hbm>>) dst(%arg7 : memref<128xf32, #tpu.memory_space<vmem>>)
      tpu.yield
    }) : () -> ()
    "tpu.region"() ({
      %run_scoped3A = tpu.sem_alloc : memref<!tpu.dma_semaphore, #tpu.memory_space<semaphore_mem>>
      %dma_start3A_28 = arith.constant 0 : i32
      %dma_start3A_29 = arith.constant 0 : i32
      %dma_start3A_30 = tpu.memref_slice %arg2[%add3A, %dma_start3A_28, %dma_start3A_29] : memref<32x79x128xi32, #tpu.memory_space<hbm>> -> memref<1x79x128xi32, #tpu.memory_space<hbm>>
      %dma_start3A_31 = tpu.memref_squeeze %dma_start3A_30 : memref<1x79x128xi32, #tpu.memory_space<hbm>> -> memref<79x128xi32, #tpu.memory_space<hbm>>
      %dma_start3A_32 = arith.constant 0 : i32
      %dma_start3A_33 = arith.constant 0 : i32
      %dma_start3A_34 = tpu.memref_slice %arg2[%add3A, %dma_start3A_32, %dma_start3A_33] : memref<32x79x128xi32, #tpu.memory_space<hbm>> -> memref<1x79x128xi32, #tpu.memory_space<hbm>>
      %dma_start3A_35 = tpu.memref_squeeze %dma_start3A_34 : memref<1x79x128xi32, #tpu.memory_space<hbm>> -> memref<79x128xi32, #tpu.memory_space<hbm>>
      tpu.enqueue_dma source(%dma_start3A_35 : memref<79x128xi32, #tpu.memory_space<hbm>>) target(%arg6 : memref<79x128xi32, #tpu.memory_space<vmem>>) target_semaphore(%run_scoped3A : memref<!tpu.dma_semaphore, #tpu.memory_space<semaphore_mem>>)
      %dma_wait3A_36 = arith.constant 0 : i32
      %dma_wait3A_37 = arith.constant 0 : i32
      %dma_wait3A_38 = tpu.memref_slice %arg2[%add3A, %dma_wait3A_36, %dma_wait3A_37] : memref<32x79x128xi32, #tpu.memory_space<hbm>> -> memref<1x79x128xi32, #tpu.memory_space<hbm>>
      %dma_wait3A_39 = tpu.memref_squeeze %dma_wait3A_38 : memref<1x79x128xi32, #tpu.memory_space<hbm>> -> memref<79x128xi32, #tpu.memory_space<hbm>>
      %dma_wait3A_40 = arith.constant 0 : i32
      %dma_wait3A_41 = arith.constant 0 : i32
      %dma_wait3A_42 = tpu.memref_slice %arg2[%add3A, %dma_wait3A_40, %dma_wait3A_41] : memref<32x79x128xi32, #tpu.memory_space<hbm>> -> memref<1x79x128xi32, #tpu.memory_space<hbm>>
      %dma_wait3A_43 = tpu.memref_squeeze %dma_wait3A_42 : memref<1x79x128xi32, #tpu.memory_space<hbm>> -> memref<79x128xi32, #tpu.memory_space<hbm>>
      tpu.wait_dma2 semaphore(%run_scoped3A : memref<!tpu.dma_semaphore, #tpu.memory_space<semaphore_mem>>) src(%dma_wait3A_43 : memref<79x128xi32, #tpu.memory_space<hbm>>) dst(%arg6 : memref<79x128xi32, #tpu.memory_space<vmem>>)
      tpu.yield
    }) : () -> ()
    %barrier3A = arith.constant 0 : index
    tpu.barrier barrier_id(%barrier3A)
    %dma_start3A = arith.constant 0 : i32
    %dma_start3A_5 = arith.constant 0 : i32
    %dma_start3A_6 = tpu.memref_slice %arg6[%dma_start3A, %dma_start3A_5] : memref<79x128xi32, #tpu.memory_space<vmem>> -> memref<1x128xi32, #tpu.memory_space<vmem>>
    %dma_start3A_7 = tpu.memref_squeeze %dma_start3A_6 : memref<1x128xi32, #tpu.memory_space<vmem>> -> memref<128xi32, #tpu.memory_space<vmem>>
    %dma_start3A_8 = arith.constant 0 : i32
    %dma_start3A_9 = tpu.memref_slice %arg8[%dma_start3A_8] : memref<10240xf32, #tpu.memory_space<vmem_shared>> -> memref<10240xf32, #tpu.memory_space<vmem_shared>>
    tpu.enqueue_indirect_dma source(%arg7 : memref<128xf32, #tpu.memory_space<vmem>>) target(%dma_start3A_9 : memref<10240xf32, #tpu.memory_space<vmem_shared>>) offsets(%dma_start3A_7 : memref<128xi32, #tpu.memory_space<vmem>>) semaphore(%arg9 : memref<!tpu.dma_semaphore, #tpu.memory_space<semaphore_mem>>) {add = true}
    %scan3A = arith.constant 0 : i32
    %scan3A_10 = arith.constant 0 : i32
    %scan3A_11 = arith.constant 39 : i32
    %scan3A_12 = arith.addi %scan3A_10, %scan3A_11 : i32
    %scan3A_13 = arith.constant 1 : i32
    scf.for %scan3A_28 = %scan3A_10 to %scan3A_12 step %scan3A_13  : i32 {
      %mul3A_29 = arith.constant 2 : i32
      %mul3A_30 = arith.muli %mul3A_29, %scan3A_28 : i32
      %add3A_31 = arith.constant 1 : i32
      %add3A_32 = arith.addi %mul3A_30, %add3A_31 : i32
      %dma_start3A_33 = arith.constant 0 : i32
      %dma_start3A_34 = tpu.memref_slice %arg6[%add3A_32, %dma_start3A_33] : memref<79x128xi32, #tpu.memory_space<vmem>> -> memref<1x128xi32, #tpu.memory_space<vmem>>
      %dma_start3A_35 = tpu.memref_squeeze %dma_start3A_34 : memref<1x128xi32, #tpu.memory_space<vmem>> -> memref<128xi32, #tpu.memory_space<vmem>>
      %dma_start3A_36 = arith.constant 0 : i32
      %dma_start3A_37 = tpu.memref_slice %arg8[%dma_start3A_36] : memref<10240xf32, #tpu.memory_space<vmem_shared>> -> memref<10240xf32, #tpu.memory_space<vmem_shared>>
      tpu.enqueue_indirect_dma source(%arg7 : memref<128xf32, #tpu.memory_space<vmem>>) target(%dma_start3A_37 : memref<10240xf32, #tpu.memory_space<vmem_shared>>) offsets(%dma_start3A_35 : memref<128xi32, #tpu.memory_space<vmem>>) semaphore(%arg10 : memref<!tpu.dma_semaphore, #tpu.memory_space<semaphore_mem>>) {add = true}
      %dma_wait3A_38 = arith.constant 0 : i32
      %dma_wait3A_39 = arith.constant 0 : i32
      %dma_wait3A_40 = tpu.memref_slice %arg6[%dma_wait3A_38, %dma_wait3A_39] : memref<79x128xi32, #tpu.memory_space<vmem>> -> memref<1x128xi32, #tpu.memory_space<vmem>>
      %dma_wait3A_41 = tpu.memref_squeeze %dma_wait3A_40 : memref<1x128xi32, #tpu.memory_space<vmem>> -> memref<128xi32, #tpu.memory_space<vmem>>
      %dma_wait3A_42 = arith.constant 0 : i32
      %dma_wait3A_43 = tpu.memref_slice %arg8[%dma_wait3A_42] : memref<10240xf32, #tpu.memory_space<vmem_shared>> -> memref<10240xf32, #tpu.memory_space<vmem_shared>>
      tpu.wait_indirect_dma semaphore(%arg9 : memref<!tpu.dma_semaphore, #tpu.memory_space<semaphore_mem>>) src(%arg7 : memref<128xf32, #tpu.memory_space<vmem>>) dst(%dma_wait3A_43 : memref<10240xf32, #tpu.memory_space<vmem_shared>>)
      %add3A_44 = arith.constant 2 : i32
      %add3A_45 = arith.addi %mul3A_30, %add3A_44 : i32
      %dma_start3A_46 = arith.constant 0 : i32
      %dma_start3A_47 = tpu.memref_slice %arg6[%add3A_45, %dma_start3A_46] : memref<79x128xi32, #tpu.memory_space<vmem>> -> memref<1x128xi32, #tpu.memory_space<vmem>>
      %dma_start3A_48 = tpu.memref_squeeze %dma_start3A_47 : memref<1x128xi32, #tpu.memory_space<vmem>> -> memref<128xi32, #tpu.memory_space<vmem>>
      %dma_start3A_49 = arith.constant 0 : i32
      %dma_start3A_50 = tpu.memref_slice %arg8[%dma_start3A_49] : memref<10240xf32, #tpu.memory_space<vmem_shared>> -> memref<10240xf32, #tpu.memory_space<vmem_shared>>
      tpu.enqueue_indirect_dma source(%arg7 : memref<128xf32, #tpu.memory_space<vmem>>) target(%dma_start3A_50 : memref<10240xf32, #tpu.memory_space<vmem_shared>>) offsets(%dma_start3A_48 : memref<128xi32, #tpu.memory_space<vmem>>) semaphore(%arg9 : memref<!tpu.dma_semaphore, #tpu.memory_space<semaphore_mem>>) {add = true}
      %dma_wait3A_51 = arith.constant 0 : i32
      %dma_wait3A_52 = arith.constant 0 : i32
      %dma_wait3A_53 = tpu.memref_slice %arg6[%dma_wait3A_51, %dma_wait3A_52] : memref<79x128xi32, #tpu.memory_space<vmem>> -> memref<1x128xi32, #tpu.memory_space<vmem>>
      %dma_wait3A_54 = tpu.memref_squeeze %dma_wait3A_53 : memref<1x128xi32, #tpu.memory_space<vmem>> -> memref<128xi32, #tpu.memory_space<vmem>>
      %dma_wait3A_55 = arith.constant 0 : i32
      %dma_wait3A_56 = tpu.memref_slice %arg8[%dma_wait3A_55] : memref<10240xf32, #tpu.memory_space<vmem_shared>> -> memref<10240xf32, #tpu.memory_space<vmem_shared>>
      tpu.wait_indirect_dma semaphore(%arg10 : memref<!tpu.dma_semaphore, #tpu.memory_space<semaphore_mem>>) src(%arg7 : memref<128xf32, #tpu.memory_space<vmem>>) dst(%dma_wait3A_56 : memref<10240xf32, #tpu.memory_space<vmem_shared>>)
    }
    %scan3A_14 = arith.constant 39 : i32
    %dma_wait3A = arith.constant 0 : i32
    %dma_wait3A_15 = arith.constant 0 : i32
    %dma_wait3A_16 = tpu.memref_slice %arg6[%dma_wait3A, %dma_wait3A_15] : memref<79x128xi32, #tpu.memory_space<vmem>> -> memref<1x128xi32, #tpu.memory_space<vmem>>
    %dma_wait3A_17 = tpu.memref_squeeze %dma_wait3A_16 : memref<1x128xi32, #tpu.memory_space<vmem>> -> memref<128xi32, #tpu.memory_space<vmem>>
    %dma_wait3A_18 = arith.constant 0 : i32
    %dma_wait3A_19 = tpu.memref_slice %arg8[%dma_wait3A_18] : memref<10240xf32, #tpu.memory_space<vmem_shared>> -> memref<10240xf32, #tpu.memory_space<vmem_shared>>
    tpu.wait_indirect_dma semaphore(%arg9 : memref<!tpu.dma_semaphore, #tpu.memory_space<semaphore_mem>>) src(%arg7 : memref<128xf32, #tpu.memory_space<vmem>>) dst(%dma_wait3A_19 : memref<10240xf32, #tpu.memory_space<vmem_shared>>)
    %barrier3A_20 = arith.constant 0 : index
    tpu.barrier barrier_id(%barrier3A_20)
    %mul3A_21 = arith.constant 640 : i32
    %mul3A_22 = arith.muli %arg1, %mul3A_21 : i32
    %mul3A_23 = arith.constant 10240 : i32
    %mul3A_24 = arith.muli %arg0, %mul3A_23 : i32
    %mul3A_25 = arith.constant 640 : i32
    %mul3A_26 = arith.muli %arg1, %mul3A_25 : i32
    %add3A_27 = arith.addi %mul3A_24, %mul3A_26 : i32
    "tpu.region"() ({
      %run_scoped3A = tpu.sem_alloc : memref<!tpu.dma_semaphore, #tpu.memory_space<semaphore_mem>>
      %dma_start3A_28 = tpu.memref_slice %arg5[%add3A_27] : memref<20480xf32, #tpu.memory_space<hbm>> -> memref<640xf32, #tpu.memory_space<hbm>>
      %dma_start3A_29 = tpu.memref_slice %arg8[%mul3A_22] : memref<10240xf32, #tpu.memory_space<vmem_shared>> -> memref<640xf32, #tpu.memory_space<vmem_shared>>
      tpu.enqueue_dma source(%dma_start3A_29 : memref<640xf32, #tpu.memory_space<vmem_shared>>) target(%dma_start3A_28 : memref<640xf32, #tpu.memory_space<hbm>>) target_semaphore(%run_scoped3A : memref<!tpu.dma_semaphore, #tpu.memory_space<semaphore_mem>>)
      %dma_wait3A_30 = tpu.memref_slice %arg5[%add3A_27] : memref<20480xf32, #tpu.memory_space<hbm>> -> memref<640xf32, #tpu.memory_space<hbm>>
      %dma_wait3A_31 = tpu.memref_slice %arg8[%mul3A_22] : memref<10240xf32, #tpu.memory_space<vmem_shared>> -> memref<640xf32, #tpu.memory_space<vmem_shared>>
      tpu.wait_dma2 semaphore(%run_scoped3A : memref<!tpu.dma_semaphore, #tpu.memory_space<semaphore_mem>>) src(%dma_wait3A_31 : memref<640xf32, #tpu.memory_space<vmem_shared>>) dst(%dma_wait3A_30 : memref<640xf32, #tpu.memory_space<hbm>>)
      tpu.yield
    }) : () -> ()
    return
  }
}

#map = affine_map<(d0, d1) -> (0, 0)>
#map1 = affine_map<(d0, d1) -> (0, 0, 0)>
module attributes {stable_mosaic.version = 14 : i64} {
  func.func @_scat_kernel(%arg0: i32, %arg1: i32, %arg2: memref<10240x128xf32, #tpu.memory_space<hbm>>, %arg3: memref<32x79x128xi32, #tpu.memory_space<hbm>>, %arg4: memref<32x79x128xi32, #tpu.memory_space<hbm>>, %arg5: memref<10112x128xf32, #tpu.memory_space<hbm>>, %arg6: memref<2x10240x128xf32, #tpu.memory_space<hbm>>, %arg7: memref<79x128xi32, #tpu.memory_space<vmem>>, %arg8: memref<2x128xi32, #tpu.memory_space<vmem>>, %arg9: memref<2x128x128xf32, #tpu.memory_space<vmem>>, %arg10: memref<10112x128xf32, #tpu.memory_space<vmem_shared>>, %arg11: memref<!tpu.dma_semaphore, #tpu.memory_space<semaphore_mem>>, %arg12: memref<!tpu.dma_semaphore, #tpu.memory_space<semaphore_mem>>) attributes {dimension_semantics = [#tpu.dimension_semantics<core_parallel>, #tpu.dimension_semantics<subcore_parallel>], iteration_bounds = array<i64: 2, 16>, scalar_prefetch = 0 : i64, scratch_operands = 6 : i64, tpu.core_type = #tpu.core_type<sc_vector_subcore>, window_params = [{transform_indices = #map}, {transform_indices = #map1}, {transform_indices = #map1}, {transform_indices = #map}, {transform_indices = #map1}]} {
    %mul3A = arith.constant 16 : i32
    %mul3A_0 = arith.muli %arg0, %mul3A : i32
    %add3A = arith.addi %mul3A_0, %arg1 : i32
    %eq3A = arith.constant 0 : i32
    %eq3A_1 = arith.cmpi eq, %arg0, %eq3A : i32
    %convert_element_type3A = arith.extui %eq3A_1 : i1 to i32
    %cond3A = arith.constant 0 : i32
    %cond3A_2 = arith.cmpi ne, %convert_element_type3A, %cond3A : i32
    scf.if %cond3A_2 {
      %mul3A_69 = arith.constant 632 : i32
      %mul3A_70 = arith.muli %arg1, %mul3A_69 : i32
      %mul3A_71 = arith.constant 632 : i32
      %mul3A_72 = arith.muli %arg1, %mul3A_71 : i32
      "tpu.region"() ({
        %run_scoped3A_73 = tpu.sem_alloc : memref<!tpu.dma_semaphore, #tpu.memory_space<semaphore_mem>>
        %dma_start3A_74 = arith.constant 0 : i32
        %dma_start3A_75 = tpu.memref_slice %arg10[%mul3A_72, %dma_start3A_74] : memref<10112x128xf32, #tpu.memory_space<vmem_shared>> -> memref<632x128xf32, #tpu.memory_space<vmem_shared>>
        %dma_start3A_76 = arith.constant 0 : i32
        %dma_start3A_77 = tpu.memref_slice %arg2[%mul3A_70, %dma_start3A_76] : memref<10240x128xf32, #tpu.memory_space<hbm>> -> memref<632x128xf32, #tpu.memory_space<hbm>>
        tpu.enqueue_dma source(%dma_start3A_77 : memref<632x128xf32, #tpu.memory_space<hbm>>) target(%dma_start3A_75 : memref<632x128xf32, #tpu.memory_space<vmem_shared>>) target_semaphore(%run_scoped3A_73 : memref<!tpu.dma_semaphore, #tpu.memory_space<semaphore_mem>>)
        %dma_wait3A_78 = arith.constant 0 : i32
        %dma_wait3A_79 = tpu.memref_slice %arg10[%mul3A_72, %dma_wait3A_78] : memref<10112x128xf32, #tpu.memory_space<vmem_shared>> -> memref<632x128xf32, #tpu.memory_space<vmem_shared>>
        %dma_wait3A_80 = arith.constant 0 : i32
        %dma_wait3A_81 = tpu.memref_slice %arg2[%mul3A_70, %dma_wait3A_80] : memref<10240x128xf32, #tpu.memory_space<hbm>> -> memref<632x128xf32, #tpu.memory_space<hbm>>
        tpu.wait_dma2 semaphore(%run_scoped3A_73 : memref<!tpu.dma_semaphore, #tpu.memory_space<semaphore_mem>>) src(%dma_wait3A_81 : memref<632x128xf32, #tpu.memory_space<hbm>>) dst(%dma_wait3A_79 : memref<632x128xf32, #tpu.memory_space<vmem_shared>>)
        tpu.yield
      }) : () -> ()
    } else {
    }
    %ne3A = arith.constant 0 : i32
    %ne3A_3 = arith.cmpi ne, %arg0, %ne3A : i32
    %convert_element_type3A_4 = arith.extui %ne3A_3 : i1 to i32
    %cond3A_5 = arith.constant 0 : i32
    %cond3A_6 = arith.cmpi ne, %convert_element_type3A_4, %cond3A_5 : i32
    scf.if %cond3A_6 {
      %mul3A_69 = arith.constant 632 : i32
      %mul3A_70 = arith.muli %arg1, %mul3A_69 : i32
      %mul3A_71 = arith.constant 632 : i32
      %mul3A_72 = arith.muli %arg1, %mul3A_71 : i32
      "tpu.region"() ({
        %run_scoped3A_73 = tpu.sem_alloc : memref<!tpu.dma_semaphore, #tpu.memory_space<semaphore_mem>>
        %dma_start3A_74 = arith.constant 0 : i32
        %dma_start3A_75 = tpu.memref_slice %arg10[%mul3A_72, %dma_start3A_74] : memref<10112x128xf32, #tpu.memory_space<vmem_shared>> -> memref<632x128xf32, #tpu.memory_space<vmem_shared>>
        %dma_start3A_76 = arith.constant 0 : i32
        %dma_start3A_77 = tpu.memref_slice %arg5[%mul3A_70, %dma_start3A_76] : memref<10112x128xf32, #tpu.memory_space<hbm>> -> memref<632x128xf32, #tpu.memory_space<hbm>>
        tpu.enqueue_dma source(%dma_start3A_77 : memref<632x128xf32, #tpu.memory_space<hbm>>) target(%dma_start3A_75 : memref<632x128xf32, #tpu.memory_space<vmem_shared>>) target_semaphore(%run_scoped3A_73 : memref<!tpu.dma_semaphore, #tpu.memory_space<semaphore_mem>>)
        %dma_wait3A_78 = arith.constant 0 : i32
        %dma_wait3A_79 = tpu.memref_slice %arg10[%mul3A_72, %dma_wait3A_78] : memref<10112x128xf32, #tpu.memory_space<vmem_shared>> -> memref<632x128xf32, #tpu.memory_space<vmem_shared>>
        %dma_wait3A_80 = arith.constant 0 : i32
        %dma_wait3A_81 = tpu.memref_slice %arg5[%mul3A_70, %dma_wait3A_80] : memref<10112x128xf32, #tpu.memory_space<hbm>> -> memref<632x128xf32, #tpu.memory_space<hbm>>
        tpu.wait_dma2 semaphore(%run_scoped3A_73 : memref<!tpu.dma_semaphore, #tpu.memory_space<semaphore_mem>>) src(%dma_wait3A_81 : memref<632x128xf32, #tpu.memory_space<hbm>>) dst(%dma_wait3A_79 : memref<632x128xf32, #tpu.memory_space<vmem_shared>>)
        tpu.yield
      }) : () -> ()
    } else {
    }
    "tpu.region"() ({
      %run_scoped3A_69 = tpu.sem_alloc : memref<!tpu.dma_semaphore, #tpu.memory_space<semaphore_mem>>
      %dma_start3A_70 = arith.constant 0 : i32
      %dma_start3A_71 = arith.constant 0 : i32
      %dma_start3A_72 = tpu.memref_slice %arg3[%add3A, %dma_start3A_70, %dma_start3A_71] : memref<32x79x128xi32, #tpu.memory_space<hbm>> -> memref<1x79x128xi32, #tpu.memory_space<hbm>>
      %dma_start3A_73 = tpu.memref_squeeze %dma_start3A_72 : memref<1x79x128xi32, #tpu.memory_space<hbm>> -> memref<79x128xi32, #tpu.memory_space<hbm>>
      %dma_start3A_74 = arith.constant 0 : i32
      %dma_start3A_75 = arith.constant 0 : i32
      %dma_start3A_76 = tpu.memref_slice %arg3[%add3A, %dma_start3A_74, %dma_start3A_75] : memref<32x79x128xi32, #tpu.memory_space<hbm>> -> memref<1x79x128xi32, #tpu.memory_space<hbm>>
      %dma_start3A_77 = tpu.memref_squeeze %dma_start3A_76 : memref<1x79x128xi32, #tpu.memory_space<hbm>> -> memref<79x128xi32, #tpu.memory_space<hbm>>
      tpu.enqueue_dma source(%dma_start3A_77 : memref<79x128xi32, #tpu.memory_space<hbm>>) target(%arg7 : memref<79x128xi32, #tpu.memory_space<vmem>>) target_semaphore(%run_scoped3A_69 : memref<!tpu.dma_semaphore, #tpu.memory_space<semaphore_mem>>)
      %dma_wait3A_78 = arith.constant 0 : i32
      %dma_wait3A_79 = arith.constant 0 : i32
      %dma_wait3A_80 = tpu.memref_slice %arg3[%add3A, %dma_wait3A_78, %dma_wait3A_79] : memref<32x79x128xi32, #tpu.memory_space<hbm>> -> memref<1x79x128xi32, #tpu.memory_space<hbm>>
      %dma_wait3A_81 = tpu.memref_squeeze %dma_wait3A_80 : memref<1x79x128xi32, #tpu.memory_space<hbm>> -> memref<79x128xi32, #tpu.memory_space<hbm>>
      %dma_wait3A_82 = arith.constant 0 : i32
      %dma_wait3A_83 = arith.constant 0 : i32
      %dma_wait3A_84 = tpu.memref_slice %arg3[%add3A, %dma_wait3A_82, %dma_wait3A_83] : memref<32x79x128xi32, #tpu.memory_space<hbm>> -> memref<1x79x128xi32, #tpu.memory_space<hbm>>
      %dma_wait3A_85 = tpu.memref_squeeze %dma_wait3A_84 : memref<1x79x128xi32, #tpu.memory_space<hbm>> -> memref<79x128xi32, #tpu.memory_space<hbm>>
      tpu.wait_dma2 semaphore(%run_scoped3A_69 : memref<!tpu.dma_semaphore, #tpu.memory_space<semaphore_mem>>) src(%dma_wait3A_85 : memref<79x128xi32, #tpu.memory_space<hbm>>) dst(%arg7 : memref<79x128xi32, #tpu.memory_space<vmem>>)
      tpu.yield
    }) : () -> ()
    %barrier3A = arith.constant 0 : index
    tpu.barrier barrier_id(%barrier3A)
    %dma_start3A = arith.constant 0 : i32
    %dma_start3A_7 = arith.constant 0 : i32
    %dma_start3A_8 = arith.constant 0 : i32
    %dma_start3A_9 = arith.constant 0 : i32
    %dma_start3A_10 = tpu.memref_slice %arg9[%dma_start3A_7, %dma_start3A_8, %dma_start3A_9] : memref<2x128x128xf32, #tpu.memory_space<vmem>> -> memref<1x128x128xf32, #tpu.memory_space<vmem>>
    %dma_start3A_11 = tpu.memref_squeeze %dma_start3A_10 : memref<1x128x128xf32, #tpu.memory_space<vmem>> -> memref<128x128xf32, #tpu.memory_space<vmem>>
    %dma_start3A_12 = arith.constant 0 : i32
    %dma_start3A_13 = tpu.memref_slice %arg7[%dma_start3A, %dma_start3A_12] : memref<79x128xi32, #tpu.memory_space<vmem>> -> memref<1x128xi32, #tpu.memory_space<vmem>>
    %dma_start3A_14 = tpu.memref_squeeze %dma_start3A_13 : memref<1x128xi32, #tpu.memory_space<vmem>> -> memref<128xi32, #tpu.memory_space<vmem>>
    %dma_start3A_15 = arith.constant 0 : i32
    %dma_start3A_16 = arith.constant 0 : i32
    %dma_start3A_17 = tpu.memref_slice %arg2[%dma_start3A_15, %dma_start3A_16] : memref<10240x128xf32, #tpu.memory_space<hbm>> -> memref<10240x128xf32, #tpu.memory_space<hbm>>
    tpu.enqueue_indirect_dma source(%dma_start3A_17 : memref<10240x128xf32, #tpu.memory_space<hbm>>) target(%dma_start3A_11 : memref<128x128xf32, #tpu.memory_space<vmem>>) offsets(%dma_start3A_14 : memref<128xi32, #tpu.memory_space<vmem>>) semaphore(%arg11 : memref<!tpu.dma_semaphore, #tpu.memory_space<semaphore_mem>>)
    %dma_start3A_18 = arith.constant 0 : i32
    %dma_start3A_19 = arith.constant 0 : i32
    %dma_start3A_20 = arith.constant 0 : i32
    %dma_start3A_21 = tpu.memref_slice %arg8[%dma_start3A_19, %dma_start3A_20] : memref<2x128xi32, #tpu.memory_space<vmem>> -> memref<1x128xi32, #tpu.memory_space<vmem>>
    %dma_start3A_22 = tpu.memref_squeeze %dma_start3A_21 : memref<1x128xi32, #tpu.memory_space<vmem>> -> memref<128xi32, #tpu.memory_space<vmem>>
    %dma_start3A_23 = arith.constant 0 : i32
    %dma_start3A_24 = tpu.memref_slice %arg4[%add3A, %dma_start3A_18, %dma_start3A_23] : memref<32x79x128xi32, #tpu.memory_space<hbm>> -> memref<1x1x128xi32, #tpu.memory_space<hbm>>
    %dma_start3A_25 = tpu.memref_squeeze %dma_start3A_24 : memref<1x1x128xi32, #tpu.memory_space<hbm>> -> memref<128xi32, #tpu.memory_space<hbm>>
    %dma_start3A_26 = arith.constant 0 : i32
    %dma_start3A_27 = tpu.memref_slice %arg8[%dma_start3A_19, %dma_start3A_26] : memref<2x128xi32, #tpu.memory_space<vmem>> -> memref<1x128xi32, #tpu.memory_space<vmem>>
    %dma_start3A_28 = tpu.memref_squeeze %dma_start3A_27 : memref<1x128xi32, #tpu.memory_space<vmem>> -> memref<128xi32, #tpu.memory_space<vmem>>
    %dma_start3A_29 = arith.constant 0 : i32
    %dma_start3A_30 = tpu.memref_slice %arg4[%add3A, %dma_start3A_18, %dma_start3A_29] : memref<32x79x128xi32, #tpu.memory_space<hbm>> -> memref<1x1x128xi32, #tpu.memory_space<hbm>>
    %dma_start3A_31 = tpu.memref_squeeze %dma_start3A_30 : memref<1x1x128xi32, #tpu.memory_space<hbm>> -> memref<128xi32, #tpu.memory_space<hbm>>
    tpu.enqueue_dma source(%dma_start3A_31 : memref<128xi32, #tpu.memory_space<hbm>>) target(%dma_start3A_28 : memref<128xi32, #tpu.memory_space<vmem>>) target_semaphore(%arg11 : memref<!tpu.dma_semaphore, #tpu.memory_space<semaphore_mem>>)
    %scan3A = arith.constant 0 : i32
    %scan3A_32 = arith.constant 0 : i32
    %scan3A_33 = arith.constant 39 : i32
    %scan3A_34 = arith.addi %scan3A_32, %scan3A_33 : i32
    %scan3A_35 = arith.constant 1 : i32
    scf.for %scan3A_69 = %scan3A_32 to %scan3A_34 step %scan3A_35  : i32 {
      %mul3A_70 = arith.constant 2 : i32
      %mul3A_71 = arith.muli %mul3A_70, %scan3A_69 : i32
      %add3A_72 = arith.constant 1 : i32
      %add3A_73 = arith.addi %mul3A_71, %add3A_72 : i32
      %dma_start3A_74 = arith.constant 1 : i32
      %dma_start3A_75 = arith.constant 0 : i32
      %dma_start3A_76 = arith.constant 0 : i32
      %dma_start3A_77 = tpu.memref_slice %arg9[%dma_start3A_74, %dma_start3A_75, %dma_start3A_76] : memref<2x128x128xf32, #tpu.memory_space<vmem>> -> memref<1x128x128xf32, #tpu.memory_space<vmem>>
      %dma_start3A_78 = tpu.memref_squeeze %dma_start3A_77 : memref<1x128x128xf32, #tpu.memory_space<vmem>> -> memref<128x128xf32, #tpu.memory_space<vmem>>
      %dma_start3A_79 = arith.constant 0 : i32
      %dma_start3A_80 = tpu.memref_slice %arg7[%add3A_73, %dma_start3A_79] : memref<79x128xi32, #tpu.memory_space<vmem>> -> memref<1x128xi32, #tpu.memory_space<vmem>>
      %dma_start3A_81 = tpu.memref_squeeze %dma_start3A_80 : memref<1x128xi32, #tpu.memory_space<vmem>> -> memref<128xi32, #tpu.memory_space<vmem>>
      %dma_start3A_82 = arith.constant 0 : i32
      %dma_start3A_83 = arith.constant 0 : i32
      %dma_start3A_84 = tpu.memref_slice %arg2[%dma_start3A_82, %dma_start3A_83] : memref<10240x128xf32, #tpu.memory_space<hbm>> -> memref<10240x128xf32, #tpu.memory_space<hbm>>
      tpu.enqueue_indirect_dma source(%dma_start3A_84 : memref<10240x128xf32, #tpu.memory_space<hbm>>) target(%dma_start3A_78 : memref<128x128xf32, #tpu.memory_space<vmem>>) offsets(%dma_start3A_81 : memref<128xi32, #tpu.memory_space<vmem>>) semaphore(%arg12 : memref<!tpu.dma_semaphore, #tpu.memory_space<semaphore_mem>>)
      %dma_start3A_85 = arith.constant 1 : i32
      %dma_start3A_86 = arith.constant 0 : i32
      %dma_start3A_87 = tpu.memref_slice %arg8[%dma_start3A_85, %dma_start3A_86] : memref<2x128xi32, #tpu.memory_space<vmem>> -> memref<1x128xi32, #tpu.memory_space<vmem>>
      %dma_start3A_88 = tpu.memref_squeeze %dma_start3A_87 : memref<1x128xi32, #tpu.memory_space<vmem>> -> memref<128xi32, #tpu.memory_space<vmem>>
      %dma_start3A_89 = arith.constant 0 : i32
      %dma_start3A_90 = tpu.memref_slice %arg4[%add3A, %add3A_73, %dma_start3A_89] : memref<32x79x128xi32, #tpu.memory_space<hbm>> -> memref<1x1x128xi32, #tpu.memory_space<hbm>>
      %dma_start3A_91 = tpu.memref_squeeze %dma_start3A_90 : memref<1x1x128xi32, #tpu.memory_space<hbm>> -> memref<128xi32, #tpu.memory_space<hbm>>
      %dma_start3A_92 = arith.constant 0 : i32
      %dma_start3A_93 = tpu.memref_slice %arg8[%dma_start3A_85, %dma_start3A_92] : memref<2x128xi32, #tpu.memory_space<vmem>> -> memref<1x128xi32, #tpu.memory_space<vmem>>
      %dma_start3A_94 = tpu.memref_squeeze %dma_start3A_93 : memref<1x128xi32, #tpu.memory_space<vmem>> -> memref<128xi32, #tpu.memory_space<vmem>>
      %dma_start3A_95 = arith.constant 0 : i32
      %dma_start3A_96 = tpu.memref_slice %arg4[%add3A, %add3A_73, %dma_start3A_95] : memref<32x79x128xi32, #tpu.memory_space<hbm>> -> memref<1x1x128xi32, #tpu.memory_space<hbm>>
      %dma_start3A_97 = tpu.memref_squeeze %dma_start3A_96 : memref<1x1x128xi32, #tpu.memory_space<hbm>> -> memref<128xi32, #tpu.memory_space<hbm>>
      tpu.enqueue_dma source(%dma_start3A_97 : memref<128xi32, #tpu.memory_space<hbm>>) target(%dma_start3A_94 : memref<128xi32, #tpu.memory_space<vmem>>) target_semaphore(%arg12 : memref<!tpu.dma_semaphore, #tpu.memory_space<semaphore_mem>>)
      %dma_wait3A_98 = arith.constant 0 : i32
      %dma_wait3A_99 = arith.constant 0 : i32
      %dma_wait3A_100 = arith.constant 0 : i32
      %dma_wait3A_101 = arith.constant 0 : i32
      %dma_wait3A_102 = tpu.memref_slice %arg9[%dma_wait3A_99, %dma_wait3A_100, %dma_wait3A_101] : memref<2x128x128xf32, #tpu.memory_space<vmem>> -> memref<1x128x128xf32, #tpu.memory_space<vmem>>
      %dma_wait3A_103 = tpu.memref_squeeze %dma_wait3A_102 : memref<1x128x128xf32, #tpu.memory_space<vmem>> -> memref<128x128xf32, #tpu.memory_space<vmem>>
      %dma_wait3A_104 = arith.constant 0 : i32
      %dma_wait3A_105 = tpu.memref_slice %arg7[%dma_wait3A_98, %dma_wait3A_104] : memref<79x128xi32, #tpu.memory_space<vmem>> -> memref<1x128xi32, #tpu.memory_space<vmem>>
      %dma_wait3A_106 = tpu.memref_squeeze %dma_wait3A_105 : memref<1x128xi32, #tpu.memory_space<vmem>> -> memref<128xi32, #tpu.memory_space<vmem>>
      %dma_wait3A_107 = arith.constant 0 : i32
      %dma_wait3A_108 = arith.constant 0 : i32
      %dma_wait3A_109 = tpu.memref_slice %arg2[%dma_wait3A_107, %dma_wait3A_108] : memref<10240x128xf32, #tpu.memory_space<hbm>> -> memref<10240x128xf32, #tpu.memory_space<hbm>>
      tpu.wait_indirect_dma semaphore(%arg11 : memref<!tpu.dma_semaphore, #tpu.memory_space<semaphore_mem>>) src(%dma_wait3A_109 : memref<10240x128xf32, #tpu.memory_space<hbm>>) dst(%dma_wait3A_103 : memref<128x128xf32, #tpu.memory_space<vmem>>)
      %dma_wait3A_110 = arith.constant 0 : i32
      %dma_wait3A_111 = arith.constant 0 : i32
      %dma_wait3A_112 = arith.constant 0 : i32
      %dma_wait3A_113 = arith.constant 0 : i32
      %dma_wait3A_114 = tpu.memref_slice %arg8[%dma_wait3A_112, %dma_wait3A_113] : memref<2x128xi32, #tpu.memory_space<vmem>> -> memref<1x128xi32, #tpu.memory_space<vmem>>
      %dma_wait3A_115 = tpu.memref_squeeze %dma_wait3A_114 : memref<1x128xi32, #tpu.memory_space<vmem>> -> memref<128xi32, #tpu.memory_space<vmem>>
      %dma_wait3A_116 = arith.constant 0 : i32
      %dma_wait3A_117 = tpu.memref_slice %arg4[%dma_wait3A_110, %dma_wait3A_111, %dma_wait3A_116] : memref<32x79x128xi32, #tpu.memory_space<hbm>> -> memref<1x1x128xi32, #tpu.memory_space<hbm>>
      %dma_wait3A_118 = tpu.memref_squeeze %dma_wait3A_117 : memref<1x1x128xi32, #tpu.memory_space<hbm>> -> memref<128xi32, #tpu.memory_space<hbm>>
      %dma_wait3A_119 = arith.constant 0 : i32
      %dma_wait3A_120 = tpu.memref_slice %arg8[%dma_wait3A_112, %dma_wait3A_119] : memref<2x128xi32, #tpu.memory_space<vmem>> -> memref<1x128xi32, #tpu.memory_space<vmem>>
      %dma_wait3A_121 = tpu.memref_squeeze %dma_wait3A_120 : memref<1x128xi32, #tpu.memory_space<vmem>> -> memref<128xi32, #tpu.memory_space<vmem>>
      %dma_wait3A_122 = arith.constant 0 : i32
      %dma_wait3A_123 = tpu.memref_slice %arg4[%dma_wait3A_110, %dma_wait3A_111, %dma_wait3A_122] : memref<32x79x128xi32, #tpu.memory_space<hbm>> -> memref<1x1x128xi32, #tpu.memory_space<hbm>>
      %dma_wait3A_124 = tpu.memref_squeeze %dma_wait3A_123 : memref<1x1x128xi32, #tpu.memory_space<hbm>> -> memref<128xi32, #tpu.memory_space<hbm>>
      tpu.wait_dma2 semaphore(%arg11 : memref<!tpu.dma_semaphore, #tpu.memory_space<semaphore_mem>>) src(%dma_wait3A_124 : memref<128xi32, #tpu.memory_space<hbm>>) dst(%dma_wait3A_121 : memref<128xi32, #tpu.memory_space<vmem>>)
      %run_scoped3A_125 = arith.constant 0 : i32
      %run_scoped3A_126 = arith.constant 0 : i32
      "tpu.region"() ({
        %run_scoped3A_182 = tpu.sem_alloc : memref<!tpu.dma_semaphore, #tpu.memory_space<semaphore_mem>>
        %dma_start3A_183 = arith.constant 0 : i32
        %dma_start3A_184 = arith.constant 0 : i32
        %dma_start3A_185 = tpu.memref_slice %arg9[%run_scoped3A_125, %dma_start3A_183, %dma_start3A_184] : memref<2x128x128xf32, #tpu.memory_space<vmem>> -> memref<1x128x128xf32, #tpu.memory_space<vmem>>
        %dma_start3A_186 = tpu.memref_squeeze %dma_start3A_185 : memref<1x128x128xf32, #tpu.memory_space<vmem>> -> memref<128x128xf32, #tpu.memory_space<vmem>>
        %dma_start3A_187 = arith.constant 0 : i32
        %dma_start3A_188 = tpu.memref_slice %arg8[%run_scoped3A_126, %dma_start3A_187] : memref<2x128xi32, #tpu.memory_space<vmem>> -> memref<1x128xi32, #tpu.memory_space<vmem>>
        %dma_start3A_189 = tpu.memref_squeeze %dma_start3A_188 : memref<1x128xi32, #tpu.memory_space<vmem>> -> memref<128xi32, #tpu.memory_space<vmem>>
        %dma_start3A_190 = arith.constant 0 : i32
        %dma_start3A_191 = arith.constant 0 : i32
        %dma_start3A_192 = tpu.memref_slice %arg10[%dma_start3A_190, %dma_start3A_191] : memref<10112x128xf32, #tpu.memory_space<vmem_shared>> -> memref<10112x128xf32, #tpu.memory_space<vmem_shared>>
        tpu.enqueue_indirect_dma source(%dma_start3A_186 : memref<128x128xf32, #tpu.memory_space<vmem>>) target(%dma_start3A_192 : memref<10112x128xf32, #tpu.memory_space<vmem_shared>>) offsets(%dma_start3A_189 : memref<128xi32, #tpu.memory_space<vmem>>) semaphore(%run_scoped3A_182 : memref<!tpu.dma_semaphore, #tpu.memory_space<semaphore_mem>>) {add = true}
        %dma_wait3A_193 = arith.constant 0 : i32
        %dma_wait3A_194 = arith.constant 0 : i32
        %dma_wait3A_195 = tpu.memref_slice %arg9[%run_scoped3A_125, %dma_wait3A_193, %dma_wait3A_194] : memref<2x128x128xf32, #tpu.memory_space<vmem>> -> memref<1x128x128xf32, #tpu.memory_space<vmem>>
        %dma_wait3A_196 = tpu.memref_squeeze %dma_wait3A_195 : memref<1x128x128xf32, #tpu.memory_space<vmem>> -> memref<128x128xf32, #tpu.memory_space<vmem>>
        %dma_wait3A_197 = arith.constant 0 : i32
        %dma_wait3A_198 = tpu.memref_slice %arg8[%run_scoped3A_126, %dma_wait3A_197] : memref<2x128xi32, #tpu.memory_space<vmem>> -> memref<1x128xi32, #tpu.memory_space<vmem>>
        %dma_wait3A_199 = tpu.memref_squeeze %dma_wait3A_198 : memref<1x128xi32, #tpu.memory_space<vmem>> -> memref<128xi32, #tpu.memory_space<vmem>>
        %dma_wait3A_200 = arith.constant 0 : i32
        %dma_wait3A_201 = arith.constant 0 : i32
        %dma_wait3A_202 = tpu.memref_slice %arg10[%dma_wait3A_200, %dma_wait3A_201] : memref<10112x128xf32, #tpu.memory_space<vmem_shared>> -> memref<10112x128xf32, #tpu.memory_space<vmem_shared>>
        tpu.wait_indirect_dma semaphore(%run_scoped3A_182 : memref<!tpu.dma_semaphore, #tpu.memory_space<semaphore_mem>>) src(%dma_wait3A_196 : memref<128x128xf32, #tpu.memory_space<vmem>>) dst(%dma_wait3A_202 : memref<10112x128xf32, #tpu.memory_space<vmem_shared>>)
        tpu.yield
      }) : () -> ()
      %add3A_127 = arith.constant 2 : i32
      %add3A_128 = arith.addi %mul3A_71, %add3A_127 : i32
      %dma_start3A_129 = arith.constant 0 : i32
      %dma_start3A_130 = arith.constant 0 : i32
      %dma_start3A_131 = arith.constant 0 : i32
      %dma_start3A_132 = tpu.memref_slice %arg9[%dma_start3A_129, %dma_start3A_130, %dma_start3A_131] : memref<2x128x128xf32, #tpu.memory_space<vmem>> -> memref<1x128x128xf32, #tpu.memory_space<vmem>>
      %dma_start3A_133 = tpu.memref_squeeze %dma_start3A_132 : memref<1x128x128xf32, #tpu.memory_space<vmem>> -> memref<128x128xf32, #tpu.memory_space<vmem>>
      %dma_start3A_134 = arith.constant 0 : i32
      %dma_start3A_135 = tpu.memref_slice %arg7[%add3A_128, %dma_start3A_134] : memref<79x128xi32, #tpu.memory_space<vmem>> -> memref<1x128xi32, #tpu.memory_space<vmem>>
      %dma_start3A_136 = tpu.memref_squeeze %dma_start3A_135 : memref<1x128xi32, #tpu.memory_space<vmem>> -> memref<128xi32, #tpu.memory_space<vmem>>
      %dma_start3A_137 = arith.constant 0 : i32
      %dma_start3A_138 = arith.constant 0 : i32
      %dma_start3A_139 = tpu.memref_slice %arg2[%dma_start3A_137, %dma_start3A_138] : memref<10240x128xf32, #tpu.memory_space<hbm>> -> memref<10240x128xf32, #tpu.memory_space<hbm>>
      tpu.enqueue_indirect_dma source(%dma_start3A_139 : memref<10240x128xf32, #tpu.memory_space<hbm>>) target(%dma_start3A_133 : memref<128x128xf32, #tpu.memory_space<vmem>>) offsets(%dma_start3A_136 : memref<128xi32, #tpu.memory_space<vmem>>) semaphore(%arg11 : memref<!tpu.dma_semaphore, #tpu.memory_space<semaphore_mem>>)
      %dma_start3A_140 = arith.constant 0 : i32
      %dma_start3A_141 = arith.constant 0 : i32
      %dma_start3A_142 = tpu.memref_slice %arg8[%dma_start3A_140, %dma_start3A_141] : memref<2x128xi32, #tpu.memory_space<vmem>> -> memref<1x128xi32, #tpu.memory_space<vmem>>
      %dma_start3A_143 = tpu.memref_squeeze %dma_start3A_142 : memref<1x128xi32, #tpu.memory_space<vmem>> -> memref<128xi32, #tpu.memory_space<vmem>>
      %dma_start3A_144 = arith.constant 0 : i32
      %dma_start3A_145 = tpu.memref_slice %arg4[%add3A, %add3A_128, %dma_start3A_144] : memref<32x79x128xi32, #tpu.memory_space<hbm>> -> memref<1x1x128xi32, #tpu.memory_space<hbm>>
      %dma_start3A_146 = tpu.memref_squeeze %dma_start3A_145 : memref<1x1x128xi32, #tpu.memory_space<hbm>> -> memref<128xi32, #tpu.memory_space<hbm>>
      %dma_start3A_147 = arith.constant 0 : i32
      %dma_start3A_148 = tpu.memref_slice %arg8[%dma_start3A_140, %dma_start3A_147] : memref<2x128xi32, #tpu.memory_space<vmem>> -> memref<1x128xi32, #tpu.memory_space<vmem>>
      %dma_start3A_149 = tpu.memref_squeeze %dma_start3A_148 : memref<1x128xi32, #tpu.memory_space<vmem>> -> memref<128xi32, #tpu.memory_space<vmem>>
      %dma_start3A_150 = arith.constant 0 : i32
      %dma_start3A_151 = tpu.memref_slice %arg4[%add3A, %add3A_128, %dma_start3A_150] : memref<32x79x128xi32, #tpu.memory_space<hbm>> -> memref<1x1x128xi32, #tpu.memory_space<hbm>>
      %dma_start3A_152 = tpu.memref_squeeze %dma_start3A_151 : memref<1x1x128xi32, #tpu.memory_space<hbm>> -> memref<128xi32, #tpu.memory_space<hbm>>
      tpu.enqueue_dma source(%dma_start3A_152 : memref<128xi32, #tpu.memory_space<hbm>>) target(%dma_start3A_149 : memref<128xi32, #tpu.memory_space<vmem>>) target_semaphore(%arg11 : memref<!tpu.dma_semaphore, #tpu.memory_space<semaphore_mem>>)
      %dma_wait3A_153 = arith.constant 0 : i32
      %dma_wait3A_154 = arith.constant 1 : i32
      %dma_wait3A_155 = arith.constant 0 : i32
      %dma_wait3A_156 = arith.constant 0 : i32
      %dma_wait3A_157 = tpu.memref_slice %arg9[%dma_wait3A_154, %dma_wait3A_155, %dma_wait3A_156] : memref<2x128x128xf32, #tpu.memory_space<vmem>> -> memref<1x128x128xf32, #tpu.memory_space<vmem>>
      %dma_wait3A_158 = tpu.memref_squeeze %dma_wait3A_157 : memref<1x128x128xf32, #tpu.memory_space<vmem>> -> memref<128x128xf32, #tpu.memory_space<vmem>>
      %dma_wait3A_159 = arith.constant 0 : i32
      %dma_wait3A_160 = tpu.memref_slice %arg7[%dma_wait3A_153, %dma_wait3A_159] : memref<79x128xi32, #tpu.memory_space<vmem>> -> memref<1x128xi32, #tpu.memory_space<vmem>>
      %dma_wait3A_161 = tpu.memref_squeeze %dma_wait3A_160 : memref<1x128xi32, #tpu.memory_space<vmem>> -> memref<128xi32, #tpu.memory_space<vmem>>
      %dma_wait3A_162 = arith.constant 0 : i32
      %dma_wait3A_163 = arith.constant 0 : i32
      %dma_wait3A_164 = tpu.memref_slice %arg2[%dma_wait3A_162, %dma_wait3A_163] : memref<10240x128xf32, #tpu.memory_space<hbm>> -> memref<10240x128xf32, #tpu.memory_space<hbm>>
      tpu.wait_indirect_dma semaphore(%arg12 : memref<!tpu.dma_semaphore, #tpu.memory_space<semaphore_mem>>) src(%dma_wait3A_164 : memref<10240x128xf32, #tpu.memory_space<hbm>>) dst(%dma_wait3A_158 : memref<128x128xf32, #tpu.memory_space<vmem>>)
      %dma_wait3A_165 = arith.constant 0 : i32
      %dma_wait3A_166 = arith.constant 0 : i32
      %dma_wait3A_167 = arith.constant 1 : i32
      %dma_wait3A_168 = arith.constant 0 : i32
      %dma_wait3A_169 = tpu.memref_slice %arg8[%dma_wait3A_167, %dma_wait3A_168] : memref<2x128xi32, #tpu.memory_space<vmem>> -> memref<1x128xi32, #tpu.memory_space<vmem>>
      %dma_wait3A_170 = tpu.memref_squeeze %dma_wait3A_169 : memref<1x128xi32, #tpu.memory_space<vmem>> -> memref<128xi32, #tpu.memory_space<vmem>>
      %dma_wait3A_171 = arith.constant 0 : i32
      %dma_wait3A_172 = tpu.memref_slice %arg4[%dma_wait3A_165, %dma_wait3A_166, %dma_wait3A_171] : memref<32x79x128xi32, #tpu.memory_space<hbm>> -> memref<1x1x128xi32, #tpu.memory_space<hbm>>
      %dma_wait3A_173 = tpu.memref_squeeze %dma_wait3A_172 : memref<1x1x128xi32, #tpu.memory_space<hbm>> -> memref<128xi32, #tpu.memory_space<hbm>>
      %dma_wait3A_174 = arith.constant 0 : i32
      %dma_wait3A_175 = tpu.memref_slice %arg8[%dma_wait3A_167, %dma_wait3A_174] : memref<2x128xi32, #tpu.memory_space<vmem>> -> memref<1x128xi32, #tpu.memory_space<vmem>>
      %dma_wait3A_176 = tpu.memref_squeeze %dma_wait3A_175 : memref<1x128xi32, #tpu.memory_space<vmem>> -> memref<128xi32, #tpu.memory_space<vmem>>
      %dma_wait3A_177 = arith.constant 0 : i32
      %dma_wait3A_178 = tpu.memref_slice %arg4[%dma_wait3A_165, %dma_wait3A_166, %dma_wait3A_177] : memref<32x79x128xi32, #tpu.memory_space<hbm>> -> memref<1x1x128xi32, #tpu.memory_space<hbm>>
      %dma_wait3A_179 = tpu.memref_squeeze %dma_wait3A_178 : memref<1x1x128xi32, #tpu.memory_space<hbm>> -> memref<128xi32, #tpu.memory_space<hbm>>
      tpu.wait_dma2 semaphore(%arg12 : memref<!tpu.dma_semaphore, #tpu.memory_space<semaphore_mem>>) src(%dma_wait3A_179 : memref<128xi32, #tpu.memory_space<hbm>>) dst(%dma_wait3A_176 : memref<128xi32, #tpu.memory_space<vmem>>)
      %run_scoped3A_180 = arith.constant 1 : i32
      %run_scoped3A_181 = arith.constant 1 : i32
      "tpu.region"() ({
        %run_scoped3A_182 = tpu.sem_alloc : memref<!tpu.dma_semaphore, #tpu.memory_space<semaphore_mem>>
        %dma_start3A_183 = arith.constant 0 : i32
        %dma_start3A_184 = arith.constant 0 : i32
        %dma_start3A_185 = tpu.memref_slice %arg9[%run_scoped3A_180, %dma_start3A_183, %dma_start3A_184] : memref<2x128x128xf32, #tpu.memory_space<vmem>> -> memref<1x128x128xf32, #tpu.memory_space<vmem>>
        %dma_start3A_186 = tpu.memref_squeeze %dma_start3A_185 : memref<1x128x128xf32, #tpu.memory_space<vmem>> -> memref<128x128xf32, #tpu.memory_space<vmem>>
        %dma_start3A_187 = arith.constant 0 : i32
        %dma_start3A_188 = tpu.memref_slice %arg8[%run_scoped3A_181, %dma_start3A_187] : memref<2x128xi32, #tpu.memory_space<vmem>> -> memref<1x128xi32, #tpu.memory_space<vmem>>
        %dma_start3A_189 = tpu.memref_squeeze %dma_start3A_188 : memref<1x128xi32, #tpu.memory_space<vmem>> -> memref<128xi32, #tpu.memory_space<vmem>>
        %dma_start3A_190 = arith.constant 0 : i32
        %dma_start3A_191 = arith.constant 0 : i32
        %dma_start3A_192 = tpu.memref_slice %arg10[%dma_start3A_190, %dma_start3A_191] : memref<10112x128xf32, #tpu.memory_space<vmem_shared>> -> memref<10112x128xf32, #tpu.memory_space<vmem_shared>>
        tpu.enqueue_indirect_dma source(%dma_start3A_186 : memref<128x128xf32, #tpu.memory_space<vmem>>) target(%dma_start3A_192 : memref<10112x128xf32, #tpu.memory_space<vmem_shared>>) offsets(%dma_start3A_189 : memref<128xi32, #tpu.memory_space<vmem>>) semaphore(%run_scoped3A_182 : memref<!tpu.dma_semaphore, #tpu.memory_space<semaphore_mem>>) {add = true}
        %dma_wait3A_193 = arith.constant 0 : i32
        %dma_wait3A_194 = arith.constant 0 : i32
        %dma_wait3A_195 = tpu.memref_slice %arg9[%run_scoped3A_180, %dma_wait3A_193, %dma_wait3A_194] : memref<2x128x128xf32, #tpu.memory_space<vmem>> -> memref<1x128x128xf32, #tpu.memory_space<vmem>>
        %dma_wait3A_196 = tpu.memref_squeeze %dma_wait3A_195 : memref<1x128x128xf32, #tpu.memory_space<vmem>> -> memref<128x128xf32, #tpu.memory_space<vmem>>
        %dma_wait3A_197 = arith.constant 0 : i32
        %dma_wait3A_198 = tpu.memref_slice %arg8[%run_scoped3A_181, %dma_wait3A_197] : memref<2x128xi32, #tpu.memory_space<vmem>> -> memref<1x128xi32, #tpu.memory_space<vmem>>
        %dma_wait3A_199 = tpu.memref_squeeze %dma_wait3A_198 : memref<1x128xi32, #tpu.memory_space<vmem>> -> memref<128xi32, #tpu.memory_space<vmem>>
        %dma_wait3A_200 = arith.constant 0 : i32
        %dma_wait3A_201 = arith.constant 0 : i32
        %dma_wait3A_202 = tpu.memref_slice %arg10[%dma_wait3A_200, %dma_wait3A_201] : memref<10112x128xf32, #tpu.memory_space<vmem_shared>> -> memref<10112x128xf32, #tpu.memory_space<vmem_shared>>
        tpu.wait_indirect_dma semaphore(%run_scoped3A_182 : memref<!tpu.dma_semaphore, #tpu.memory_space<semaphore_mem>>) src(%dma_wait3A_196 : memref<128x128xf32, #tpu.memory_space<vmem>>) dst(%dma_wait3A_202 : memref<10112x128xf32, #tpu.memory_space<vmem_shared>>)
        tpu.yield
      }) : () -> ()
    }
    %scan3A_36 = arith.constant 39 : i32
    %dma_wait3A = arith.constant 0 : i32
    %dma_wait3A_37 = arith.constant 0 : i32
    %dma_wait3A_38 = arith.constant 0 : i32
    %dma_wait3A_39 = arith.constant 0 : i32
    %dma_wait3A_40 = tpu.memref_slice %arg9[%dma_wait3A_37, %dma_wait3A_38, %dma_wait3A_39] : memref<2x128x128xf32, #tpu.memory_space<vmem>> -> memref<1x128x128xf32, #tpu.memory_space<vmem>>
    %dma_wait3A_41 = tpu.memref_squeeze %dma_wait3A_40 : memref<1x128x128xf32, #tpu.memory_space<vmem>> -> memref<128x128xf32, #tpu.memory_space<vmem>>
    %dma_wait3A_42 = arith.constant 0 : i32
    %dma_wait3A_43 = tpu.memref_slice %arg7[%dma_wait3A, %dma_wait3A_42] : memref<79x128xi32, #tpu.memory_space<vmem>> -> memref<1x128xi32, #tpu.memory_space<vmem>>
    %dma_wait3A_44 = tpu.memref_squeeze %dma_wait3A_43 : memref<1x128xi32, #tpu.memory_space<vmem>> -> memref<128xi32, #tpu.memory_space<vmem>>
    %dma_wait3A_45 = arith.constant 0 : i32
    %dma_wait3A_46 = arith.constant 0 : i32
    %dma_wait3A_47 = tpu.memref_slice %arg2[%dma_wait3A_45, %dma_wait3A_46] : memref<10240x128xf32, #tpu.memory_space<hbm>> -> memref<10240x128xf32, #tpu.memory_space<hbm>>
    tpu.wait_indirect_dma semaphore(%arg11 : memref<!tpu.dma_semaphore, #tpu.memory_space<semaphore_mem>>) src(%dma_wait3A_47 : memref<10240x128xf32, #tpu.memory_space<hbm>>) dst(%dma_wait3A_41 : memref<128x128xf32, #tpu.memory_space<vmem>>)
    %dma_wait3A_48 = arith.constant 0 : i32
    %dma_wait3A_49 = arith.constant 0 : i32
    %dma_wait3A_50 = arith.constant 0 : i32
    %dma_wait3A_51 = arith.constant 0 : i32
    %dma_wait3A_52 = tpu.memref_slice %arg8[%dma_wait3A_50, %dma_wait3A_51] : memref<2x128xi32, #tpu.memory_space<vmem>> -> memref<1x128xi32, #tpu.memory_space<vmem>>
    %dma_wait3A_53 = tpu.memref_squeeze %dma_wait3A_52 : memref<1x128xi32, #tpu.memory_space<vmem>> -> memref<128xi32, #tpu.memory_space<vmem>>
    %dma_wait3A_54 = arith.constant 0 : i32
    %dma_wait3A_55 = tpu.memref_slice %arg4[%dma_wait3A_48, %dma_wait3A_49, %dma_wait3A_54] : memref<32x79x128xi32, #tpu.memory_space<hbm>> -> memref<1x1x128xi32, #tpu.memory_space<hbm>>
    %dma_wait3A_56 = tpu.memref_squeeze %dma_wait3A_55 : memref<1x1x128xi32, #tpu.memory_space<hbm>> -> memref<128xi32, #tpu.memory_space<hbm>>
    %dma_wait3A_57 = arith.constant 0 : i32
    %dma_wait3A_58 = tpu.memref_slice %arg8[%dma_wait3A_50, %dma_wait3A_57] : memref<2x128xi32, #tpu.memory_space<vmem>> -> memref<1x128xi32, #tpu.memory_space<vmem>>
    %dma_wait3A_59 = tpu.memref_squeeze %dma_wait3A_58 : memref<1x128xi32, #tpu.memory_space<vmem>> -> memref<128xi32, #tpu.memory_space<vmem>>
    %dma_wait3A_60 = arith.constant 0 : i32
    %dma_wait3A_61 = tpu.memref_slice %arg4[%dma_wait3A_48, %dma_wait3A_49, %dma_wait3A_60] : memref<32x79x128xi32, #tpu.memory_space<hbm>> -> memref<1x1x128xi32, #tpu.memory_space<hbm>>
    %dma_wait3A_62 = tpu.memref_squeeze %dma_wait3A_61 : memref<1x1x128xi32, #tpu.memory_space<hbm>> -> memref<128xi32, #tpu.memory_space<hbm>>
    tpu.wait_dma2 semaphore(%arg11 : memref<!tpu.dma_semaphore, #tpu.memory_space<semaphore_mem>>) src(%dma_wait3A_62 : memref<128xi32, #tpu.memory_space<hbm>>) dst(%dma_wait3A_59 : memref<128xi32, #tpu.memory_space<vmem>>)
    %run_scoped3A = arith.constant 0 : i32
    %run_scoped3A_63 = arith.constant 0 : i32
    "tpu.region"() ({
      %run_scoped3A_69 = tpu.sem_alloc : memref<!tpu.dma_semaphore, #tpu.memory_space<semaphore_mem>>
      %dma_start3A_70 = arith.constant 0 : i32
      %dma_start3A_71 = arith.constant 0 : i32
      %dma_start3A_72 = tpu.memref_slice %arg9[%run_scoped3A, %dma_start3A_70, %dma_start3A_71] : memref<2x128x128xf32, #tpu.memory_space<vmem>> -> memref<1x128x128xf32, #tpu.memory_space<vmem>>
      %dma_start3A_73 = tpu.memref_squeeze %dma_start3A_72 : memref<1x128x128xf32, #tpu.memory_space<vmem>> -> memref<128x128xf32, #tpu.memory_space<vmem>>
      %dma_start3A_74 = arith.constant 0 : i32
      %dma_start3A_75 = tpu.memref_slice %arg8[%run_scoped3A_63, %dma_start3A_74] : memref<2x128xi32, #tpu.memory_space<vmem>> -> memref<1x128xi32, #tpu.memory_space<vmem>>
      %dma_start3A_76 = tpu.memref_squeeze %dma_start3A_75 : memref<1x128xi32, #tpu.memory_space<vmem>> -> memref<128xi32, #tpu.memory_space<vmem>>
      %dma_start3A_77 = arith.constant 0 : i32
      %dma_start3A_78 = arith.constant 0 : i32
      %dma_start3A_79 = tpu.memref_slice %arg10[%dma_start3A_77, %dma_start3A_78] : memref<10112x128xf32, #tpu.memory_space<vmem_shared>> -> memref<10112x128xf32, #tpu.memory_space<vmem_shared>>
      tpu.enqueue_indirect_dma source(%dma_start3A_73 : memref<128x128xf32, #tpu.memory_space<vmem>>) target(%dma_start3A_79 : memref<10112x128xf32, #tpu.memory_space<vmem_shared>>) offsets(%dma_start3A_76 : memref<128xi32, #tpu.memory_space<vmem>>) semaphore(%run_scoped3A_69 : memref<!tpu.dma_semaphore, #tpu.memory_space<semaphore_mem>>) {add = true}
      %dma_wait3A_80 = arith.constant 0 : i32
      %dma_wait3A_81 = arith.constant 0 : i32
      %dma_wait3A_82 = tpu.memref_slice %arg9[%run_scoped3A, %dma_wait3A_80, %dma_wait3A_81] : memref<2x128x128xf32, #tpu.memory_space<vmem>> -> memref<1x128x128xf32, #tpu.memory_space<vmem>>
      %dma_wait3A_83 = tpu.memref_squeeze %dma_wait3A_82 : memref<1x128x128xf32, #tpu.memory_space<vmem>> -> memref<128x128xf32, #tpu.memory_space<vmem>>
      %dma_wait3A_84 = arith.constant 0 : i32
      %dma_wait3A_85 = tpu.memref_slice %arg8[%run_scoped3A_63, %dma_wait3A_84] : memref<2x128xi32, #tpu.memory_space<vmem>> -> memref<1x128xi32, #tpu.memory_space<vmem>>
      %dma_wait3A_86 = tpu.memref_squeeze %dma_wait3A_85 : memref<1x128xi32, #tpu.memory_space<vmem>> -> memref<128xi32, #tpu.memory_space<vmem>>
      %dma_wait3A_87 = arith.constant 0 : i32
      %dma_wait3A_88 = arith.constant 0 : i32
      %dma_wait3A_89 = tpu.memref_slice %arg10[%dma_wait3A_87, %dma_wait3A_88] : memref<10112x128xf32, #tpu.memory_space<vmem_shared>> -> memref<10112x128xf32, #tpu.memory_space<vmem_shared>>
      tpu.wait_indirect_dma semaphore(%run_scoped3A_69 : memref<!tpu.dma_semaphore, #tpu.memory_space<semaphore_mem>>) src(%dma_wait3A_83 : memref<128x128xf32, #tpu.memory_space<vmem>>) dst(%dma_wait3A_89 : memref<10112x128xf32, #tpu.memory_space<vmem_shared>>)
      tpu.yield
    }) : () -> ()
    %barrier3A_64 = arith.constant 0 : index
    tpu.barrier barrier_id(%barrier3A_64)
    %mul3A_65 = arith.constant 632 : i32
    %mul3A_66 = arith.muli %arg1, %mul3A_65 : i32
    %mul3A_67 = arith.constant 632 : i32
    %mul3A_68 = arith.muli %arg1, %mul3A_67 : i32
    "tpu.region"() ({
      %run_scoped3A_69 = tpu.sem_alloc : memref<!tpu.dma_semaphore, #tpu.memory_space<semaphore_mem>>
      %dma_start3A_70 = arith.constant 0 : i32
      %dma_start3A_71 = tpu.memref_slice %arg6[%arg0, %mul3A_68, %dma_start3A_70] : memref<2x10240x128xf32, #tpu.memory_space<hbm>> -> memref<1x632x128xf32, #tpu.memory_space<hbm>>
      %dma_start3A_72 = tpu.memref_squeeze %dma_start3A_71 : memref<1x632x128xf32, #tpu.memory_space<hbm>> -> memref<632x128xf32, #tpu.memory_space<hbm>>
      %dma_start3A_73 = arith.constant 0 : i32
      %dma_start3A_74 = tpu.memref_slice %arg10[%mul3A_66, %dma_start3A_73] : memref<10112x128xf32, #tpu.memory_space<vmem_shared>> -> memref<632x128xf32, #tpu.memory_space<vmem_shared>>
      tpu.enqueue_dma source(%dma_start3A_74 : memref<632x128xf32, #tpu.memory_space<vmem_shared>>) target(%dma_start3A_72 : memref<632x128xf32, #tpu.memory_space<hbm>>) target_semaphore(%run_scoped3A_69 : memref<!tpu.dma_semaphore, #tpu.memory_space<semaphore_mem>>)
      %dma_wait3A_75 = arith.constant 0 : i32
      %dma_wait3A_76 = tpu.memref_slice %arg6[%arg0, %mul3A_68, %dma_wait3A_75] : memref<2x10240x128xf32, #tpu.memory_space<hbm>> -> memref<1x632x128xf32, #tpu.memory_space<hbm>>
      %dma_wait3A_77 = tpu.memref_squeeze %dma_wait3A_76 : memref<1x632x128xf32, #tpu.memory_space<hbm>> -> memref<632x128xf32, #tpu.memory_space<hbm>>
      %dma_wait3A_78 = arith.constant 0 : i32
      %dma_wait3A_79 = tpu.memref_slice %arg10[%mul3A_66, %dma_wait3A_78] : memref<10112x128xf32, #tpu.memory_space<vmem_shared>> -> memref<632x128xf32, #tpu.memory_space<vmem_shared>>
      tpu.wait_dma2 semaphore(%run_scoped3A_69 : memref<!tpu.dma_semaphore, #tpu.memory_space<semaphore_mem>>) src(%dma_wait3A_79 : memref<632x128xf32, #tpu.memory_space<vmem_shared>>) dst(%dma_wait3A_77 : memref<632x128xf32, #tpu.memory_space<hbm>>)
      tpu.yield
    }) : () -> ()
    return
  }
}

#map = affine_map<(d0, d1) -> (0, 0)>
#map1 = affine_map<(d0, d1) -> (0, 0, 0)>
module attributes {stable_mosaic.version = 14 : i64} {
  func.func @_scat_kernel(%arg0: i32, %arg1: i32, %arg2: memref<10240x128xf32, #tpu.memory_space<hbm>>, %arg3: memref<32x79x128xi32, #tpu.memory_space<hbm>>, %arg4: memref<32x79x128xi32, #tpu.memory_space<hbm>>, %arg5: memref<10112x128xf32, #tpu.memory_space<hbm>>, %arg6: memref<2x10240x128xf32, #tpu.memory_space<hbm>>, %arg7: memref<79x128xi32, #tpu.memory_space<vmem>>, %arg8: memref<2x128xi32, #tpu.memory_space<vmem>>, %arg9: memref<2x128x128xf32, #tpu.memory_space<vmem>>, %arg10: memref<10112x128xf32, #tpu.memory_space<vmem_shared>>, %arg11: memref<!tpu.dma_semaphore, #tpu.memory_space<semaphore_mem>>, %arg12: memref<!tpu.dma_semaphore, #tpu.memory_space<semaphore_mem>>) attributes {dimension_semantics = [#tpu.dimension_semantics<core_parallel>, #tpu.dimension_semantics<subcore_parallel>], iteration_bounds = array<i64: 2, 16>, scalar_prefetch = 0 : i64, scratch_operands = 6 : i64, tpu.core_type = #tpu.core_type<sc_vector_subcore>, window_params = [{transform_indices = #map}, {transform_indices = #map1}, {transform_indices = #map1}, {transform_indices = #map}, {transform_indices = #map1}]} {
    %mul3A = arith.constant 16 : i32
    %mul3A_0 = arith.muli %arg0, %mul3A : i32
    %add3A = arith.addi %mul3A_0, %arg1 : i32
    %eq3A = arith.constant 0 : i32
    %eq3A_1 = arith.cmpi eq, %arg0, %eq3A : i32
    %convert_element_type3A = arith.extui %eq3A_1 : i1 to i32
    %cond3A = arith.constant 0 : i32
    %cond3A_2 = arith.cmpi ne, %convert_element_type3A, %cond3A : i32
    scf.if %cond3A_2 {
      %mul3A_69 = arith.constant 632 : i32
      %mul3A_70 = arith.muli %arg1, %mul3A_69 : i32
      %mul3A_71 = arith.constant 632 : i32
      %mul3A_72 = arith.muli %arg1, %mul3A_71 : i32
      "tpu.region"() ({
        %run_scoped3A_73 = tpu.sem_alloc : memref<!tpu.dma_semaphore, #tpu.memory_space<semaphore_mem>>
        %dma_start3A_74 = arith.constant 0 : i32
        %dma_start3A_75 = tpu.memref_slice %arg10[%mul3A_72, %dma_start3A_74] : memref<10112x128xf32, #tpu.memory_space<vmem_shared>> -> memref<632x128xf32, #tpu.memory_space<vmem_shared>>
        %dma_start3A_76 = arith.constant 0 : i32
        %dma_start3A_77 = tpu.memref_slice %arg2[%mul3A_70, %dma_start3A_76] : memref<10240x128xf32, #tpu.memory_space<hbm>> -> memref<632x128xf32, #tpu.memory_space<hbm>>
        tpu.enqueue_dma source(%dma_start3A_77 : memref<632x128xf32, #tpu.memory_space<hbm>>) target(%dma_start3A_75 : memref<632x128xf32, #tpu.memory_space<vmem_shared>>) target_semaphore(%run_scoped3A_73 : memref<!tpu.dma_semaphore, #tpu.memory_space<semaphore_mem>>)
        %dma_wait3A_78 = arith.constant 0 : i32
        %dma_wait3A_79 = tpu.memref_slice %arg10[%mul3A_72, %dma_wait3A_78] : memref<10112x128xf32, #tpu.memory_space<vmem_shared>> -> memref<632x128xf32, #tpu.memory_space<vmem_shared>>
        %dma_wait3A_80 = arith.constant 0 : i32
        %dma_wait3A_81 = tpu.memref_slice %arg2[%mul3A_70, %dma_wait3A_80] : memref<10240x128xf32, #tpu.memory_space<hbm>> -> memref<632x128xf32, #tpu.memory_space<hbm>>
        tpu.wait_dma2 semaphore(%run_scoped3A_73 : memref<!tpu.dma_semaphore, #tpu.memory_space<semaphore_mem>>) src(%dma_wait3A_81 : memref<632x128xf32, #tpu.memory_space<hbm>>) dst(%dma_wait3A_79 : memref<632x128xf32, #tpu.memory_space<vmem_shared>>)
        tpu.yield
      }) : () -> ()
    } else {
    }
    %ne3A = arith.constant 0 : i32
    %ne3A_3 = arith.cmpi ne, %arg0, %ne3A : i32
    %convert_element_type3A_4 = arith.extui %ne3A_3 : i1 to i32
    %cond3A_5 = arith.constant 0 : i32
    %cond3A_6 = arith.cmpi ne, %convert_element_type3A_4, %cond3A_5 : i32
    scf.if %cond3A_6 {
      %mul3A_69 = arith.constant 632 : i32
      %mul3A_70 = arith.muli %arg1, %mul3A_69 : i32
      %mul3A_71 = arith.constant 632 : i32
      %mul3A_72 = arith.muli %arg1, %mul3A_71 : i32
      "tpu.region"() ({
        %run_scoped3A_73 = tpu.sem_alloc : memref<!tpu.dma_semaphore, #tpu.memory_space<semaphore_mem>>
        %dma_start3A_74 = arith.constant 0 : i32
        %dma_start3A_75 = tpu.memref_slice %arg10[%mul3A_72, %dma_start3A_74] : memref<10112x128xf32, #tpu.memory_space<vmem_shared>> -> memref<632x128xf32, #tpu.memory_space<vmem_shared>>
        %dma_start3A_76 = arith.constant 0 : i32
        %dma_start3A_77 = tpu.memref_slice %arg5[%mul3A_70, %dma_start3A_76] : memref<10112x128xf32, #tpu.memory_space<hbm>> -> memref<632x128xf32, #tpu.memory_space<hbm>>
        tpu.enqueue_dma source(%dma_start3A_77 : memref<632x128xf32, #tpu.memory_space<hbm>>) target(%dma_start3A_75 : memref<632x128xf32, #tpu.memory_space<vmem_shared>>) target_semaphore(%run_scoped3A_73 : memref<!tpu.dma_semaphore, #tpu.memory_space<semaphore_mem>>)
        %dma_wait3A_78 = arith.constant 0 : i32
        %dma_wait3A_79 = tpu.memref_slice %arg10[%mul3A_72, %dma_wait3A_78] : memref<10112x128xf32, #tpu.memory_space<vmem_shared>> -> memref<632x128xf32, #tpu.memory_space<vmem_shared>>
        %dma_wait3A_80 = arith.constant 0 : i32
        %dma_wait3A_81 = tpu.memref_slice %arg5[%mul3A_70, %dma_wait3A_80] : memref<10112x128xf32, #tpu.memory_space<hbm>> -> memref<632x128xf32, #tpu.memory_space<hbm>>
        tpu.wait_dma2 semaphore(%run_scoped3A_73 : memref<!tpu.dma_semaphore, #tpu.memory_space<semaphore_mem>>) src(%dma_wait3A_81 : memref<632x128xf32, #tpu.memory_space<hbm>>) dst(%dma_wait3A_79 : memref<632x128xf32, #tpu.memory_space<vmem_shared>>)
        tpu.yield
      }) : () -> ()
    } else {
    }
    "tpu.region"() ({
      %run_scoped3A_69 = tpu.sem_alloc : memref<!tpu.dma_semaphore, #tpu.memory_space<semaphore_mem>>
      %dma_start3A_70 = arith.constant 0 : i32
      %dma_start3A_71 = arith.constant 0 : i32
      %dma_start3A_72 = tpu.memref_slice %arg3[%add3A, %dma_start3A_70, %dma_start3A_71] : memref<32x79x128xi32, #tpu.memory_space<hbm>> -> memref<1x79x128xi32, #tpu.memory_space<hbm>>
      %dma_start3A_73 = tpu.memref_squeeze %dma_start3A_72 : memref<1x79x128xi32, #tpu.memory_space<hbm>> -> memref<79x128xi32, #tpu.memory_space<hbm>>
      %dma_start3A_74 = arith.constant 0 : i32
      %dma_start3A_75 = arith.constant 0 : i32
      %dma_start3A_76 = tpu.memref_slice %arg3[%add3A, %dma_start3A_74, %dma_start3A_75] : memref<32x79x128xi32, #tpu.memory_space<hbm>> -> memref<1x79x128xi32, #tpu.memory_space<hbm>>
      %dma_start3A_77 = tpu.memref_squeeze %dma_start3A_76 : memref<1x79x128xi32, #tpu.memory_space<hbm>> -> memref<79x128xi32, #tpu.memory_space<hbm>>
      tpu.enqueue_dma source(%dma_start3A_77 : memref<79x128xi32, #tpu.memory_space<hbm>>) target(%arg7 : memref<79x128xi32, #tpu.memory_space<vmem>>) target_semaphore(%run_scoped3A_69 : memref<!tpu.dma_semaphore, #tpu.memory_space<semaphore_mem>>)
      %dma_wait3A_78 = arith.constant 0 : i32
      %dma_wait3A_79 = arith.constant 0 : i32
      %dma_wait3A_80 = tpu.memref_slice %arg3[%add3A, %dma_wait3A_78, %dma_wait3A_79] : memref<32x79x128xi32, #tpu.memory_space<hbm>> -> memref<1x79x128xi32, #tpu.memory_space<hbm>>
      %dma_wait3A_81 = tpu.memref_squeeze %dma_wait3A_80 : memref<1x79x128xi32, #tpu.memory_space<hbm>> -> memref<79x128xi32, #tpu.memory_space<hbm>>
      %dma_wait3A_82 = arith.constant 0 : i32
      %dma_wait3A_83 = arith.constant 0 : i32
      %dma_wait3A_84 = tpu.memref_slice %arg3[%add3A, %dma_wait3A_82, %dma_wait3A_83] : memref<32x79x128xi32, #tpu.memory_space<hbm>> -> memref<1x79x128xi32, #tpu.memory_space<hbm>>
      %dma_wait3A_85 = tpu.memref_squeeze %dma_wait3A_84 : memref<1x79x128xi32, #tpu.memory_space<hbm>> -> memref<79x128xi32, #tpu.memory_space<hbm>>
      tpu.wait_dma2 semaphore(%run_scoped3A_69 : memref<!tpu.dma_semaphore, #tpu.memory_space<semaphore_mem>>) src(%dma_wait3A_85 : memref<79x128xi32, #tpu.memory_space<hbm>>) dst(%arg7 : memref<79x128xi32, #tpu.memory_space<vmem>>)
      tpu.yield
    }) : () -> ()
    %barrier3A = arith.constant 0 : index
    tpu.barrier barrier_id(%barrier3A)
    %dma_start3A = arith.constant 0 : i32
    %dma_start3A_7 = arith.constant 0 : i32
    %dma_start3A_8 = arith.constant 0 : i32
    %dma_start3A_9 = arith.constant 0 : i32
    %dma_start3A_10 = tpu.memref_slice %arg9[%dma_start3A_7, %dma_start3A_8, %dma_start3A_9] : memref<2x128x128xf32, #tpu.memory_space<vmem>> -> memref<1x128x128xf32, #tpu.memory_space<vmem>>
    %dma_start3A_11 = tpu.memref_squeeze %dma_start3A_10 : memref<1x128x128xf32, #tpu.memory_space<vmem>> -> memref<128x128xf32, #tpu.memory_space<vmem>>
    %dma_start3A_12 = arith.constant 0 : i32
    %dma_start3A_13 = tpu.memref_slice %arg7[%dma_start3A, %dma_start3A_12] : memref<79x128xi32, #tpu.memory_space<vmem>> -> memref<1x128xi32, #tpu.memory_space<vmem>>
    %dma_start3A_14 = tpu.memref_squeeze %dma_start3A_13 : memref<1x128xi32, #tpu.memory_space<vmem>> -> memref<128xi32, #tpu.memory_space<vmem>>
    %dma_start3A_15 = arith.constant 0 : i32
    %dma_start3A_16 = arith.constant 0 : i32
    %dma_start3A_17 = tpu.memref_slice %arg2[%dma_start3A_15, %dma_start3A_16] : memref<10240x128xf32, #tpu.memory_space<hbm>> -> memref<10240x128xf32, #tpu.memory_space<hbm>>
    tpu.enqueue_indirect_dma source(%dma_start3A_17 : memref<10240x128xf32, #tpu.memory_space<hbm>>) target(%dma_start3A_11 : memref<128x128xf32, #tpu.memory_space<vmem>>) offsets(%dma_start3A_14 : memref<128xi32, #tpu.memory_space<vmem>>) semaphore(%arg11 : memref<!tpu.dma_semaphore, #tpu.memory_space<semaphore_mem>>)
    %dma_start3A_18 = arith.constant 0 : i32
    %dma_start3A_19 = arith.constant 0 : i32
    %dma_start3A_20 = arith.constant 0 : i32
    %dma_start3A_21 = tpu.memref_slice %arg8[%dma_start3A_19, %dma_start3A_20] : memref<2x128xi32, #tpu.memory_space<vmem>> -> memref<1x128xi32, #tpu.memory_space<vmem>>
    %dma_start3A_22 = tpu.memref_squeeze %dma_start3A_21 : memref<1x128xi32, #tpu.memory_space<vmem>> -> memref<128xi32, #tpu.memory_space<vmem>>
    %dma_start3A_23 = arith.constant 0 : i32
    %dma_start3A_24 = tpu.memref_slice %arg4[%add3A, %dma_start3A_18, %dma_start3A_23] : memref<32x79x128xi32, #tpu.memory_space<hbm>> -> memref<1x1x128xi32, #tpu.memory_space<hbm>>
    %dma_start3A_25 = tpu.memref_squeeze %dma_start3A_24 : memref<1x1x128xi32, #tpu.memory_space<hbm>> -> memref<128xi32, #tpu.memory_space<hbm>>
    %dma_start3A_26 = arith.constant 0 : i32
    %dma_start3A_27 = tpu.memref_slice %arg8[%dma_start3A_19, %dma_start3A_26] : memref<2x128xi32, #tpu.memory_space<vmem>> -> memref<1x128xi32, #tpu.memory_space<vmem>>
    %dma_start3A_28 = tpu.memref_squeeze %dma_start3A_27 : memref<1x128xi32, #tpu.memory_space<vmem>> -> memref<128xi32, #tpu.memory_space<vmem>>
    %dma_start3A_29 = arith.constant 0 : i32
    %dma_start3A_30 = tpu.memref_slice %arg4[%add3A, %dma_start3A_18, %dma_start3A_29] : memref<32x79x128xi32, #tpu.memory_space<hbm>> -> memref<1x1x128xi32, #tpu.memory_space<hbm>>
    %dma_start3A_31 = tpu.memref_squeeze %dma_start3A_30 : memref<1x1x128xi32, #tpu.memory_space<hbm>> -> memref<128xi32, #tpu.memory_space<hbm>>
    tpu.enqueue_dma source(%dma_start3A_31 : memref<128xi32, #tpu.memory_space<hbm>>) target(%dma_start3A_28 : memref<128xi32, #tpu.memory_space<vmem>>) target_semaphore(%arg11 : memref<!tpu.dma_semaphore, #tpu.memory_space<semaphore_mem>>)
    %scan3A = arith.constant 0 : i32
    %scan3A_32 = arith.constant 0 : i32
    %scan3A_33 = arith.constant 39 : i32
    %scan3A_34 = arith.addi %scan3A_32, %scan3A_33 : i32
    %scan3A_35 = arith.constant 1 : i32
    scf.for %scan3A_69 = %scan3A_32 to %scan3A_34 step %scan3A_35  : i32 {
      %mul3A_70 = arith.constant 2 : i32
      %mul3A_71 = arith.muli %mul3A_70, %scan3A_69 : i32
      %add3A_72 = arith.constant 1 : i32
      %add3A_73 = arith.addi %mul3A_71, %add3A_72 : i32
      %dma_start3A_74 = arith.constant 1 : i32
      %dma_start3A_75 = arith.constant 0 : i32
      %dma_start3A_76 = arith.constant 0 : i32
      %dma_start3A_77 = tpu.memref_slice %arg9[%dma_start3A_74, %dma_start3A_75, %dma_start3A_76] : memref<2x128x128xf32, #tpu.memory_space<vmem>> -> memref<1x128x128xf32, #tpu.memory_space<vmem>>
      %dma_start3A_78 = tpu.memref_squeeze %dma_start3A_77 : memref<1x128x128xf32, #tpu.memory_space<vmem>> -> memref<128x128xf32, #tpu.memory_space<vmem>>
      %dma_start3A_79 = arith.constant 0 : i32
      %dma_start3A_80 = tpu.memref_slice %arg7[%add3A_73, %dma_start3A_79] : memref<79x128xi32, #tpu.memory_space<vmem>> -> memref<1x128xi32, #tpu.memory_space<vmem>>
      %dma_start3A_81 = tpu.memref_squeeze %dma_start3A_80 : memref<1x128xi32, #tpu.memory_space<vmem>> -> memref<128xi32, #tpu.memory_space<vmem>>
      %dma_start3A_82 = arith.constant 0 : i32
      %dma_start3A_83 = arith.constant 0 : i32
      %dma_start3A_84 = tpu.memref_slice %arg2[%dma_start3A_82, %dma_start3A_83] : memref<10240x128xf32, #tpu.memory_space<hbm>> -> memref<10240x128xf32, #tpu.memory_space<hbm>>
      tpu.enqueue_indirect_dma source(%dma_start3A_84 : memref<10240x128xf32, #tpu.memory_space<hbm>>) target(%dma_start3A_78 : memref<128x128xf32, #tpu.memory_space<vmem>>) offsets(%dma_start3A_81 : memref<128xi32, #tpu.memory_space<vmem>>) semaphore(%arg12 : memref<!tpu.dma_semaphore, #tpu.memory_space<semaphore_mem>>)
      %dma_start3A_85 = arith.constant 1 : i32
      %dma_start3A_86 = arith.constant 0 : i32
      %dma_start3A_87 = tpu.memref_slice %arg8[%dma_start3A_85, %dma_start3A_86] : memref<2x128xi32, #tpu.memory_space<vmem>> -> memref<1x128xi32, #tpu.memory_space<vmem>>
      %dma_start3A_88 = tpu.memref_squeeze %dma_start3A_87 : memref<1x128xi32, #tpu.memory_space<vmem>> -> memref<128xi32, #tpu.memory_space<vmem>>
      %dma_start3A_89 = arith.constant 0 : i32
      %dma_start3A_90 = tpu.memref_slice %arg4[%add3A, %add3A_73, %dma_start3A_89] : memref<32x79x128xi32, #tpu.memory_space<hbm>> -> memref<1x1x128xi32, #tpu.memory_space<hbm>>
      %dma_start3A_91 = tpu.memref_squeeze %dma_start3A_90 : memref<1x1x128xi32, #tpu.memory_space<hbm>> -> memref<128xi32, #tpu.memory_space<hbm>>
      %dma_start3A_92 = arith.constant 0 : i32
      %dma_start3A_93 = tpu.memref_slice %arg8[%dma_start3A_85, %dma_start3A_92] : memref<2x128xi32, #tpu.memory_space<vmem>> -> memref<1x128xi32, #tpu.memory_space<vmem>>
      %dma_start3A_94 = tpu.memref_squeeze %dma_start3A_93 : memref<1x128xi32, #tpu.memory_space<vmem>> -> memref<128xi32, #tpu.memory_space<vmem>>
      %dma_start3A_95 = arith.constant 0 : i32
      %dma_start3A_96 = tpu.memref_slice %arg4[%add3A, %add3A_73, %dma_start3A_95] : memref<32x79x128xi32, #tpu.memory_space<hbm>> -> memref<1x1x128xi32, #tpu.memory_space<hbm>>
      %dma_start3A_97 = tpu.memref_squeeze %dma_start3A_96 : memref<1x1x128xi32, #tpu.memory_space<hbm>> -> memref<128xi32, #tpu.memory_space<hbm>>
      tpu.enqueue_dma source(%dma_start3A_97 : memref<128xi32, #tpu.memory_space<hbm>>) target(%dma_start3A_94 : memref<128xi32, #tpu.memory_space<vmem>>) target_semaphore(%arg12 : memref<!tpu.dma_semaphore, #tpu.memory_space<semaphore_mem>>)
      %dma_wait3A_98 = arith.constant 0 : i32
      %dma_wait3A_99 = arith.constant 0 : i32
      %dma_wait3A_100 = arith.constant 0 : i32
      %dma_wait3A_101 = arith.constant 0 : i32
      %dma_wait3A_102 = tpu.memref_slice %arg9[%dma_wait3A_99, %dma_wait3A_100, %dma_wait3A_101] : memref<2x128x128xf32, #tpu.memory_space<vmem>> -> memref<1x128x128xf32, #tpu.memory_space<vmem>>
      %dma_wait3A_103 = tpu.memref_squeeze %dma_wait3A_102 : memref<1x128x128xf32, #tpu.memory_space<vmem>> -> memref<128x128xf32, #tpu.memory_space<vmem>>
      %dma_wait3A_104 = arith.constant 0 : i32
      %dma_wait3A_105 = tpu.memref_slice %arg7[%dma_wait3A_98, %dma_wait3A_104] : memref<79x128xi32, #tpu.memory_space<vmem>> -> memref<1x128xi32, #tpu.memory_space<vmem>>
      %dma_wait3A_106 = tpu.memref_squeeze %dma_wait3A_105 : memref<1x128xi32, #tpu.memory_space<vmem>> -> memref<128xi32, #tpu.memory_space<vmem>>
      %dma_wait3A_107 = arith.constant 0 : i32
      %dma_wait3A_108 = arith.constant 0 : i32
      %dma_wait3A_109 = tpu.memref_slice %arg2[%dma_wait3A_107, %dma_wait3A_108] : memref<10240x128xf32, #tpu.memory_space<hbm>> -> memref<10240x128xf32, #tpu.memory_space<hbm>>
      tpu.wait_indirect_dma semaphore(%arg11 : memref<!tpu.dma_semaphore, #tpu.memory_space<semaphore_mem>>) src(%dma_wait3A_109 : memref<10240x128xf32, #tpu.memory_space<hbm>>) dst(%dma_wait3A_103 : memref<128x128xf32, #tpu.memory_space<vmem>>)
      %dma_wait3A_110 = arith.constant 0 : i32
      %dma_wait3A_111 = arith.constant 0 : i32
      %dma_wait3A_112 = arith.constant 0 : i32
      %dma_wait3A_113 = arith.constant 0 : i32
      %dma_wait3A_114 = tpu.memref_slice %arg8[%dma_wait3A_112, %dma_wait3A_113] : memref<2x128xi32, #tpu.memory_space<vmem>> -> memref<1x128xi32, #tpu.memory_space<vmem>>
      %dma_wait3A_115 = tpu.memref_squeeze %dma_wait3A_114 : memref<1x128xi32, #tpu.memory_space<vmem>> -> memref<128xi32, #tpu.memory_space<vmem>>
      %dma_wait3A_116 = arith.constant 0 : i32
      %dma_wait3A_117 = tpu.memref_slice %arg4[%dma_wait3A_110, %dma_wait3A_111, %dma_wait3A_116] : memref<32x79x128xi32, #tpu.memory_space<hbm>> -> memref<1x1x128xi32, #tpu.memory_space<hbm>>
      %dma_wait3A_118 = tpu.memref_squeeze %dma_wait3A_117 : memref<1x1x128xi32, #tpu.memory_space<hbm>> -> memref<128xi32, #tpu.memory_space<hbm>>
      %dma_wait3A_119 = arith.constant 0 : i32
      %dma_wait3A_120 = tpu.memref_slice %arg8[%dma_wait3A_112, %dma_wait3A_119] : memref<2x128xi32, #tpu.memory_space<vmem>> -> memref<1x128xi32, #tpu.memory_space<vmem>>
      %dma_wait3A_121 = tpu.memref_squeeze %dma_wait3A_120 : memref<1x128xi32, #tpu.memory_space<vmem>> -> memref<128xi32, #tpu.memory_space<vmem>>
      %dma_wait3A_122 = arith.constant 0 : i32
      %dma_wait3A_123 = tpu.memref_slice %arg4[%dma_wait3A_110, %dma_wait3A_111, %dma_wait3A_122] : memref<32x79x128xi32, #tpu.memory_space<hbm>> -> memref<1x1x128xi32, #tpu.memory_space<hbm>>
      %dma_wait3A_124 = tpu.memref_squeeze %dma_wait3A_123 : memref<1x1x128xi32, #tpu.memory_space<hbm>> -> memref<128xi32, #tpu.memory_space<hbm>>
      tpu.wait_dma2 semaphore(%arg11 : memref<!tpu.dma_semaphore, #tpu.memory_space<semaphore_mem>>) src(%dma_wait3A_124 : memref<128xi32, #tpu.memory_space<hbm>>) dst(%dma_wait3A_121 : memref<128xi32, #tpu.memory_space<vmem>>)
      %run_scoped3A_125 = arith.constant 0 : i32
      %run_scoped3A_126 = arith.constant 0 : i32
      "tpu.region"() ({
        %run_scoped3A_182 = tpu.sem_alloc : memref<!tpu.dma_semaphore, #tpu.memory_space<semaphore_mem>>
        %dma_start3A_183 = arith.constant 0 : i32
        %dma_start3A_184 = arith.constant 0 : i32
        %dma_start3A_185 = tpu.memref_slice %arg9[%run_scoped3A_125, %dma_start3A_183, %dma_start3A_184] : memref<2x128x128xf32, #tpu.memory_space<vmem>> -> memref<1x128x128xf32, #tpu.memory_space<vmem>>
        %dma_start3A_186 = tpu.memref_squeeze %dma_start3A_185 : memref<1x128x128xf32, #tpu.memory_space<vmem>> -> memref<128x128xf32, #tpu.memory_space<vmem>>
        %dma_start3A_187 = arith.constant 0 : i32
        %dma_start3A_188 = tpu.memref_slice %arg8[%run_scoped3A_126, %dma_start3A_187] : memref<2x128xi32, #tpu.memory_space<vmem>> -> memref<1x128xi32, #tpu.memory_space<vmem>>
        %dma_start3A_189 = tpu.memref_squeeze %dma_start3A_188 : memref<1x128xi32, #tpu.memory_space<vmem>> -> memref<128xi32, #tpu.memory_space<vmem>>
        %dma_start3A_190 = arith.constant 0 : i32
        %dma_start3A_191 = arith.constant 0 : i32
        %dma_start3A_192 = tpu.memref_slice %arg10[%dma_start3A_190, %dma_start3A_191] : memref<10112x128xf32, #tpu.memory_space<vmem_shared>> -> memref<10112x128xf32, #tpu.memory_space<vmem_shared>>
        tpu.enqueue_indirect_dma source(%dma_start3A_186 : memref<128x128xf32, #tpu.memory_space<vmem>>) target(%dma_start3A_192 : memref<10112x128xf32, #tpu.memory_space<vmem_shared>>) offsets(%dma_start3A_189 : memref<128xi32, #tpu.memory_space<vmem>>) semaphore(%run_scoped3A_182 : memref<!tpu.dma_semaphore, #tpu.memory_space<semaphore_mem>>) {add = true}
        %dma_wait3A_193 = arith.constant 0 : i32
        %dma_wait3A_194 = arith.constant 0 : i32
        %dma_wait3A_195 = tpu.memref_slice %arg9[%run_scoped3A_125, %dma_wait3A_193, %dma_wait3A_194] : memref<2x128x128xf32, #tpu.memory_space<vmem>> -> memref<1x128x128xf32, #tpu.memory_space<vmem>>
        %dma_wait3A_196 = tpu.memref_squeeze %dma_wait3A_195 : memref<1x128x128xf32, #tpu.memory_space<vmem>> -> memref<128x128xf32, #tpu.memory_space<vmem>>
        %dma_wait3A_197 = arith.constant 0 : i32
        %dma_wait3A_198 = tpu.memref_slice %arg8[%run_scoped3A_126, %dma_wait3A_197] : memref<2x128xi32, #tpu.memory_space<vmem>> -> memref<1x128xi32, #tpu.memory_space<vmem>>
        %dma_wait3A_199 = tpu.memref_squeeze %dma_wait3A_198 : memref<1x128xi32, #tpu.memory_space<vmem>> -> memref<128xi32, #tpu.memory_space<vmem>>
        %dma_wait3A_200 = arith.constant 0 : i32
        %dma_wait3A_201 = arith.constant 0 : i32
        %dma_wait3A_202 = tpu.memref_slice %arg10[%dma_wait3A_200, %dma_wait3A_201] : memref<10112x128xf32, #tpu.memory_space<vmem_shared>> -> memref<10112x128xf32, #tpu.memory_space<vmem_shared>>
        tpu.wait_indirect_dma semaphore(%run_scoped3A_182 : memref<!tpu.dma_semaphore, #tpu.memory_space<semaphore_mem>>) src(%dma_wait3A_196 : memref<128x128xf32, #tpu.memory_space<vmem>>) dst(%dma_wait3A_202 : memref<10112x128xf32, #tpu.memory_space<vmem_shared>>)
        tpu.yield
      }) : () -> ()
      %add3A_127 = arith.constant 2 : i32
      %add3A_128 = arith.addi %mul3A_71, %add3A_127 : i32
      %dma_start3A_129 = arith.constant 0 : i32
      %dma_start3A_130 = arith.constant 0 : i32
      %dma_start3A_131 = arith.constant 0 : i32
      %dma_start3A_132 = tpu.memref_slice %arg9[%dma_start3A_129, %dma_start3A_130, %dma_start3A_131] : memref<2x128x128xf32, #tpu.memory_space<vmem>> -> memref<1x128x128xf32, #tpu.memory_space<vmem>>
      %dma_start3A_133 = tpu.memref_squeeze %dma_start3A_132 : memref<1x128x128xf32, #tpu.memory_space<vmem>> -> memref<128x128xf32, #tpu.memory_space<vmem>>
      %dma_start3A_134 = arith.constant 0 : i32
      %dma_start3A_135 = tpu.memref_slice %arg7[%add3A_128, %dma_start3A_134] : memref<79x128xi32, #tpu.memory_space<vmem>> -> memref<1x128xi32, #tpu.memory_space<vmem>>
      %dma_start3A_136 = tpu.memref_squeeze %dma_start3A_135 : memref<1x128xi32, #tpu.memory_space<vmem>> -> memref<128xi32, #tpu.memory_space<vmem>>
      %dma_start3A_137 = arith.constant 0 : i32
      %dma_start3A_138 = arith.constant 0 : i32
      %dma_start3A_139 = tpu.memref_slice %arg2[%dma_start3A_137, %dma_start3A_138] : memref<10240x128xf32, #tpu.memory_space<hbm>> -> memref<10240x128xf32, #tpu.memory_space<hbm>>
      tpu.enqueue_indirect_dma source(%dma_start3A_139 : memref<10240x128xf32, #tpu.memory_space<hbm>>) target(%dma_start3A_133 : memref<128x128xf32, #tpu.memory_space<vmem>>) offsets(%dma_start3A_136 : memref<128xi32, #tpu.memory_space<vmem>>) semaphore(%arg11 : memref<!tpu.dma_semaphore, #tpu.memory_space<semaphore_mem>>)
      %dma_start3A_140 = arith.constant 0 : i32
      %dma_start3A_141 = arith.constant 0 : i32
      %dma_start3A_142 = tpu.memref_slice %arg8[%dma_start3A_140, %dma_start3A_141] : memref<2x128xi32, #tpu.memory_space<vmem>> -> memref<1x128xi32, #tpu.memory_space<vmem>>
      %dma_start3A_143 = tpu.memref_squeeze %dma_start3A_142 : memref<1x128xi32, #tpu.memory_space<vmem>> -> memref<128xi32, #tpu.memory_space<vmem>>
      %dma_start3A_144 = arith.constant 0 : i32
      %dma_start3A_145 = tpu.memref_slice %arg4[%add3A, %add3A_128, %dma_start3A_144] : memref<32x79x128xi32, #tpu.memory_space<hbm>> -> memref<1x1x128xi32, #tpu.memory_space<hbm>>
      %dma_start3A_146 = tpu.memref_squeeze %dma_start3A_145 : memref<1x1x128xi32, #tpu.memory_space<hbm>> -> memref<128xi32, #tpu.memory_space<hbm>>
      %dma_start3A_147 = arith.constant 0 : i32
      %dma_start3A_148 = tpu.memref_slice %arg8[%dma_start3A_140, %dma_start3A_147] : memref<2x128xi32, #tpu.memory_space<vmem>> -> memref<1x128xi32, #tpu.memory_space<vmem>>
      %dma_start3A_149 = tpu.memref_squeeze %dma_start3A_148 : memref<1x128xi32, #tpu.memory_space<vmem>> -> memref<128xi32, #tpu.memory_space<vmem>>
      %dma_start3A_150 = arith.constant 0 : i32
      %dma_start3A_151 = tpu.memref_slice %arg4[%add3A, %add3A_128, %dma_start3A_150] : memref<32x79x128xi32, #tpu.memory_space<hbm>> -> memref<1x1x128xi32, #tpu.memory_space<hbm>>
      %dma_start3A_152 = tpu.memref_squeeze %dma_start3A_151 : memref<1x1x128xi32, #tpu.memory_space<hbm>> -> memref<128xi32, #tpu.memory_space<hbm>>
      tpu.enqueue_dma source(%dma_start3A_152 : memref<128xi32, #tpu.memory_space<hbm>>) target(%dma_start3A_149 : memref<128xi32, #tpu.memory_space<vmem>>) target_semaphore(%arg11 : memref<!tpu.dma_semaphore, #tpu.memory_space<semaphore_mem>>)
      %dma_wait3A_153 = arith.constant 0 : i32
      %dma_wait3A_154 = arith.constant 1 : i32
      %dma_wait3A_155 = arith.constant 0 : i32
      %dma_wait3A_156 = arith.constant 0 : i32
      %dma_wait3A_157 = tpu.memref_slice %arg9[%dma_wait3A_154, %dma_wait3A_155, %dma_wait3A_156] : memref<2x128x128xf32, #tpu.memory_space<vmem>> -> memref<1x128x128xf32, #tpu.memory_space<vmem>>
      %dma_wait3A_158 = tpu.memref_squeeze %dma_wait3A_157 : memref<1x128x128xf32, #tpu.memory_space<vmem>> -> memref<128x128xf32, #tpu.memory_space<vmem>>
      %dma_wait3A_159 = arith.constant 0 : i32
      %dma_wait3A_160 = tpu.memref_slice %arg7[%dma_wait3A_153, %dma_wait3A_159] : memref<79x128xi32, #tpu.memory_space<vmem>> -> memref<1x128xi32, #tpu.memory_space<vmem>>
      %dma_wait3A_161 = tpu.memref_squeeze %dma_wait3A_160 : memref<1x128xi32, #tpu.memory_space<vmem>> -> memref<128xi32, #tpu.memory_space<vmem>>
      %dma_wait3A_162 = arith.constant 0 : i32
      %dma_wait3A_163 = arith.constant 0 : i32
      %dma_wait3A_164 = tpu.memref_slice %arg2[%dma_wait3A_162, %dma_wait3A_163] : memref<10240x128xf32, #tpu.memory_space<hbm>> -> memref<10240x128xf32, #tpu.memory_space<hbm>>
      tpu.wait_indirect_dma semaphore(%arg12 : memref<!tpu.dma_semaphore, #tpu.memory_space<semaphore_mem>>) src(%dma_wait3A_164 : memref<10240x128xf32, #tpu.memory_space<hbm>>) dst(%dma_wait3A_158 : memref<128x128xf32, #tpu.memory_space<vmem>>)
      %dma_wait3A_165 = arith.constant 0 : i32
      %dma_wait3A_166 = arith.constant 0 : i32
      %dma_wait3A_167 = arith.constant 1 : i32
      %dma_wait3A_168 = arith.constant 0 : i32
      %dma_wait3A_169 = tpu.memref_slice %arg8[%dma_wait3A_167, %dma_wait3A_168] : memref<2x128xi32, #tpu.memory_space<vmem>> -> memref<1x128xi32, #tpu.memory_space<vmem>>
      %dma_wait3A_170 = tpu.memref_squeeze %dma_wait3A_169 : memref<1x128xi32, #tpu.memory_space<vmem>> -> memref<128xi32, #tpu.memory_space<vmem>>
      %dma_wait3A_171 = arith.constant 0 : i32
      %dma_wait3A_172 = tpu.memref_slice %arg4[%dma_wait3A_165, %dma_wait3A_166, %dma_wait3A_171] : memref<32x79x128xi32, #tpu.memory_space<hbm>> -> memref<1x1x128xi32, #tpu.memory_space<hbm>>
      %dma_wait3A_173 = tpu.memref_squeeze %dma_wait3A_172 : memref<1x1x128xi32, #tpu.memory_space<hbm>> -> memref<128xi32, #tpu.memory_space<hbm>>
      %dma_wait3A_174 = arith.constant 0 : i32
      %dma_wait3A_175 = tpu.memref_slice %arg8[%dma_wait3A_167, %dma_wait3A_174] : memref<2x128xi32, #tpu.memory_space<vmem>> -> memref<1x128xi32, #tpu.memory_space<vmem>>
      %dma_wait3A_176 = tpu.memref_squeeze %dma_wait3A_175 : memref<1x128xi32, #tpu.memory_space<vmem>> -> memref<128xi32, #tpu.memory_space<vmem>>
      %dma_wait3A_177 = arith.constant 0 : i32
      %dma_wait3A_178 = tpu.memref_slice %arg4[%dma_wait3A_165, %dma_wait3A_166, %dma_wait3A_177] : memref<32x79x128xi32, #tpu.memory_space<hbm>> -> memref<1x1x128xi32, #tpu.memory_space<hbm>>
      %dma_wait3A_179 = tpu.memref_squeeze %dma_wait3A_178 : memref<1x1x128xi32, #tpu.memory_space<hbm>> -> memref<128xi32, #tpu.memory_space<hbm>>
      tpu.wait_dma2 semaphore(%arg12 : memref<!tpu.dma_semaphore, #tpu.memory_space<semaphore_mem>>) src(%dma_wait3A_179 : memref<128xi32, #tpu.memory_space<hbm>>) dst(%dma_wait3A_176 : memref<128xi32, #tpu.memory_space<vmem>>)
      %run_scoped3A_180 = arith.constant 1 : i32
      %run_scoped3A_181 = arith.constant 1 : i32
      "tpu.region"() ({
        %run_scoped3A_182 = tpu.sem_alloc : memref<!tpu.dma_semaphore, #tpu.memory_space<semaphore_mem>>
        %dma_start3A_183 = arith.constant 0 : i32
        %dma_start3A_184 = arith.constant 0 : i32
        %dma_start3A_185 = tpu.memref_slice %arg9[%run_scoped3A_180, %dma_start3A_183, %dma_start3A_184] : memref<2x128x128xf32, #tpu.memory_space<vmem>> -> memref<1x128x128xf32, #tpu.memory_space<vmem>>
        %dma_start3A_186 = tpu.memref_squeeze %dma_start3A_185 : memref<1x128x128xf32, #tpu.memory_space<vmem>> -> memref<128x128xf32, #tpu.memory_space<vmem>>
        %dma_start3A_187 = arith.constant 0 : i32
        %dma_start3A_188 = tpu.memref_slice %arg8[%run_scoped3A_181, %dma_start3A_187] : memref<2x128xi32, #tpu.memory_space<vmem>> -> memref<1x128xi32, #tpu.memory_space<vmem>>
        %dma_start3A_189 = tpu.memref_squeeze %dma_start3A_188 : memref<1x128xi32, #tpu.memory_space<vmem>> -> memref<128xi32, #tpu.memory_space<vmem>>
        %dma_start3A_190 = arith.constant 0 : i32
        %dma_start3A_191 = arith.constant 0 : i32
        %dma_start3A_192 = tpu.memref_slice %arg10[%dma_start3A_190, %dma_start3A_191] : memref<10112x128xf32, #tpu.memory_space<vmem_shared>> -> memref<10112x128xf32, #tpu.memory_space<vmem_shared>>
        tpu.enqueue_indirect_dma source(%dma_start3A_186 : memref<128x128xf32, #tpu.memory_space<vmem>>) target(%dma_start3A_192 : memref<10112x128xf32, #tpu.memory_space<vmem_shared>>) offsets(%dma_start3A_189 : memref<128xi32, #tpu.memory_space<vmem>>) semaphore(%run_scoped3A_182 : memref<!tpu.dma_semaphore, #tpu.memory_space<semaphore_mem>>) {add = true}
        %dma_wait3A_193 = arith.constant 0 : i32
        %dma_wait3A_194 = arith.constant 0 : i32
        %dma_wait3A_195 = tpu.memref_slice %arg9[%run_scoped3A_180, %dma_wait3A_193, %dma_wait3A_194] : memref<2x128x128xf32, #tpu.memory_space<vmem>> -> memref<1x128x128xf32, #tpu.memory_space<vmem>>
        %dma_wait3A_196 = tpu.memref_squeeze %dma_wait3A_195 : memref<1x128x128xf32, #tpu.memory_space<vmem>> -> memref<128x128xf32, #tpu.memory_space<vmem>>
        %dma_wait3A_197 = arith.constant 0 : i32
        %dma_wait3A_198 = tpu.memref_slice %arg8[%run_scoped3A_181, %dma_wait3A_197] : memref<2x128xi32, #tpu.memory_space<vmem>> -> memref<1x128xi32, #tpu.memory_space<vmem>>
        %dma_wait3A_199 = tpu.memref_squeeze %dma_wait3A_198 : memref<1x128xi32, #tpu.memory_space<vmem>> -> memref<128xi32, #tpu.memory_space<vmem>>
        %dma_wait3A_200 = arith.constant 0 : i32
        %dma_wait3A_201 = arith.constant 0 : i32
        %dma_wait3A_202 = tpu.memref_slice %arg10[%dma_wait3A_200, %dma_wait3A_201] : memref<10112x128xf32, #tpu.memory_space<vmem_shared>> -> memref<10112x128xf32, #tpu.memory_space<vmem_shared>>
        tpu.wait_indirect_dma semaphore(%run_scoped3A_182 : memref<!tpu.dma_semaphore, #tpu.memory_space<semaphore_mem>>) src(%dma_wait3A_196 : memref<128x128xf32, #tpu.memory_space<vmem>>) dst(%dma_wait3A_202 : memref<10112x128xf32, #tpu.memory_space<vmem_shared>>)
        tpu.yield
      }) : () -> ()
    }
    %scan3A_36 = arith.constant 39 : i32
    %dma_wait3A = arith.constant 0 : i32
    %dma_wait3A_37 = arith.constant 0 : i32
    %dma_wait3A_38 = arith.constant 0 : i32
    %dma_wait3A_39 = arith.constant 0 : i32
    %dma_wait3A_40 = tpu.memref_slice %arg9[%dma_wait3A_37, %dma_wait3A_38, %dma_wait3A_39] : memref<2x128x128xf32, #tpu.memory_space<vmem>> -> memref<1x128x128xf32, #tpu.memory_space<vmem>>
    %dma_wait3A_41 = tpu.memref_squeeze %dma_wait3A_40 : memref<1x128x128xf32, #tpu.memory_space<vmem>> -> memref<128x128xf32, #tpu.memory_space<vmem>>
    %dma_wait3A_42 = arith.constant 0 : i32
    %dma_wait3A_43 = tpu.memref_slice %arg7[%dma_wait3A, %dma_wait3A_42] : memref<79x128xi32, #tpu.memory_space<vmem>> -> memref<1x128xi32, #tpu.memory_space<vmem>>
    %dma_wait3A_44 = tpu.memref_squeeze %dma_wait3A_43 : memref<1x128xi32, #tpu.memory_space<vmem>> -> memref<128xi32, #tpu.memory_space<vmem>>
    %dma_wait3A_45 = arith.constant 0 : i32
    %dma_wait3A_46 = arith.constant 0 : i32
    %dma_wait3A_47 = tpu.memref_slice %arg2[%dma_wait3A_45, %dma_wait3A_46] : memref<10240x128xf32, #tpu.memory_space<hbm>> -> memref<10240x128xf32, #tpu.memory_space<hbm>>
    tpu.wait_indirect_dma semaphore(%arg11 : memref<!tpu.dma_semaphore, #tpu.memory_space<semaphore_mem>>) src(%dma_wait3A_47 : memref<10240x128xf32, #tpu.memory_space<hbm>>) dst(%dma_wait3A_41 : memref<128x128xf32, #tpu.memory_space<vmem>>)
    %dma_wait3A_48 = arith.constant 0 : i32
    %dma_wait3A_49 = arith.constant 0 : i32
    %dma_wait3A_50 = arith.constant 0 : i32
    %dma_wait3A_51 = arith.constant 0 : i32
    %dma_wait3A_52 = tpu.memref_slice %arg8[%dma_wait3A_50, %dma_wait3A_51] : memref<2x128xi32, #tpu.memory_space<vmem>> -> memref<1x128xi32, #tpu.memory_space<vmem>>
    %dma_wait3A_53 = tpu.memref_squeeze %dma_wait3A_52 : memref<1x128xi32, #tpu.memory_space<vmem>> -> memref<128xi32, #tpu.memory_space<vmem>>
    %dma_wait3A_54 = arith.constant 0 : i32
    %dma_wait3A_55 = tpu.memref_slice %arg4[%dma_wait3A_48, %dma_wait3A_49, %dma_wait3A_54] : memref<32x79x128xi32, #tpu.memory_space<hbm>> -> memref<1x1x128xi32, #tpu.memory_space<hbm>>
    %dma_wait3A_56 = tpu.memref_squeeze %dma_wait3A_55 : memref<1x1x128xi32, #tpu.memory_space<hbm>> -> memref<128xi32, #tpu.memory_space<hbm>>
    %dma_wait3A_57 = arith.constant 0 : i32
    %dma_wait3A_58 = tpu.memref_slice %arg8[%dma_wait3A_50, %dma_wait3A_57] : memref<2x128xi32, #tpu.memory_space<vmem>> -> memref<1x128xi32, #tpu.memory_space<vmem>>
    %dma_wait3A_59 = tpu.memref_squeeze %dma_wait3A_58 : memref<1x128xi32, #tpu.memory_space<vmem>> -> memref<128xi32, #tpu.memory_space<vmem>>
    %dma_wait3A_60 = arith.constant 0 : i32
    %dma_wait3A_61 = tpu.memref_slice %arg4[%dma_wait3A_48, %dma_wait3A_49, %dma_wait3A_60] : memref<32x79x128xi32, #tpu.memory_space<hbm>> -> memref<1x1x128xi32, #tpu.memory_space<hbm>>
    %dma_wait3A_62 = tpu.memref_squeeze %dma_wait3A_61 : memref<1x1x128xi32, #tpu.memory_space<hbm>> -> memref<128xi32, #tpu.memory_space<hbm>>
    tpu.wait_dma2 semaphore(%arg11 : memref<!tpu.dma_semaphore, #tpu.memory_space<semaphore_mem>>) src(%dma_wait3A_62 : memref<128xi32, #tpu.memory_space<hbm>>) dst(%dma_wait3A_59 : memref<128xi32, #tpu.memory_space<vmem>>)
    %run_scoped3A = arith.constant 0 : i32
    %run_scoped3A_63 = arith.constant 0 : i32
    "tpu.region"() ({
      %run_scoped3A_69 = tpu.sem_alloc : memref<!tpu.dma_semaphore, #tpu.memory_space<semaphore_mem>>
      %dma_start3A_70 = arith.constant 0 : i32
      %dma_start3A_71 = arith.constant 0 : i32
      %dma_start3A_72 = tpu.memref_slice %arg9[%run_scoped3A, %dma_start3A_70, %dma_start3A_71] : memref<2x128x128xf32, #tpu.memory_space<vmem>> -> memref<1x128x128xf32, #tpu.memory_space<vmem>>
      %dma_start3A_73 = tpu.memref_squeeze %dma_start3A_72 : memref<1x128x128xf32, #tpu.memory_space<vmem>> -> memref<128x128xf32, #tpu.memory_space<vmem>>
      %dma_start3A_74 = arith.constant 0 : i32
      %dma_start3A_75 = tpu.memref_slice %arg8[%run_scoped3A_63, %dma_start3A_74] : memref<2x128xi32, #tpu.memory_space<vmem>> -> memref<1x128xi32, #tpu.memory_space<vmem>>
      %dma_start3A_76 = tpu.memref_squeeze %dma_start3A_75 : memref<1x128xi32, #tpu.memory_space<vmem>> -> memref<128xi32, #tpu.memory_space<vmem>>
      %dma_start3A_77 = arith.constant 0 : i32
      %dma_start3A_78 = arith.constant 0 : i32
      %dma_start3A_79 = tpu.memref_slice %arg10[%dma_start3A_77, %dma_start3A_78] : memref<10112x128xf32, #tpu.memory_space<vmem_shared>> -> memref<10112x128xf32, #tpu.memory_space<vmem_shared>>
      tpu.enqueue_indirect_dma source(%dma_start3A_73 : memref<128x128xf32, #tpu.memory_space<vmem>>) target(%dma_start3A_79 : memref<10112x128xf32, #tpu.memory_space<vmem_shared>>) offsets(%dma_start3A_76 : memref<128xi32, #tpu.memory_space<vmem>>) semaphore(%run_scoped3A_69 : memref<!tpu.dma_semaphore, #tpu.memory_space<semaphore_mem>>) {add = true}
      %dma_wait3A_80 = arith.constant 0 : i32
      %dma_wait3A_81 = arith.constant 0 : i32
      %dma_wait3A_82 = tpu.memref_slice %arg9[%run_scoped3A, %dma_wait3A_80, %dma_wait3A_81] : memref<2x128x128xf32, #tpu.memory_space<vmem>> -> memref<1x128x128xf32, #tpu.memory_space<vmem>>
      %dma_wait3A_83 = tpu.memref_squeeze %dma_wait3A_82 : memref<1x128x128xf32, #tpu.memory_space<vmem>> -> memref<128x128xf32, #tpu.memory_space<vmem>>
      %dma_wait3A_84 = arith.constant 0 : i32
      %dma_wait3A_85 = tpu.memref_slice %arg8[%run_scoped3A_63, %dma_wait3A_84] : memref<2x128xi32, #tpu.memory_space<vmem>> -> memref<1x128xi32, #tpu.memory_space<vmem>>
      %dma_wait3A_86 = tpu.memref_squeeze %dma_wait3A_85 : memref<1x128xi32, #tpu.memory_space<vmem>> -> memref<128xi32, #tpu.memory_space<vmem>>
      %dma_wait3A_87 = arith.constant 0 : i32
      %dma_wait3A_88 = arith.constant 0 : i32
      %dma_wait3A_89 = tpu.memref_slice %arg10[%dma_wait3A_87, %dma_wait3A_88] : memref<10112x128xf32, #tpu.memory_space<vmem_shared>> -> memref<10112x128xf32, #tpu.memory_space<vmem_shared>>
      tpu.wait_indirect_dma semaphore(%run_scoped3A_69 : memref<!tpu.dma_semaphore, #tpu.memory_space<semaphore_mem>>) src(%dma_wait3A_83 : memref<128x128xf32, #tpu.memory_space<vmem>>) dst(%dma_wait3A_89 : memref<10112x128xf32, #tpu.memory_space<vmem_shared>>)
      tpu.yield
    }) : () -> ()
    %barrier3A_64 = arith.constant 0 : index
    tpu.barrier barrier_id(%barrier3A_64)
    %mul3A_65 = arith.constant 632 : i32
    %mul3A_66 = arith.muli %arg1, %mul3A_65 : i32
    %mul3A_67 = arith.constant 632 : i32
    %mul3A_68 = arith.muli %arg1, %mul3A_67 : i32
    "tpu.region"() ({
      %run_scoped3A_69 = tpu.sem_alloc : memref<!tpu.dma_semaphore, #tpu.memory_space<semaphore_mem>>
      %dma_start3A_70 = arith.constant 0 : i32
      %dma_start3A_71 = tpu.memref_slice %arg6[%arg0, %mul3A_68, %dma_start3A_70] : memref<2x10240x128xf32, #tpu.memory_space<hbm>> -> memref<1x632x128xf32, #tpu.memory_space<hbm>>
      %dma_start3A_72 = tpu.memref_squeeze %dma_start3A_71 : memref<1x632x128xf32, #tpu.memory_space<hbm>> -> memref<632x128xf32, #tpu.memory_space<hbm>>
      %dma_start3A_73 = arith.constant 0 : i32
      %dma_start3A_74 = tpu.memref_slice %arg10[%mul3A_66, %dma_start3A_73] : memref<10112x128xf32, #tpu.memory_space<vmem_shared>> -> memref<632x128xf32, #tpu.memory_space<vmem_shared>>
      tpu.enqueue_dma source(%dma_start3A_74 : memref<632x128xf32, #tpu.memory_space<vmem_shared>>) target(%dma_start3A_72 : memref<632x128xf32, #tpu.memory_space<hbm>>) target_semaphore(%run_scoped3A_69 : memref<!tpu.dma_semaphore, #tpu.memory_space<semaphore_mem>>)
      %dma_wait3A_75 = arith.constant 0 : i32
      %dma_wait3A_76 = tpu.memref_slice %arg6[%arg0, %mul3A_68, %dma_wait3A_75] : memref<2x10240x128xf32, #tpu.memory_space<hbm>> -> memref<1x632x128xf32, #tpu.memory_space<hbm>>
      %dma_wait3A_77 = tpu.memref_squeeze %dma_wait3A_76 : memref<1x632x128xf32, #tpu.memory_space<hbm>> -> memref<632x128xf32, #tpu.memory_space<hbm>>
      %dma_wait3A_78 = arith.constant 0 : i32
      %dma_wait3A_79 = tpu.memref_slice %arg10[%mul3A_66, %dma_wait3A_78] : memref<10112x128xf32, #tpu.memory_space<vmem_shared>> -> memref<632x128xf32, #tpu.memory_space<vmem_shared>>
      tpu.wait_dma2 semaphore(%run_scoped3A_69 : memref<!tpu.dma_semaphore, #tpu.memory_space<semaphore_mem>>) src(%dma_wait3A_79 : memref<632x128xf32, #tpu.memory_space<vmem_shared>>) dst(%dma_wait3A_77 : memref<632x128xf32, #tpu.memory_space<hbm>>)
      tpu.yield
    }) : () -> ()
    return
  }
}

module attributes {stable_mosaic.version = 14 : i64} {
  func.func @_stage0_body(%arg0: i32, %arg1: memref<2x1280xf32, #tpu.memory_space<vmem>>, %arg2: memref<1280x128xf32, #tpu.memory_space<vmem>>, %arg3: memref<128x128xf32, #tpu.memory_space<vmem>>, %arg4: memref<1280x128xf32, #tpu.memory_space<vmem>>, %arg5: memref<1280x1xf32, #tpu.memory_space<vmem>>) attributes {dimension_semantics = [#tpu.dimension_semantics<arbitrary>], iteration_bounds = array<i64: 8>, scalar_prefetch = 0 : i64, scratch_operands = 0 : i64, tpu.core_type = #tpu.core_type<tc>, window_params = [{transform_indices = @transform_0, window_bounds = array<i64: 2, 1280>}, {transform_indices = @transform_1, window_bounds = array<i64: 1280, 128>}, {pipeline_mode = #tpu.pipeline_mode<synchronous>, transform_indices = @transform_2, window_bounds = array<i64: 128, 128>}, {transform_indices = @transform_3, window_bounds = array<i64: 1280, 128>}, {transform_indices = @transform_4, window_bounds = array<i64: 1280, 1>}]} {
    %get3A = arith.constant 0 : index
    %get3A_0 = arith.constant 0 : index
    %get3A_1 = vector.load %arg1[%get3A, %get3A_0] : memref<2x1280xf32, #tpu.memory_space<vmem>>, vector<1x1280xf32>
    %get3A_2 = vector.shape_cast %get3A_1 : vector<1x1280xf32> to vector<1280xf32>
    %get3A_3 = arith.constant 1 : index
    %get3A_4 = arith.constant 0 : index
    %get3A_5 = vector.load %arg1[%get3A_3, %get3A_4] : memref<2x1280xf32, #tpu.memory_space<vmem>>, vector<1x1280xf32>
    %get3A_6 = vector.shape_cast %get3A_5 : vector<1x1280xf32> to vector<1280xf32>
    %add3A = arith.addf %get3A_2, %get3A_6 : vector<1280xf32>
    %add3A_7 = arith.constant 1.000000e+00 : f32
    %add3A_8 = vector.broadcast %add3A_7 : f32 to vector<1280xf32>
    %add3A_9 = arith.addf %add3A, %add3A_8 : vector<1280xf32>
    %rsqrt3A = math.rsqrt %add3A_9 : vector<1280xf32>
    %broadcast_in_dim3A = vector.shape_cast %rsqrt3A : vector<1280xf32> to vector<1280x1xf32>
    %swap3A = arith.constant 0 : index
    %swap3A_10 = arith.constant 0 : index
    %swap3A_11 = vector.load %arg5[%swap3A, %swap3A_10] : memref<1280x1xf32, #tpu.memory_space<vmem>>, vector<1280x1xf32>
    tpu.vector_store %arg5[%swap3A, %swap3A_10], %broadcast_in_dim3A {strides = array<i32>} : memref<1280x1xf32, #tpu.memory_space<vmem>>, vector<1280x1xf32>,
    %get3A_12 = arith.constant 0 : index
    %get3A_13 = arith.constant 0 : index
    %get3A_14 = vector.load %arg2[%get3A_12, %get3A_13] : memref<1280x128xf32, #tpu.memory_space<vmem>>, vector<1280x128xf32>
    %get3A_15 = arith.constant 0 : index
    %get3A_16 = arith.constant 0 : index
    %get3A_17 = vector.load %arg3[%get3A_15, %get3A_16] : memref<128x128xf32, #tpu.memory_space<vmem>>, vector<128x128xf32>
    %dot_general3A = arith.constant dense<0.000000e+00> : vector<1280x128xf32>
    %dot_general3A_18 = tpu.matmul %get3A_14, %get3A_17, %dot_general3A {dimension_numbers = #tpu.dot_dimension_numbers<[1], [0], [0], [1], [0, 0, 1, 1], [], []>, transpose_lhs_hint = false} : vector<1280x128xf32>, vector<128x128xf32>, vector<1280x128xf32> -> vector<1280x128xf32>
    %mul3A = vector.broadcast %broadcast_in_dim3A : vector<1280x1xf32> to vector<1280x128xf32>
    %mul3A_19 = arith.mulf %dot_general3A_18, %mul3A : vector<1280x128xf32>
    %swap3A_20 = arith.constant 0 : index
    %swap3A_21 = arith.constant 0 : index
    %swap3A_22 = vector.load %arg4[%swap3A_20, %swap3A_21] : memref<1280x128xf32, #tpu.memory_space<vmem>>, vector<1280x128xf32>
    tpu.vector_store %arg4[%swap3A_20, %swap3A_21], %mul3A_19 {strides = array<i32>} : memref<1280x128xf32, #tpu.memory_space<vmem>>, vector<1280x128xf32>,
    return
  }
  func.func @transform_0(%arg0: i32) -> (i32, i32) {
    %c0_i32 = arith.constant 0 : i32
    %c0_i32_0 = arith.constant 0 : i32
    return %c0_i32, %arg0 : i32, i32
  }
  func.func @transform_1(%arg0: i32) -> (i32, i32) {
    %c0_i32 = arith.constant 0 : i32
    %c0_i32_0 = arith.constant 0 : i32
    return %arg0, %c0_i32 : i32, i32
  }
  func.func @transform_2(%arg0: i32) -> (i32, i32) {
    %c0_i32 = arith.constant 0 : i32
    %c0_i32_0 = arith.constant 0 : i32
    %c0_i32_1 = arith.constant 0 : i32
    return %c0_i32, %c0_i32_0 : i32, i32
  }
  func.func @transform_3(%arg0: i32) -> (i32, i32) {
    %c0_i32 = arith.constant 0 : i32
    %c0_i32_0 = arith.constant 0 : i32
    return %arg0, %c0_i32 : i32, i32
  }
  func.func @transform_4(%arg0: i32) -> (i32, i32) {
    %c0_i32 = arith.constant 0 : i32
    %c0_i32_0 = arith.constant 0 : i32
    return %arg0, %c0_i32 : i32, i32
  }
}

module attributes {stable_mosaic.version = 14 : i64} {
  func.func @_mid_body(%arg0: i32, %arg1: memref<2x1280x128xf32, #tpu.memory_space<vmem>>, %arg2: memref<1280x1xf32, #tpu.memory_space<vmem>>, %arg3: memref<128xf32, #tpu.memory_space<vmem>>, %arg4: memref<128xf32, #tpu.memory_space<vmem>>, %arg5: memref<128xf32, #tpu.memory_space<vmem>>, %arg6: memref<128x128xf32, #tpu.memory_space<vmem>>, %arg7: memref<1280x128xf32, #tpu.memory_space<vmem>>) attributes {dimension_semantics = [#tpu.dimension_semantics<arbitrary>], iteration_bounds = array<i64: 8>, scalar_prefetch = 0 : i64, scratch_operands = 0 : i64, tpu.core_type = #tpu.core_type<tc>, window_params = [{transform_indices = @transform_0, window_bounds = array<i64: 2, 1280, 128>}, {transform_indices = @transform_1, window_bounds = array<i64: 1280, 1>}, {pipeline_mode = #tpu.pipeline_mode<synchronous>, transform_indices = @transform_2, window_bounds = array<i64: 128>}, {pipeline_mode = #tpu.pipeline_mode<synchronous>, transform_indices = @transform_3, window_bounds = array<i64: 128>}, {pipeline_mode = #tpu.pipeline_mode<synchronous>, transform_indices = @transform_4, window_bounds = array<i64: 128>}, {pipeline_mode = #tpu.pipeline_mode<synchronous>, transform_indices = @transform_5, window_bounds = array<i64: 128, 128>}, {transform_indices = @transform_6, window_bounds = array<i64: 1280, 128>}]} {
    %get3A = arith.constant 0 : index
    %get3A_0 = arith.constant 0 : index
    %get3A_1 = vector.load %arg2[%get3A, %get3A_0] : memref<1280x1xf32, #tpu.memory_space<vmem>>, vector<1280x1xf32>
    %get3A_2 = arith.constant 0 : index
    %get3A_3 = arith.constant 0 : index
    %get3A_4 = arith.constant 0 : index
    %get3A_5 = vector.load %arg1[%get3A_2, %get3A_3, %get3A_4] : memref<2x1280x128xf32, #tpu.memory_space<vmem>>, vector<1x1280x128xf32>
    %get3A_6 = vector.shape_cast %get3A_5 : vector<1x1280x128xf32> to vector<1280x128xf32>
    %get3A_7 = arith.constant 1 : index
    %get3A_8 = arith.constant 0 : index
    %get3A_9 = arith.constant 0 : index
    %get3A_10 = vector.load %arg1[%get3A_7, %get3A_8, %get3A_9] : memref<2x1280x128xf32, #tpu.memory_space<vmem>>, vector<1x1280x128xf32>
    %get3A_11 = vector.shape_cast %get3A_10 : vector<1x1280x128xf32> to vector<1280x128xf32>
    %add3A = arith.addf %get3A_6, %get3A_11 : vector<1280x128xf32>
    %mul3A = vector.broadcast %get3A_1 : vector<1280x1xf32> to vector<1280x128xf32>
    %mul3A_12 = arith.mulf %add3A, %mul3A : vector<1280x128xf32>
    %get3A_13 = arith.constant 0 : index
    %get3A_14 = vector.load %arg3[%get3A_13] : memref<128xf32, #tpu.memory_space<vmem>>, vector<128xf32>
    %broadcast_in_dim3A = vector.shape_cast %get3A_14 : vector<128xf32> to vector<1x128xf32>
    %add3A_15 = vector.broadcast %broadcast_in_dim3A : vector<1x128xf32> to vector<1280x128xf32>
    %add3A_16 = arith.addf %mul3A_12, %add3A_15 : vector<1280x128xf32>
    %get3A_17 = arith.constant 0 : index
    %get3A_18 = vector.load %arg4[%get3A_17] : memref<128xf32, #tpu.memory_space<vmem>>, vector<128xf32>
    %get3A_19 = arith.constant 0 : index
    %get3A_20 = vector.load %arg5[%get3A_19] : memref<128xf32, #tpu.memory_space<vmem>>, vector<128xf32>
    %max3A = arith.constant 0.000000e+00 : f32
    %max3A_21 = vector.broadcast %max3A : f32 to vector<1280x128xf32>
    %max3A_22 = arith.maximumf %add3A_16, %max3A_21 : vector<1280x128xf32>
    %reduce_sum3A = arith.constant dense<0.000000e+00> : vector<1280xf32>
    %reduce_sum3A_23 = vector.multi_reduction <add>, %max3A_22, %reduce_sum3A [1] : vector<1280x128xf32> to vector<1280xf32>
    %broadcast_in_dim3A_24 = vector.shape_cast %reduce_sum3A_23 : vector<1280xf32> to vector<1280x1xf32>
    %div3A = arith.constant 1.280000e+02 : f32
    %div3A_25 = vector.broadcast %div3A : f32 to vector<1280x1xf32>
    %div3A_26 = arith.divf %broadcast_in_dim3A_24, %div3A_25 : vector<1280x1xf32>
    %sub3A = vector.broadcast %div3A_26 : vector<1280x1xf32> to vector<1280x128xf32>
    %sub3A_27 = arith.subf %max3A_22, %sub3A : vector<1280x128xf32>
    %integer_pow3A = arith.mulf %sub3A_27, %sub3A_27 : vector<1280x128xf32>
    %reduce_sum3A_28 = arith.constant dense<0.000000e+00> : vector<1280xf32>
    %reduce_sum3A_29 = vector.multi_reduction <add>, %integer_pow3A, %reduce_sum3A_28 [1] : vector<1280x128xf32> to vector<1280xf32>
    %broadcast_in_dim3A_30 = vector.shape_cast %reduce_sum3A_29 : vector<1280xf32> to vector<1280x1xf32>
    %div3A_31 = arith.constant 1.280000e+02 : f32
    %div3A_32 = vector.broadcast %div3A_31 : f32 to vector<1280x1xf32>
    %div3A_33 = arith.divf %broadcast_in_dim3A_30, %div3A_32 : vector<1280x1xf32>
    %sub3A_34 = vector.broadcast %div3A_26 : vector<1280x1xf32> to vector<1280x128xf32>
    %sub3A_35 = arith.subf %max3A_22, %sub3A_34 : vector<1280x128xf32>
    %add3A_36 = arith.constant 9.99999974E-6 : f32
    %add3A_37 = vector.broadcast %add3A_36 : f32 to vector<1280x1xf32>
    %add3A_38 = arith.addf %div3A_33, %add3A_37 : vector<1280x1xf32>
    %sqrt3A = math.sqrt %add3A_38 : vector<1280x1xf32>
    %div3A_39 = vector.broadcast %sqrt3A : vector<1280x1xf32> to vector<1280x128xf32>
    %div3A_40 = arith.divf %sub3A_35, %div3A_39 : vector<1280x128xf32>
    %broadcast_in_dim3A_41 = vector.shape_cast %get3A_18 : vector<128xf32> to vector<1x128xf32>
    %mul3A_42 = vector.broadcast %broadcast_in_dim3A_41 : vector<1x128xf32> to vector<1280x128xf32>
    %mul3A_43 = arith.mulf %div3A_40, %mul3A_42 : vector<1280x128xf32>
    %broadcast_in_dim3A_44 = vector.shape_cast %get3A_20 : vector<128xf32> to vector<1x128xf32>
    %add3A_45 = vector.broadcast %broadcast_in_dim3A_44 : vector<1x128xf32> to vector<1280x128xf32>
    %add3A_46 = arith.addf %mul3A_43, %add3A_45 : vector<1280x128xf32>
    %get3A_47 = arith.constant 0 : index
    %get3A_48 = arith.constant 0 : index
    %get3A_49 = vector.load %arg6[%get3A_47, %get3A_48] : memref<128x128xf32, #tpu.memory_space<vmem>>, vector<128x128xf32>
    %dot_general3A = arith.constant dense<0.000000e+00> : vector<1280x128xf32>
    %dot_general3A_50 = tpu.matmul %add3A_46, %get3A_49, %dot_general3A {dimension_numbers = #tpu.dot_dimension_numbers<[1], [0], [0], [1], [0, 0, 1, 1], [], []>, transpose_lhs_hint = false} : vector<1280x128xf32>, vector<128x128xf32>, vector<1280x128xf32> -> vector<1280x128xf32>
    %mul3A_51 = vector.broadcast %get3A_1 : vector<1280x1xf32> to vector<1280x128xf32>
    %mul3A_52 = arith.mulf %dot_general3A_50, %mul3A_51 : vector<1280x128xf32>
    %swap3A = arith.constant 0 : index
    %swap3A_53 = arith.constant 0 : index
    %swap3A_54 = vector.load %arg7[%swap3A, %swap3A_53] : memref<1280x128xf32, #tpu.memory_space<vmem>>, vector<1280x128xf32>
    tpu.vector_store %arg7[%swap3A, %swap3A_53], %mul3A_52 {strides = array<i32>} : memref<1280x128xf32, #tpu.memory_space<vmem>>, vector<1280x128xf32>,
    return
  }
  func.func @transform_0(%arg0: i32) -> (i32, i32, i32) {
    %c0_i32 = arith.constant 0 : i32
    %c0_i32_0 = arith.constant 0 : i32
    %c0_i32_1 = arith.constant 0 : i32
    return %c0_i32, %arg0, %c0_i32_0 : i32, i32, i32
  }
  func.func @transform_1(%arg0: i32) -> (i32, i32) {
    %c0_i32 = arith.constant 0 : i32
    %c0_i32_0 = arith.constant 0 : i32
    return %arg0, %c0_i32 : i32, i32
  }
  func.func @transform_2(%arg0: i32) -> i32 {
    %c0_i32 = arith.constant 0 : i32
    %c0_i32_0 = arith.constant 0 : i32
    return %c0_i32 : i32
  }
  func.func @transform_3(%arg0: i32) -> i32 {
    %c0_i32 = arith.constant 0 : i32
    %c0_i32_0 = arith.constant 0 : i32
    return %c0_i32 : i32
  }
  func.func @transform_4(%arg0: i32) -> i32 {
    %c0_i32 = arith.constant 0 : i32
    %c0_i32_0 = arith.constant 0 : i32
    return %c0_i32 : i32
  }
  func.func @transform_5(%arg0: i32) -> (i32, i32) {
    %c0_i32 = arith.constant 0 : i32
    %c0_i32_0 = arith.constant 0 : i32
    %c0_i32_1 = arith.constant 0 : i32
    return %c0_i32, %c0_i32_0 : i32, i32
  }
  func.func @transform_6(%arg0: i32) -> (i32, i32) {
    %c0_i32 = arith.constant 0 : i32
    %c0_i32_0 = arith.constant 0 : i32
    return %arg0, %c0_i32 : i32, i32
  }
}

module attributes {stable_mosaic.version = 14 : i64} {
  func.func @_s3_body(%arg0: i32, %arg1: memref<2x1280x128xf32, #tpu.memory_space<vmem>>, %arg2: memref<1280x1xf32, #tpu.memory_space<vmem>>, %arg3: memref<128xf32, #tpu.memory_space<vmem>>, %arg4: memref<128xf32, #tpu.memory_space<vmem>>, %arg5: memref<128xf32, #tpu.memory_space<vmem>>, %arg6: memref<128x256xf32, #tpu.memory_space<vmem>>, %arg7: memref<256xf32, #tpu.memory_space<vmem>>, %arg8: memref<256x128xf32, #tpu.memory_space<vmem>>, %arg9: memref<128xf32, #tpu.memory_space<vmem>>, %arg10: memref<128x40xf32, #tpu.memory_space<vmem>>, %arg11: memref<40xf32, #tpu.memory_space<vmem>>, %arg12: memref<1280x128xf32, #tpu.memory_space<vmem>>, %arg13: memref<1280x40xf32, #tpu.memory_space<vmem>>) attributes {dimension_semantics = [#tpu.dimension_semantics<arbitrary>], iteration_bounds = array<i64: 8>, scalar_prefetch = 0 : i64, scratch_operands = 0 : i64, tpu.core_type = #tpu.core_type<tc>, window_params = [{transform_indices = @transform_0, window_bounds = array<i64: 2, 1280, 128>}, {transform_indices = @transform_1, window_bounds = array<i64: 1280, 1>}, {pipeline_mode = #tpu.pipeline_mode<synchronous>, transform_indices = @transform_2, window_bounds = array<i64: 128>}, {pipeline_mode = #tpu.pipeline_mode<synchronous>, transform_indices = @transform_3, window_bounds = array<i64: 128>}, {pipeline_mode = #tpu.pipeline_mode<synchronous>, transform_indices = @transform_4, window_bounds = array<i64: 128>}, {pipeline_mode = #tpu.pipeline_mode<synchronous>, transform_indices = @transform_5, window_bounds = array<i64: 128, 256>}, {pipeline_mode = #tpu.pipeline_mode<synchronous>, transform_indices = @transform_6, window_bounds = array<i64: 256>}, {pipeline_mode = #tpu.pipeline_mode<synchronous>, transform_indices = @transform_7, window_bounds = array<i64: 256, 128>}, {pipeline_mode = #tpu.pipeline_mode<synchronous>, transform_indices = @transform_8, window_bounds = array<i64: 128>}, {pipeline_mode = #tpu.pipeline_mode<synchronous>, transform_indices = @transform_9, window_bounds = array<i64: 128, 40>}, {pipeline_mode = #tpu.pipeline_mode<synchronous>, transform_indices = @transform_10, window_bounds = array<i64: 40>}, {transform_indices = @transform_11, window_bounds = array<i64: 1280, 128>}, {transform_indices = @transform_12, window_bounds = array<i64: 1280, 40>}]} {
    %get3A = arith.constant 0 : index
    %get3A_0 = arith.constant 0 : index
    %get3A_1 = vector.load %arg2[%get3A, %get3A_0] : memref<1280x1xf32, #tpu.memory_space<vmem>>, vector<1280x1xf32>
    %get3A_2 = arith.constant 0 : index
    %get3A_3 = arith.constant 0 : index
    %get3A_4 = arith.constant 0 : index
    %get3A_5 = vector.load %arg1[%get3A_2, %get3A_3, %get3A_4] : memref<2x1280x128xf32, #tpu.memory_space<vmem>>, vector<1x1280x128xf32>
    %get3A_6 = vector.shape_cast %get3A_5 : vector<1x1280x128xf32> to vector<1280x128xf32>
    %get3A_7 = arith.constant 1 : index
    %get3A_8 = arith.constant 0 : index
    %get3A_9 = arith.constant 0 : index
    %get3A_10 = vector.load %arg1[%get3A_7, %get3A_8, %get3A_9] : memref<2x1280x128xf32, #tpu.memory_space<vmem>>, vector<1x1280x128xf32>
    %get3A_11 = vector.shape_cast %get3A_10 : vector<1x1280x128xf32> to vector<1280x128xf32>
    %add3A = arith.addf %get3A_6, %get3A_11 : vector<1280x128xf32>
    %mul3A = vector.broadcast %get3A_1 : vector<1280x1xf32> to vector<1280x128xf32>
    %mul3A_12 = arith.mulf %add3A, %mul3A : vector<1280x128xf32>
    %get3A_13 = arith.constant 0 : index
    %get3A_14 = vector.load %arg3[%get3A_13] : memref<128xf32, #tpu.memory_space<vmem>>, vector<128xf32>
    %broadcast_in_dim3A = vector.shape_cast %get3A_14 : vector<128xf32> to vector<1x128xf32>
    %add3A_15 = vector.broadcast %broadcast_in_dim3A : vector<1x128xf32> to vector<1280x128xf32>
    %add3A_16 = arith.addf %mul3A_12, %add3A_15 : vector<1280x128xf32>
    %swap3A = arith.constant 0 : index
    %swap3A_17 = arith.constant 0 : index
    %swap3A_18 = vector.load %arg12[%swap3A, %swap3A_17] : memref<1280x128xf32, #tpu.memory_space<vmem>>, vector<1280x128xf32>
    tpu.vector_store %arg12[%swap3A, %swap3A_17], %add3A_16 {strides = array<i32>} : memref<1280x128xf32, #tpu.memory_space<vmem>>, vector<1280x128xf32>,
    %get3A_19 = arith.constant 0 : index
    %get3A_20 = vector.load %arg4[%get3A_19] : memref<128xf32, #tpu.memory_space<vmem>>, vector<128xf32>
    %get3A_21 = arith.constant 0 : index
    %get3A_22 = vector.load %arg5[%get3A_21] : memref<128xf32, #tpu.memory_space<vmem>>, vector<128xf32>
    %max3A = arith.constant 0.000000e+00 : f32
    %max3A_23 = vector.broadcast %max3A : f32 to vector<1280x128xf32>
    %max3A_24 = arith.maximumf %add3A_16, %max3A_23 : vector<1280x128xf32>
    %reduce_sum3A = arith.constant dense<0.000000e+00> : vector<1280xf32>
    %reduce_sum3A_25 = vector.multi_reduction <add>, %max3A_24, %reduce_sum3A [1] : vector<1280x128xf32> to vector<1280xf32>
    %broadcast_in_dim3A_26 = vector.shape_cast %reduce_sum3A_25 : vector<1280xf32> to vector<1280x1xf32>
    %div3A = arith.constant 1.280000e+02 : f32
    %div3A_27 = vector.broadcast %div3A : f32 to vector<1280x1xf32>
    %div3A_28 = arith.divf %broadcast_in_dim3A_26, %div3A_27 : vector<1280x1xf32>
    %sub3A = vector.broadcast %div3A_28 : vector<1280x1xf32> to vector<1280x128xf32>
    %sub3A_29 = arith.subf %max3A_24, %sub3A : vector<1280x128xf32>
    %integer_pow3A = arith.mulf %sub3A_29, %sub3A_29 : vector<1280x128xf32>
    %reduce_sum3A_30 = arith.constant dense<0.000000e+00> : vector<1280xf32>
    %reduce_sum3A_31 = vector.multi_reduction <add>, %integer_pow3A, %reduce_sum3A_30 [1] : vector<1280x128xf32> to vector<1280xf32>
    %broadcast_in_dim3A_32 = vector.shape_cast %reduce_sum3A_31 : vector<1280xf32> to vector<1280x1xf32>
    %div3A_33 = arith.constant 1.280000e+02 : f32
    %div3A_34 = vector.broadcast %div3A_33 : f32 to vector<1280x1xf32>
    %div3A_35 = arith.divf %broadcast_in_dim3A_32, %div3A_34 : vector<1280x1xf32>
    %sub3A_36 = vector.broadcast %div3A_28 : vector<1280x1xf32> to vector<1280x128xf32>
    %sub3A_37 = arith.subf %max3A_24, %sub3A_36 : vector<1280x128xf32>
    %add3A_38 = arith.constant 9.99999974E-6 : f32
    %add3A_39 = vector.broadcast %add3A_38 : f32 to vector<1280x1xf32>
    %add3A_40 = arith.addf %div3A_35, %add3A_39 : vector<1280x1xf32>
    %sqrt3A = math.sqrt %add3A_40 : vector<1280x1xf32>
    %div3A_41 = vector.broadcast %sqrt3A : vector<1280x1xf32> to vector<1280x128xf32>
    %div3A_42 = arith.divf %sub3A_37, %div3A_41 : vector<1280x128xf32>
    %broadcast_in_dim3A_43 = vector.shape_cast %get3A_20 : vector<128xf32> to vector<1x128xf32>
    %mul3A_44 = vector.broadcast %broadcast_in_dim3A_43 : vector<1x128xf32> to vector<1280x128xf32>
    %mul3A_45 = arith.mulf %div3A_42, %mul3A_44 : vector<1280x128xf32>
    %broadcast_in_dim3A_46 = vector.shape_cast %get3A_22 : vector<128xf32> to vector<1x128xf32>
    %add3A_47 = vector.broadcast %broadcast_in_dim3A_46 : vector<1x128xf32> to vector<1280x128xf32>
    %add3A_48 = arith.addf %mul3A_45, %add3A_47 : vector<1280x128xf32>
    %get3A_49 = arith.constant 0 : index
    %get3A_50 = arith.constant 0 : index
    %get3A_51 = vector.load %arg6[%get3A_49, %get3A_50] : memref<128x256xf32, #tpu.memory_space<vmem>>, vector<128x256xf32>
    %dot_general3A = arith.constant dense<0.000000e+00> : vector<1280x256xf32>
    %dot_general3A_52 = tpu.matmul %add3A_48, %get3A_51, %dot_general3A {dimension_numbers = #tpu.dot_dimension_numbers<[1], [0], [0], [1], [0, 0, 1, 1], [], []>, transpose_lhs_hint = false} : vector<1280x128xf32>, vector<128x256xf32>, vector<1280x256xf32> -> vector<1280x256xf32>
    %get3A_53 = arith.constant 0 : index
    %get3A_54 = vector.load %arg7[%get3A_53] : memref<256xf32, #tpu.memory_space<vmem>>, vector<256xf32>
    %broadcast_in_dim3A_55 = vector.shape_cast %get3A_54 : vector<256xf32> to vector<1x256xf32>
    %add3A_56 = vector.broadcast %broadcast_in_dim3A_55 : vector<1x256xf32> to vector<1280x256xf32>
    %add3A_57 = arith.addf %dot_general3A_52, %add3A_56 : vector<1280x256xf32>
    %get3A_58 = arith.constant 0 : index
    %get3A_59 = arith.constant 0 : index
    %get3A_60 = vector.load %arg8[%get3A_58, %get3A_59] : memref<256x128xf32, #tpu.memory_space<vmem>>, vector<256x128xf32>
    %dot_general3A_61 = arith.constant dense<0.000000e+00> : vector<1280x128xf32>
    %dot_general3A_62 = tpu.matmul %add3A_57, %get3A_60, %dot_general3A_61 {dimension_numbers = #tpu.dot_dimension_numbers<[1], [0], [0], [1], [0, 0, 1, 1], [], []>, transpose_lhs_hint = false} : vector<1280x256xf32>, vector<256x128xf32>, vector<1280x128xf32> -> vector<1280x128xf32>
    %get3A_63 = arith.constant 0 : index
    %get3A_64 = vector.load %arg9[%get3A_63] : memref<128xf32, #tpu.memory_space<vmem>>, vector<128xf32>
    %broadcast_in_dim3A_65 = vector.shape_cast %get3A_64 : vector<128xf32> to vector<1x128xf32>
    %add3A_66 = vector.broadcast %broadcast_in_dim3A_65 : vector<1x128xf32> to vector<1280x128xf32>
    %add3A_67 = arith.addf %dot_general3A_62, %add3A_66 : vector<1280x128xf32>
    %get3A_68 = arith.constant 0 : index
    %get3A_69 = arith.constant 0 : index
    %get3A_70 = vector.load %arg10[%get3A_68, %get3A_69] : memref<128x40xf32, #tpu.memory_space<vmem>>, vector<128x40xf32>
    %dot_general3A_71 = arith.constant dense<0.000000e+00> : vector<1280x40xf32>
    %dot_general3A_72 = tpu.matmul %add3A_67, %get3A_70, %dot_general3A_71 {dimension_numbers = #tpu.dot_dimension_numbers<[1], [0], [0], [1], [0, 0, 1, 1], [], []>, transpose_lhs_hint = false} : vector<1280x128xf32>, vector<128x40xf32>, vector<1280x40xf32> -> vector<1280x40xf32>
    %get3A_73 = arith.constant 0 : index
    %get3A_74 = vector.load %arg11[%get3A_73] : memref<40xf32, #tpu.memory_space<vmem>>, vector<40xf32>
    %broadcast_in_dim3A_75 = vector.shape_cast %get3A_74 : vector<40xf32> to vector<1x40xf32>
    %add3A_76 = vector.broadcast %broadcast_in_dim3A_75 : vector<1x40xf32> to vector<1280x40xf32>
    %add3A_77 = arith.addf %dot_general3A_72, %add3A_76 : vector<1280x40xf32>
    %reduce_max3A = arith.constant dense<0xFF800000> : vector<1280xf32>
    %reduce_max3A_78 = vector.multi_reduction <maximumf>, %add3A_77, %reduce_max3A [1] : vector<1280x40xf32> to vector<1280xf32>
    %broadcast_in_dim3A_79 = vector.shape_cast %reduce_max3A_78 : vector<1280xf32> to vector<1280x1xf32>
    %sub3A_80 = vector.broadcast %broadcast_in_dim3A_79 : vector<1280x1xf32> to vector<1280x40xf32>
    %sub3A_81 = arith.subf %add3A_77, %sub3A_80 : vector<1280x40xf32>
    %exp3A = math.exp %sub3A_81 : vector<1280x40xf32>
    %reduce_sum3A_82 = arith.constant dense<0.000000e+00> : vector<1280xf32>
    %reduce_sum3A_83 = vector.multi_reduction <add>, %exp3A, %reduce_sum3A_82 [1] : vector<1280x40xf32> to vector<1280xf32>
    %broadcast_in_dim3A_84 = vector.shape_cast %reduce_sum3A_83 : vector<1280xf32> to vector<1280x1xf32>
    %log3A = math.log %broadcast_in_dim3A_84 : vector<1280x1xf32>
    %add3A_85 = arith.addf %broadcast_in_dim3A_79, %log3A : vector<1280x1xf32>
    %sub3A_86 = vector.broadcast %add3A_85 : vector<1280x1xf32> to vector<1280x40xf32>
    %sub3A_87 = arith.subf %add3A_77, %sub3A_86 : vector<1280x40xf32>
    %swap3A_88 = arith.constant 0 : index
    %swap3A_89 = arith.constant 0 : index
    %swap3A_90 = vector.load %arg13[%swap3A_88, %swap3A_89] : memref<1280x40xf32, #tpu.memory_space<vmem>>, vector<1280x40xf32>
    tpu.vector_store %arg13[%swap3A_88, %swap3A_89], %sub3A_87 {strides = array<i32>} : memref<1280x40xf32, #tpu.memory_space<vmem>>, vector<1280x40xf32>,
    return
  }
  func.func @transform_0(%arg0: i32) -> (i32, i32, i32) {
    %c0_i32 = arith.constant 0 : i32
    %c0_i32_0 = arith.constant 0 : i32
    %c0_i32_1 = arith.constant 0 : i32
    return %c0_i32, %arg0, %c0_i32_0 : i32, i32, i32
  }
  func.func @transform_1(%arg0: i32) -> (i32, i32) {
    %c0_i32 = arith.constant 0 : i32
    %c0_i32_0 = arith.constant 0 : i32
    return %arg0, %c0_i32 : i32, i32
  }
  func.func @transform_2(%arg0: i32) -> i32 {
    %c0_i32 = arith.constant 0 : i32
    %c0_i32_0 = arith.constant 0 : i32
    return %c0_i32 : i32
  }
  func.func @transform_3(%arg0: i32) -> i32 {
    %c0_i32 = arith.constant 0 : i32
    %c0_i32_0 = arith.constant 0 : i32
    return %c0_i32 : i32
  }
  func.func @transform_4(%arg0: i32) -> i32 {
    %c0_i32 = arith.constant 0 : i32
    %c0_i32_0 = arith.constant 0 : i32
    return %c0_i32 : i32
  }
  func.func @transform_5(%arg0: i32) -> (i32, i32) {
    %c0_i32 = arith.constant 0 : i32
    %c0_i32_0 = arith.constant 0 : i32
    %c0_i32_1 = arith.constant 0 : i32
    return %c0_i32, %c0_i32_0 : i32, i32
  }
  func.func @transform_6(%arg0: i32) -> i32 {
    %c0_i32 = arith.constant 0 : i32
    %c0_i32_0 = arith.constant 0 : i32
    return %c0_i32 : i32
  }
  func.func @transform_7(%arg0: i32) -> (i32, i32) {
    %c0_i32 = arith.constant 0 : i32
    %c0_i32_0 = arith.constant 0 : i32
    %c0_i32_1 = arith.constant 0 : i32
    return %c0_i32, %c0_i32_0 : i32, i32
  }
  func.func @transform_8(%arg0: i32) -> i32 {
    %c0_i32 = arith.constant 0 : i32
    %c0_i32_0 = arith.constant 0 : i32
    return %c0_i32 : i32
  }
  func.func @transform_9(%arg0: i32) -> (i32, i32) {
    %c0_i32 = arith.constant 0 : i32
    %c0_i32_0 = arith.constant 0 : i32
    %c0_i32_1 = arith.constant 0 : i32
    return %c0_i32, %c0_i32_0 : i32, i32
  }
  func.func @transform_10(%arg0: i32) -> i32 {
    %c0_i32 = arith.constant 0 : i32
    %c0_i32_0 = arith.constant 0 : i32
    return %c0_i32 : i32
  }
  func.func @transform_11(%arg0: i32) -> (i32, i32) {
    %c0_i32 = arith.constant 0 : i32
    %c0_i32_0 = arith.constant 0 : i32
    return %arg0, %c0_i32 : i32, i32
  }
  func.func @transform_12(%arg0: i32) -> (i32, i32) {
    %c0_i32 = arith.constant 0 : i32
    %c0_i32_0 = arith.constant 0 : i32
    return %arg0, %c0_i32 : i32, i32
  }
}

</mosaic_0001>

<sc_bundles>
// kernel: kernel.10.cloned.1.call-start
scs
__scs_entry_jumppad:
0x0: {  	(pc) =	sbr.rel $0x88, $3  }
0x1: {  	(tag) =	ssettag $0x0;
	lr =	simm.s32 $0x1  }
0x2: {  	[smem:$0x3F8D] =	sst lr;
	_ =	strace $0xD0000000  }
0x3: {  	_ = 	snop  }
0x4: {  	_ = 	snop  }
0x5: {  	_ = 	snop  }
0x6: {  	_ = 	snop  }
0x7: {  	_ = 	snop  }
__scs_overlays_trampoline_lowered:
0x8: {  	[smem:$0x3F9C] =	sst s0  }
0x9: {  	[smem:$0x3F9D] =	sst s1  }
0xa: {  	[smem:$0x3F9E] =	sst s2  }
0xb: {  	[smem:$0x3F9F] =	sst s3  }
0xc: {  	[smem:$0x3FA0] =	sst s4  }
0xd: {  	[smem:$0x3FA1] =	sst s5  }
0xe: {  	[smem:$0x3FA2] =	sst s6  }
0xf: {  	[smem:$0x3FA3] =	sst s7  }
0x10: {  	[smem:$0x3FA4] =	sst s8  }
0x11: {  	[smem:$0x3FA5] =	sst s9;
	s0 =	simm.s32 @!p0 $0x0  }
0x12: {  	s1 =	sld [smem:$0x3F8B];
	s0 =	simm.s32 @p0 $0x1  }
0x13: {  	[smem:$0x3FA6] =	sst s0;
	s0 =	simm.s32 @!p1 $0x0  }
0x14: {  	s2 =	sld [smem:$0x3F8A];
	s0 =	simm.s32 @p1 $0x1  }
0x15: {  	[smem:$0x3FA7] =	sst s0;
	s0 =	simm.s32 @!p2 $0x0  }
0x16: {  	s3 =	sld [smem:$0x3FDB];
	s0 =	simm.s32 @p2 $0x1  }
0x17: {  	s4 =	simm.s32 $0x1BF5;
	[smem:$0x3FA9] =	sst s0  }
0x18: {  	s0 =	sld [smem:$0x3F8C];
	_ =	swait.ge [sflag:s4], $0x0  }
0x19: {  	s7 =	sld [smem:$0x3F8D]  }
0x1a: {  	s8 =	sadd.s32 $0xFFFFE003, lr  }
0x1b: {  	s9 =	sadd.s32 $0xFFFFFEF7, lr;
	s5 =	simm.s32 $0xFFFFFFFF;
	p2 =	slt.u32 s8, $0xFFFFF086  }
0x1c: {  	p1 =	slt.u32 s9, $0xF7A;
	s5 =	simm.s32 @!p2 $0x0  }
0x1d: {  	s5 =	simm.s32 @p1 $0x1;
	p0 =	seq.s32 s7, s2  }
0x1e: {  	s7 =	smul.u32 @!p0 $0xF7A, s2;
	p2 =	seq.s32 @!p0 s5, $0x0  }
0x1f: {  	s9 =	smul.u32 $0xF7A, s1;
	s8 =	simm.s32 @!p0 $0x1BF5;
	p2 =	por !p2, p0  }
0x20: {  	[sflag:s8] =	ssyncset.s32 @!p0 $0xFFFFF086;
	s6 =	sadd.s32 @!p0 s3, s7;
	s7 =	simm.s32 @!p0 $0x108  }
0x21: {  	s3 =	sadd.s32 s3, s9;
	s6 =	sadd.s32 @!p0 $0x88, s6;
	s7 =	simm.s32 @p2 $0x1082  }
0x22: {  	[simem:s7], [sflag:s8] =	dma.local @!p0 [hbm:s6], $0xF7A  }
0x23: {  	s9 =	sor.u32 $0xD0000000, s2;
	s6 =	simm.s32 $0x108;
	_ =	swait.ge @!p0 [sflag:s8], $0x0  }
0x24: {  	s3 =	sadd.s32 $0x88, s3;
	s6 =	simm.s32 @!p1 $0x1082;
	[sflag:s4] =	ssyncset.s32 $0xFFFFF086  }
0x25: {  	[simem:s6], [sflag:s4] =	dma.local [hbm:s3], $0xF7A  }
0x26: {  	[smem:$0x3F8D] =	sst s1;
	(tag) =	ssettag s2;
	_ =	strace s9  }
0x27: {  	s1 =	sld [smem:$0x3F9D]  }
0x28: {  	s2 =	sld [smem:$0x3F9E]  }
0x29: {  	s4 =	sld [smem:$0x3FA0]  }
0x2a: {  	p0 =	seq.s32 s5, $0x0;
	s5 =	sld [smem:$0x3FA1]  }
0x2b: {  	s6 =	sld [smem:$0x3FA2]  }
0x2c: {  	s7 =	sld [smem:$0x3FA3]  }
0x2d: {  	s3 =	simm.s32 $0x108;
	s8 =	sld [smem:$0x3FA4]  }
0x2e: {  	s3 =	simm.s32 @!p0 $0x1082;
	s9 =	sld [smem:$0x3FA5]  }
0x2f: {  	lr =	sadd.s32 s0, s3;
	s0 =	sld [smem:$0x3F9C]  }
0x30: {  	s3 =	sld [smem:$0x3F9F]  }
0x31: {  	[smem:$0x3FA8] =	sst s10  }
0x32: {  	s10 =	sld [smem:$0x3FA6];
	_ =	sdelay $0x3  }
0x33: {  	p0 =	seq.s32 s10, $0x1;
	s10 =	sld [smem:$0x3FA8];
	_ =	sdelay $0x3  }
0x34: {  	[smem:$0x3FA8] =	sst s10  }
0x35: {  	s10 =	sld [smem:$0x3FA7];
	_ =	sdelay $0x3  }
0x36: {  	p1 =	seq.s32 s10, $0x1;
	s10 =	sld [smem:$0x3FA8];
	_ =	sdelay $0x3  }
0x37: {  	[smem:$0x3FA8] =	sst s10  }
0x38: {  	s10 =	sld [smem:$0x3FA9]  }
0x39: {  	_ = 	snop;
	(pc) =	sbr.ind lr, $3  }
0x3a: {  	_ = 	snop  }
0x3b: {  	_ = 	snop  }
0x3c: {  	p2 =	seq.s32 s10, $0x1;
	s10 =	sld [smem:$0x3FA8]  }
0x3d: {  	_ =	shalt  }
0x3e: {  	_ =	shalt  }
0x3f: {  	_ =	shalt  }
0x40: {  	_ =	shalt  }
0x41: {  	_ =	shalt  }
0x42: {  	_ =	shalt  }
0x43: {  	_ =	shalt  }
0x44: {  	_ =	shalt  }
0x45: {  	_ =	shalt  }
0x46: {  	_ =	shalt  }
0x47: {  	_ =	shalt  }
0x48: {  	_ =	shalt  }
0x49: {  	_ =	shalt  }
0x4a: {  	_ =	shalt  }
0x4b: {  	_ =	shalt  }
0x4c: {  	_ =	shalt  }
0x4d: {  	_ =	shalt  }
0x4e: {  	_ =	shalt  }
0x4f: {  	_ =	shalt  }
0x50: {  	_ =	shalt  }
0x51: {  	_ =	shalt  }
0x52: {  	_ =	shalt  }
0x53: {  	_ =	shalt  }
0x54: {  	_ =	shalt  }
0x55: {  	_ =	shalt  }
0x56: {  	_ =	shalt  }
0x57: {  	_ =	shalt  }
0x58: {  	_ =	shalt  }
0x59: {  	_ =	shalt  }
0x5a: {  	_ =	shalt  }
0x5b: {  	_ =	shalt  }
0x5c: {  	_ =	shalt  }
0x5d: {  	_ =	shalt  }
0x5e: {  	_ =	shalt  }
0x5f: {  	_ =	shalt  }
0x60: {  	_ =	shalt  }
0x61: {  	_ =	shalt  }
0x62: {  	_ =	shalt  }
0x63: {  	_ =	shalt  }
0x64: {  	_ =	shalt  }
0x65: {  	_ =	shalt  }
0x66: {  	_ =	shalt  }
0x67: {  	_ =	shalt  }
0x68: {  	_ =	shalt  }
0x69: {  	_ =	shalt  }
0x6a: {  	_ =	shalt  }
0x6b: {  	_ =	shalt  }
0x6c: {  	_ =	shalt  }
0x6d: {  	_ =	shalt  }
0x6e: {  	_ =	shalt  }
0x6f: {  	_ =	shalt  }
0x70: {  	_ =	shalt  }
0x71: {  	_ =	shalt  }
0x72: {  	_ =	shalt  }
0x73: {  	_ =	shalt  }
0x74: {  	_ =	shalt  }
0x75: {  	_ =	shalt  }
0x76: {  	_ =	shalt  }
0x77: {  	_ =	shalt  }
0x78: {  	_ =	shalt  }
0x79: {  	_ =	shalt  }
0x7a: {  	_ =	shalt  }
0x7b: {  	_ =	shalt  }
0x7c: {  	_ =	shalt  }
0x7d: {  	_ =	shalt  }
0x7e: {  	_ =	shalt  }
0x7f: {  	_ =	shalt  }
0x80: {  	_ =	shalt  }
0x81: {  	_ =	shalt  }
0x82: {  	_ =	shalt  }
0x83: {  	_ =	shalt  }
0x84: {  	_ =	shalt  }
0x85: {  	_ =	shalt  }
0x86: {  	_ =	shalt  }
0x87: {  	_ =	shalt  }
.Lfunc_end0:
.L_simem_size_0:
called_computation_lowered:
.L_overlay_start_0:
0x88: {  	s2 =	sld [smem:$0x3FD9]  }
0x89: {  	s3 =	sld [smem:$0x3FFE];
	_ =	sdelay $0x1  }
0x8a: {  	s1 =	srdreg.scid  }
0x8b: {  	s0 =	sand.u32 $0x1, s1  }
0x8c: {  	s14 =	sshll.u32 s0, $0xA;
	s2 =	sadd.s32 s3, s2  }
0x8d: {  	s2 =	sadd.s32 s2, s14  }
0x8e: {  	[smem:$0x3FB4] =	sst s2  }
0x8f: {  	_ = 	snop  }
0x90: {  	s2 =	sld [smem:$0x3FD0];
	_ =	sdelay $0x2  }
0x91: {  	s15 =	simm.s32 $0xA;
	s4 =	simm.s32 $0x10  }
0x92: {  	[smem:s4], [sflag:s15] =	dma.local [hbm:s2], $0x1  }
0x93: {  	_ =	swait.eq [sflag:s15], $0x1  }
0x94: {  	[sflag:s15] =	ssyncset.done $0x0  }
0x95: {  	[sflag:s15] =	ssyncadd.s32 $0xFFFFFFFF  }
0x96: {  	s16 =	sld [smem:$0x11];
	(tm) =	ssettm $0x1  }
0x97: {  	s17 =	sld [smem:$0x3FFB];
	_ =	sdelay $0x3  }
0x98: {  	_ =	strace s17  }
0x99: {  	s3 =	sld [smem:$0x3FFC];
	_ =	sdelay $0x3  }
0x9a: {  	_ =	strace s3  }
0x9b: {  	s3 =	sld [smem:$0x3FFD];
	_ =	sdelay $0x3  }
0x9c: {  	_ =	strace s3  }
0x9d: {  	_ =	strace $0x8FFFFFFF  }
0x9e: {  	s18 =	sld [smem:$0x3FDB];
	_ =	sdelay $0x1  }
0x9f: {  	s19 =	simm.s32 $_scs_section_size  }
0xa0: {  	s5 =	simm.s32 $_size__tile_overlayer_lowered;
	s6 =	simm.s32 $_tile_overlayer_lowered  }
0xa1: {  	s22 =	simm.s32 $0x1BFF;
	s21 =	sshll.u32 s6, $0x1;
	s3 =	sadd.s32 s19, s18  }
0xa2: {  	s7 =	simm.s32 $0x0;
	s20 =	sshll.u32 s5, $0x1;
	s5 =	sadd.s32 s21, s3  }
0xa3: {  	[timem:s7], [sflag:s22] =	dma.local [hbm:s5], s20  }
0xa4: {  	_ =	swait.ge [sflag:s22], s20  }
0xa5: {  	s4 =	ssub.s32 $0x0, s20;
	[sflag:s22] =	ssyncset.done $0x0  }
0xa6: {  	[sflag:s22] =	ssyncadd.s32 s4;
	_ =	sdelay $0x1  }
0xa7: {  	s23 =	simm.s32 $0x1B8B  }
0xa8: {  	_ =	swait.ge [sflag:s23], $0x1  }
0xa9: {  	[sflag:s23] =	ssyncset.done $0x0  }
0xaa: {  	s25 =	simm.s32 $0x1B8E;
	s24 =	sld [smem:$0x3FFE];
	[sflag:s23] =	ssyncadd.s32 $0xFFFFFFFF  }
0xab: {  	s26 =	simm.s32 $execute0_lowered;
	[smem:$0x3FD2] =	sst s25  }
0xac: {  	s5 =	sshll.u32 s26, $0x1;
	_ =	strace $0x80000046;
	[dreg:$0x1] =	wrdreg $0xFFFFFFFF  }
0xad: {  	s28 =	simm.s32 $_size_execute0_lowered;
	s3 =	sadd.s32 s3, s5;
	[dreg:$0x0] =	wrdreg $0x0  }
0xae: {  	s5 =	sshll.u32 s28, $0x1;
	[dreg:$0x2] =	wrdreg s3  }
0xaf: {  	[dreg:$0x3] =	wrdreg s5  }
0xb0: {  	[dreg:$0x4] =	wrdreg $0xC0  }
0xb1: {  	_ =	task [dreg:s7], $0x5FFFF  }
0xb2: {  	[dreg:$0x1] =	wrdreg $0xFFFFFFFF  }
0xb3: {  	[dreg:$0x0] =	wrdreg $0x60  }
0xb4: {  	[dreg:$0x2] =	wrdreg s16  }
0xb5: {  	[dreg:$0x3] =	wrdreg s24  }
0xb6: {  	[dreg:$0x4] =	wrdreg $0x28800  }
0xb7: {  	[dreg:$0x5] =	wrdreg $0x9  }
0xb8: {  	_ =	task.clear_ibuf [dreg:s7], $0x6FFFF;
	_ =	strace $0x90000046  }
0xb9: {  	s29 =	simm.s32 $0x9;
	_ =	strace $0x80000048  }
0xba: {  	_ =	swait.ge [sflag:s29], $0x1  }
0xbb: {  	[sflag:s29] =	ssyncadd.s32 $0xFFFFFFFF  }
0xbc: {  	_ =	strace $0x90000048  }
0xbd: {  	_ =	sfence  }
0xbe: {  	s30 =	sld [smem:$0x0];
	_ =	sdelay $0x2  }
0xbf: {  	s31 =	sshll.u32 s1, $0xD;
	s1 =	sshrl.u32 s1, $0x2  }
0xc0: {  	s3 =	sand.u32 $0x4000, s31;
	s1 =	sadd.s32 s1, s30  }
0xc1: {  	s0 =	sor.u32 s3, s0;
	s1 =	sshll.u32 s1, $0x11  }
0xc2: {  	s0 =	sor.u32 s1, s0  }
0xc3: {  	s0 =	sadd.s32 $0x8F2B, s0  }
0xc4: {  	[sflag:s0] =	ssyncadd.remote.s32 $0x1  }
0xc5: {  	_ =	sfence.sel $0xFFFF  }
0xc6: {  	[dreg:$0x0] =	wrdreg $0xFFFFFFFF;
	(pc) =	sbr.abs _section_cstart, $3  }
0xc7: {  	[dreg:$0x1] =	wrdreg $0xFFFFFFFF  }
0xc8: {  	_ =	task.clear_ibuf [dreg:s7], $0x2FFFF;
	_ =	strace $0x9FFFFFFF  }
0xc9: {  	(tm) =	ssettm $0x7FFFFFFF  }
tec
execute0_lowered:
.L_overlay_start_1:
0x0: {  	(tag) =	ssettag $0x1  }
0x1: {  	s7 =	rddreg [dreg:$0x0]  }
0x2: {  	s5 =	rddreg [dreg:$0x1]  }
0x3: {  	s2 =	rddreg [dreg:$0x2]  }
0x4: {  	s0 =	rddreg [dreg:$0x3];
	s1 =	stileid.u32  }
0x5: {  	s4 =	srdreg.scid;
	s3 =	simm.s32 $0x0;
	s14 =	simm.s32 $0x1  }
0x6: {  	s15 =	simm.s32 $0x2;
	s16 =	simm.s32 $0x0;
	s6 =	smul.u32 $0x280, s1  }
0x7: {  	s8 =	sand.u32 $0x1, s4;
	[smem:$0x7FF] =	sst s3;
	s4 =	sadd.s32 $0x4C00, s5  }
0x8: {  	s31 =	sshll.u32 s1, $0x6;
	s9 =	smul.u32 $0x2800, s8;
	_ =	strace $0x80000047  }
0x9: {  	s11 =	sshll.u32 s8, $0x4;
	s8 =	ssub.s32 $0x2, s8;
	s10 =	sshrl.u32 s6, $0x3  }
0xa: {  	s11 =	sor.u32 s1, s11;
	s30 =	sshrl.u32 s8, $0x1;
	s13 =	sadd.s32 s6, s2  }
0xb: {  	s10 =	sadd.s32 s10, s5;
	s9 =	sadd.s32 s6, s9;
	s11 =	smul.u32 $0x500, s11  }
0xc: {  	s12 =	ssub.s32 s8, s30;
	s6 =	sor.u32 $0x1C03, s31;
	s9 =	sshrl.u32 s9, $0x3  }
0xd: {  	s9 =	sadd.s32 s9, s5;
	s5 =	sadd.s32 $0x4600, s10;
	s7 =	sadd.s32 s7, s11  }
0xe: {  	s10 =	sshrl.u32 s13, $0x3;
	s11 =	simm.s32 $0x3;
	s13 =	simm.s32 $0x80  }
0xf: {  	s8 =	sadd.s32 $0x4E00, s9;
	s9 =	smax.u32 s12, $0x1;
	s12 =	simm.s32 $0x2800  }
.LBB2_1:
0x10: {  	[spmem:s10], [sflag:s6] =	dma.local [hbm:s5], $0x50  }
0x11: {  	_ =	swait.ge [sflag:s11], $0x50  }
0x12: {  	[sflag:s11] =	ssyncset.done $0x0  }
0x13: {  	[sflag:s11] =	ssyncadd.s32 $0xFFFFFFB0  }
0x14: {  	[tilespmem:s12], [sflag:$0x3] =	stream.linear.gather [hbm4b:s4+s3], $0x80, $0x38;
	[tilespmem:$0x2B00] =	vst v63  }
0x15: {  	_ =	swait.ge [sflag:s11], $0x80  }
0x16: {  	[sflag:s11] =	ssyncset.done $0x0  }
0x17: {  	[sflag:s11] =	ssyncadd.s32 $0xFFFFFF80  }
0x18: {  	[tilespmem:s3], [sflag:$0x3] =	stream.linear.gather [hbm4b:s7+s3], $0x2780, $0x38;
	[tilespmem:$0x2B00] =	vst v63  }
0x19: {  	_ =	swait.ge [sflag:s11], $0x2780  }
0x1a: {  	[sflag:s11] =	ssyncset.done $0x0  }
0x1b: {  	[sflag:s11] =	ssyncadd.s32 $0xFFFFD880  }
0x1c: {  	[bflag:$0x0] =	sbarrier.arrive $0xFFFF  }
0x1d: {  	[spmem:s2] =	stream.indirect.scatter.add.f32 [tilespmem:s12], [sflag:$0x1], $0x1, s3, s13, $0xb8;
	[tilespmem:$0x2B00] =	vst v63  }
0x1e: {  	s17 =	simm.s32 $0x80  }
0x1f: {  	[spmem:s2] =	stream.indirect.scatter.add.f32 [tilespmem:s12], [sflag:$0x2], $0x1, s17, s13, $0xb8;
	[tilespmem:$0x2B00] =	vst v63  }
0x20: {  	_ =	swait.ge [sflag:s14], $0x80  }
0x21: {  	[sflag:s14] =	ssyncset.done $0x0  }
0x22: {  	s31 =	simm.s32 $0x100;
	[sflag:s14] =	ssyncadd.s32 $0xFFFFFF80  }
0x23: {  	[spmem:s2] =	stream.indirect.scatter.add.f32 [tilespmem:s12], [sflag:$0x1], $0x1, s31, s13, $0xb8;
	[tilespmem:$0x2B00] =	vst v63  }
0x24: {  	_ =	swait.ge [sflag:s15], $0x80  }
0x25: {  	s18 =	simm.s32 $0xFFFF6C00;
	s17 =	simm.s32 $0xFFFFDA00;
	[sflag:s15] =	ssyncset.done $0x0  }
.LBB2_2:
0x26: {  	s19 =	sadd.s32 $0x2780, s17  }
0x27: {  	[sflag:s15] =	ssyncadd.s32 $0xFFFFFF80;
	s20 =	smov.u32 s18;
	s21 =	sadd.s32 $0x400, s18  }
0x28: {  	[spmem:s2] =	stream.indirect.scatter.add.f32 [tilespmem:s12], [sflag:$0x2], $0x1, s19, s13, $0xb8;
	[tilespmem:$0x2B00] =	vst v63  }
0x29: {  	p0 =	sne.s32 s18, $0xFFFFFC00;
	_ =	swait.ge [sflag:s14], $0x80  }
.Ltmp0:
0x2a: {  	[sflag:s14] =	ssyncset.done $0x0;
	(pc) =	sbr.rel @p0 .LBB2_2-.Ltmp0, $4  }
0x2b: {  	s17 =	sadd.s32 $0x2800, s17;
	[sflag:s14] =	ssyncadd.s32 $0xFFFFFF80  }
0x2c: {  	[spmem:s2] =	stream.indirect.scatter.add.f32 [tilespmem:s12], [sflag:$0x1], $0x1, s17, s13, $0xb8;
	[tilespmem:$0x2B00] =	vst v63  }
0x2d: {  	_ =	swait.ge [sflag:s15], $0x80  }
0x2e: {  	s18 =	smov.u32 s21;
	s17 =	sshra.s32 s20, $0x2;
	[sflag:s15] =	ssyncset.done $0x0  }
0x2f: {  	s18 =	sadd.s32 $0x2780, s17;
	[sflag:s15] =	ssyncadd.s32 $0xFFFFFF80  }
0x30: {  	[spmem:s2] =	stream.indirect.scatter.add.f32 [tilespmem:s12], [sflag:$0x2], $0x1, s18, s13, $0xb8;
	[tilespmem:$0x2B00] =	vst v63  }
0x31: {  	_ =	swait.ge [sflag:s14], $0x80  }
0x32: {  	[sflag:s14] =	ssyncset.done $0x0  }
0x33: {  	s31 =	sadd.s32 $0x2800, s17;
	[sflag:s14] =	ssyncadd.s32 $0xFFFFFF80  }
0x34: {  	[spmem:s2] =	stream.indirect.scatter.add.f32 [tilespmem:s12], [sflag:$0x1], $0x1, s31, s13, $0xb8;
	[tilespmem:$0x2B00] =	vst v63  }
0x35: {  	_ =	swait.ge [sflag:s15], $0x80  }
0x36: {  	[sflag:s15] =	ssyncset.done $0x0  }
0x37: {  	[sflag:s15] =	ssyncadd.s32 $0xFFFFFF80  }
0x38: {  	_ =	swait.ge [sflag:s14], $0x80  }
0x39: {  	s16 =	sadd.s32 $0x1, s16;
	[sflag:s14] =	ssyncset.done $0x0  }
0x3a: {  	p0 =	sne.s32 s16, s9;
	[sflag:s14] =	ssyncadd.s32 $0xFFFFFF80  }
.Ltmp1:
0x3b: {  	[bflag:$0x0] =	sbarrier.arrive $0xFFFF;
	(pc) =	sbr.rel @p0 .LBB2_1-.Ltmp1, $4  }
0x3c: {  	[hbm:s8], [sflag:s6] =	dma.local [spmem:s10], $0x50  }
0x3d: {  	_ =	swait.ge [sflag:s11], $0x50  }
0x3e: {  	[sflag:s11] =	ssyncset.done $0x0  }
0x3f: {  	[sflag:s11] =	ssyncadd.s32 $0xFFFFFFB0  }
0x40: {  	_ =	sfence.sel $0x180000  }
0x41: {  	[bflag:$0x0] =	sbarrier.arrive $0xFFFF  }
0x42: {  	p0 =	sne.s32 s1, $0x0;
	_ =	strace $0x90000047  }
0x43: {  	s0 =	sadd.s32 @!p0 $0x100000, s0;
	[bflag:$0x2] =	sbarrier.arrive $0xFFFF  }
0x44: {  	[sflag:s0] =	ssyncadd.tile.s32 @!p0 $0x1;
	_ =	shalt  }
.Lfunc_end2:
_tile_overlayer_lowered:
.L_overlay_start_2:
0x45: {  	(tag) =	ssettag $0x2  }
0x46: {  	s0 =	rddreg [dreg:$0x0];
	s2 =	stileid.u32  }
0x47: {  	s1 =	rddreg [dreg:$0x1];
	p0 =	sne.s32 s2, $0x0  }
0x48: {  	s3 =	rddreg [dreg:$0x2];
	[bflag:$0x3] =	sbarrier.arrive $0xFFFF;
	s2 =	simm.s32 @!p0 $0x1C03  }
0x49: {  	[timem:s3], [sflag:s2] =	dma.local @!p0 [hbm:s0], s1  }
0x4a: {  	s0 =	simm.s32 @!p0 $0x3  }
0x4b: {  	_ =	swait.ge @!p0 [sflag:s0], s1  }
0x4c: {  	s1 =	ssub.s32 @!p0 $0x0, s1;
	[sflag:s0] =	ssyncset.done @!p0 $0x0  }
0x4d: {  	[sflag:s0] =	ssyncadd.s32 @!p0 s1  }
0x4e: {  	[bflag:$0x3] =	sbarrier.arrive $0xFFFF  }
0x4f: {  	_ =	shalt  }

// kernel: kernel.13.cloned.1.call-start
scs
__scs_entry_jumppad:
0x0: {  	(pc) =	sbr.rel $0x88, $3  }
0x1: {  	(tag) =	ssettag $0x0;
	lr =	simm.s32 $0x1  }
0x2: {  	[smem:$0x3F8D] =	sst lr;
	_ =	strace $0xD0000000  }
0x3: {  	_ = 	snop  }
0x4: {  	_ = 	snop  }
0x5: {  	_ = 	snop  }
0x6: {  	_ = 	snop  }
0x7: {  	_ = 	snop  }
__scs_overlays_trampoline_lowered:
0x8: {  	[smem:$0x3F9C] =	sst s0  }
0x9: {  	[smem:$0x3F9D] =	sst s1  }
0xa: {  	[smem:$0x3F9E] =	sst s2  }
0xb: {  	[smem:$0x3F9F] =	sst s3  }
0xc: {  	[smem:$0x3FA0] =	sst s4  }
0xd: {  	[smem:$0x3FA1] =	sst s5  }
0xe: {  	[smem:$0x3FA2] =	sst s6  }
0xf: {  	[smem:$0x3FA3] =	sst s7  }
0x10: {  	[smem:$0x3FA4] =	sst s8  }
0x11: {  	[smem:$0x3FA5] =	sst s9;
	s0 =	simm.s32 @!p0 $0x0  }
0x12: {  	s1 =	sld [smem:$0x3F8B];
	s0 =	simm.s32 @p0 $0x1  }
0x13: {  	[smem:$0x3FA6] =	sst s0;
	s0 =	simm.s32 @!p1 $0x0  }
0x14: {  	s2 =	sld [smem:$0x3F8A];
	s0 =	simm.s32 @p1 $0x1  }
0x15: {  	[smem:$0x3FA7] =	sst s0;
	s0 =	simm.s32 @!p2 $0x0  }
0x16: {  	s3 =	sld [smem:$0x3FDB];
	s0 =	simm.s32 @p2 $0x1  }
0x17: {  	s4 =	simm.s32 $0x1BF5;
	[smem:$0x3FA9] =	sst s0  }
0x18: {  	s0 =	sld [smem:$0x3F8C];
	_ =	swait.ge [sflag:s4], $0x0  }
0x19: {  	s7 =	sld [smem:$0x3F8D]  }
0x1a: {  	s8 =	sadd.s32 $0xFFFFE003, lr  }
0x1b: {  	s9 =	sadd.s32 $0xFFFFFEF7, lr;
	s5 =	simm.s32 $0xFFFFFFFF;
	p2 =	slt.u32 s8, $0xFFFFF086  }
0x1c: {  	p1 =	slt.u32 s9, $0xF7A;
	s5 =	simm.s32 @!p2 $0x0  }
0x1d: {  	s5 =	simm.s32 @p1 $0x1;
	p0 =	seq.s32 s7, s2  }
0x1e: {  	s7 =	smul.u32 @!p0 $0xF7A, s2;
	p2 =	seq.s32 @!p0 s5, $0x0  }
0x1f: {  	s9 =	smul.u32 $0xF7A, s1;
	s8 =	simm.s32 @!p0 $0x1BF5;
	p2 =	por !p2, p0  }
0x20: {  	[sflag:s8] =	ssyncset.s32 @!p0 $0xFFFFF086;
	s6 =	sadd.s32 @!p0 s3, s7;
	s7 =	simm.s32 @!p0 $0x108  }
0x21: {  	s3 =	sadd.s32 s3, s9;
	s6 =	sadd.s32 @!p0 $0x88, s6;
	s7 =	simm.s32 @p2 $0x1082  }
0x22: {  	[simem:s7], [sflag:s8] =	dma.local @!p0 [hbm:s6], $0xF7A  }
0x23: {  	s9 =	sor.u32 $0xD0000000, s2;
	s6 =	simm.s32 $0x108;
	_ =	swait.ge @!p0 [sflag:s8], $0x0  }
0x24: {  	s3 =	sadd.s32 $0x88, s3;
	s6 =	simm.s32 @!p1 $0x1082;
	[sflag:s4] =	ssyncset.s32 $0xFFFFF086  }
0x25: {  	[simem:s6], [sflag:s4] =	dma.local [hbm:s3], $0xF7A  }
0x26: {  	[smem:$0x3F8D] =	sst s1;
	(tag) =	ssettag s2;
	_ =	strace s9  }
0x27: {  	s1 =	sld [smem:$0x3F9D]  }
0x28: {  	s2 =	sld [smem:$0x3F9E]  }
0x29: {  	s4 =	sld [smem:$0x3FA0]  }
0x2a: {  	p0 =	seq.s32 s5, $0x0;
	s5 =	sld [smem:$0x3FA1]  }
0x2b: {  	s6 =	sld [smem:$0x3FA2]  }
0x2c: {  	s7 =	sld [smem:$0x3FA3]  }
0x2d: {  	s3 =	simm.s32 $0x108;
	s8 =	sld [smem:$0x3FA4]  }
0x2e: {  	s3 =	simm.s32 @!p0 $0x1082;
	s9 =	sld [smem:$0x3FA5]  }
0x2f: {  	lr =	sadd.s32 s0, s3;
	s0 =	sld [smem:$0x3F9C]  }
0x30: {  	s3 =	sld [smem:$0x3F9F]  }
0x31: {  	[smem:$0x3FA8] =	sst s10  }
0x32: {  	s10 =	sld [smem:$0x3FA6];
	_ =	sdelay $0x3  }
0x33: {  	p0 =	seq.s32 s10, $0x1;
	s10 =	sld [smem:$0x3FA8];
	_ =	sdelay $0x3  }
0x34: {  	[smem:$0x3FA8] =	sst s10  }
0x35: {  	s10 =	sld [smem:$0x3FA7];
	_ =	sdelay $0x3  }
0x36: {  	p1 =	seq.s32 s10, $0x1;
	s10 =	sld [smem:$0x3FA8];
	_ =	sdelay $0x3  }
0x37: {  	[smem:$0x3FA8] =	sst s10  }
0x38: {  	s10 =	sld [smem:$0x3FA9]  }
0x39: {  	_ = 	snop;
	(pc) =	sbr.ind lr, $3  }
0x3a: {  	_ = 	snop  }
0x3b: {  	_ = 	snop  }
0x3c: {  	p2 =	seq.s32 s10, $0x1;
	s10 =	sld [smem:$0x3FA8]  }
0x3d: {  	_ =	shalt  }
0x3e: {  	_ =	shalt  }
0x3f: {  	_ =	shalt  }
0x40: {  	_ =	shalt  }
0x41: {  	_ =	shalt  }
0x42: {  	_ =	shalt  }
0x43: {  	_ =	shalt  }
0x44: {  	_ =	shalt  }
0x45: {  	_ =	shalt  }
0x46: {  	_ =	shalt  }
0x47: {  	_ =	shalt  }
0x48: {  	_ =	shalt  }
0x49: {  	_ =	shalt  }
0x4a: {  	_ =	shalt  }
0x4b: {  	_ =	shalt  }
0x4c: {  	_ =	shalt  }
0x4d: {  	_ =	shalt  }
0x4e: {  	_ =	shalt  }
0x4f: {  	_ =	shalt  }
0x50: {  	_ =	shalt  }
0x51: {  	_ =	shalt  }
0x52: {  	_ =	shalt  }
0x53: {  	_ =	shalt  }
0x54: {  	_ =	shalt  }
0x55: {  	_ =	shalt  }
0x56: {  	_ =	shalt  }
0x57: {  	_ =	shalt  }
0x58: {  	_ =	shalt  }
0x59: {  	_ =	shalt  }
0x5a: {  	_ =	shalt  }
0x5b: {  	_ =	shalt  }
0x5c: {  	_ =	shalt  }
0x5d: {  	_ =	shalt  }
0x5e: {  	_ =	shalt  }
0x5f: {  	_ =	shalt  }
0x60: {  	_ =	shalt  }
0x61: {  	_ =	shalt  }
0x62: {  	_ =	shalt  }
0x63: {  	_ =	shalt  }
0x64: {  	_ =	shalt  }
0x65: {  	_ =	shalt  }
0x66: {  	_ =	shalt  }
0x67: {  	_ =	shalt  }
0x68: {  	_ =	shalt  }
0x69: {  	_ =	shalt  }
0x6a: {  	_ =	shalt  }
0x6b: {  	_ =	shalt  }
0x6c: {  	_ =	shalt  }
0x6d: {  	_ =	shalt  }
0x6e: {  	_ =	shalt  }
0x6f: {  	_ =	shalt  }
0x70: {  	_ =	shalt  }
0x71: {  	_ =	shalt  }
0x72: {  	_ =	shalt  }
0x73: {  	_ =	shalt  }
0x74: {  	_ =	shalt  }
0x75: {  	_ =	shalt  }
0x76: {  	_ =	shalt  }
0x77: {  	_ =	shalt  }
0x78: {  	_ =	shalt  }
0x79: {  	_ =	shalt  }
0x7a: {  	_ =	shalt  }
0x7b: {  	_ =	shalt  }
0x7c: {  	_ =	shalt  }
0x7d: {  	_ =	shalt  }
0x7e: {  	_ =	shalt  }
0x7f: {  	_ =	shalt  }
0x80: {  	_ =	shalt  }
0x81: {  	_ =	shalt  }
0x82: {  	_ =	shalt  }
0x83: {  	_ =	shalt  }
0x84: {  	_ =	shalt  }
0x85: {  	_ =	shalt  }
0x86: {  	_ =	shalt  }
0x87: {  	_ =	shalt  }
.Lfunc_end0:
.L_simem_size_0:
called_computation.1_lowered:
.L_overlay_start_0:
0x88: {  	s2 =	sld [smem:$0x3FD9]  }
0x89: {  	s3 =	sld [smem:$0x3FFE];
	_ =	sdelay $0x1  }
0x8a: {  	s1 =	srdreg.scid  }
0x8b: {  	s0 =	sand.u32 $0x1, s1  }
0x8c: {  	s14 =	sshll.u32 s0, $0xA;
	s2 =	sadd.s32 s3, s2  }
0x8d: {  	s2 =	sadd.s32 s2, s14  }
0x8e: {  	[smem:$0x3FB4] =	sst s2  }
0x8f: {  	_ = 	snop  }
0x90: {  	s2 =	sld [smem:$0x3FD0];
	_ =	sdelay $0x2  }
0x91: {  	s15 =	simm.s32 $0xA;
	s4 =	simm.s32 $0x10  }
0x92: {  	[smem:s4], [sflag:s15] =	dma.local [hbm:s2], $0x1  }
0x93: {  	_ =	swait.eq [sflag:s15], $0x1  }
0x94: {  	[sflag:s15] =	ssyncset.done $0x0  }
0x95: {  	s16 =	sld [smem:$0x10];
	[sflag:s15] =	ssyncadd.s32 $0xFFFFFFFF  }
0x96: {  	s17 =	sld [smem:$0x11];
	(tm) =	ssettm $0x1  }
0x97: {  	s18 =	sld [smem:$0x3FFB];
	_ =	sdelay $0x3  }
0x98: {  	_ =	strace s18  }
0x99: {  	s4 =	sld [smem:$0x3FFC];
	_ =	sdelay $0x3  }
0x9a: {  	_ =	strace s4  }
0x9b: {  	s4 =	sld [smem:$0x3FFD];
	_ =	sdelay $0x3  }
0x9c: {  	_ =	strace s4  }
0x9d: {  	_ =	strace $0x8FFFFFFF  }
0x9e: {  	s19 =	sld [smem:$0x3FDB];
	_ =	sdelay $0x1  }
0x9f: {  	s5 =	simm.s32 $_scs_section_size  }
0xa0: {  	s6 =	simm.s32 $_size__tile_overlayer_lowered;
	s7 =	simm.s32 $_tile_overlayer_lowered  }
0xa1: {  	s22 =	simm.s32 $0x1BFF;
	s21 =	sshll.u32 s7, $0x1;
	s4 =	sadd.s32 s5, s19  }
0xa2: {  	s8 =	simm.s32 $0x0;
	s20 =	sshll.u32 s6, $0x1;
	s6 =	sadd.s32 s21, s4  }
0xa3: {  	[timem:s8], [sflag:s22] =	dma.local [hbm:s6], s20  }
0xa4: {  	_ =	swait.ge [sflag:s22], s20  }
0xa5: {  	s5 =	ssub.s32 $0x0, s20;
	[sflag:s22] =	ssyncset.done $0x0  }
0xa6: {  	[sflag:s22] =	ssyncadd.s32 s5;
	_ =	sdelay $0x1  }
0xa7: {  	s23 =	simm.s32 $0x1B8B  }
0xa8: {  	_ =	swait.ge [sflag:s23], $0x1  }
0xa9: {  	[sflag:s23] =	ssyncset.done $0x0  }
0xaa: {  	s25 =	simm.s32 $0x1B8E;
	s24 =	sld [smem:$0x3FFE];
	[sflag:s23] =	ssyncadd.s32 $0xFFFFFFFF  }
0xab: {  	s26 =	simm.s32 $execute0_lowered;
	[smem:$0x3FD2] =	sst s25  }
0xac: {  	s6 =	sshll.u32 s26, $0x1;
	_ =	strace $0x80000049;
	[dreg:$0x1] =	wrdreg $0xFFFFFFFF  }
0xad: {  	s28 =	simm.s32 $_size_execute0_lowered;
	s4 =	sadd.s32 s4, s6;
	[dreg:$0x0] =	wrdreg $0x0  }
0xae: {  	s6 =	sshll.u32 s28, $0x1;
	[dreg:$0x2] =	wrdreg s4  }
0xaf: {  	[dreg:$0x3] =	wrdreg s6  }
0xb0: {  	[dreg:$0x4] =	wrdreg $0xC0  }
0xb1: {  	_ =	task [dreg:s8], $0x5FFFF  }
0xb2: {  	[dreg:$0x1] =	wrdreg $0xFFFFFFFF  }
0xb3: {  	[dreg:$0x0] =	wrdreg $0x60  }
0xb4: {  	[dreg:$0x2] =	wrdreg s24  }
0xb5: {  	[dreg:$0x3] =	wrdreg s16  }
0xb6: {  	[dreg:$0x4] =	wrdreg s17  }
0xb7: {  	[dreg:$0x5] =	wrdreg $0xA9000  }
0xb8: {  	[dreg:$0x6] =	wrdreg $0x9  }
0xb9: {  	_ =	task.clear_ibuf [dreg:s8], $0x7FFFF;
	_ =	strace $0x90000049  }
0xba: {  	s29 =	simm.s32 $0x9;
	_ =	strace $0x8000004B  }
0xbb: {  	_ =	swait.ge [sflag:s29], $0x1  }
0xbc: {  	[sflag:s29] =	ssyncadd.s32 $0xFFFFFFFF  }
0xbd: {  	_ =	strace $0x9000004B  }
0xbe: {  	_ =	sfence  }
0xbf: {  	s30 =	sld [smem:$0x0];
	_ =	sdelay $0x2  }
0xc0: {  	s31 =	sshll.u32 s1, $0xD;
	s1 =	sshrl.u32 s1, $0x2  }
0xc1: {  	s3 =	sand.u32 $0x4000, s31;
	s1 =	sadd.s32 s1, s30  }
0xc2: {  	s0 =	sor.u32 s3, s0;
	s1 =	sshll.u32 s1, $0x11  }
0xc3: {  	s0 =	sor.u32 s1, s0  }
0xc4: {  	s0 =	sadd.s32 $0x8F2B, s0  }
0xc5: {  	[sflag:s0] =	ssyncadd.remote.s32 $0x1  }
0xc6: {  	_ =	sfence.sel $0xFFFF  }
0xc7: {  	[dreg:$0x0] =	wrdreg $0xFFFFFFFF;
	(pc) =	sbr.abs _section_cstart, $3  }
0xc8: {  	[dreg:$0x1] =	wrdreg $0xFFFFFFFF  }
0xc9: {  	_ =	task.clear_ibuf [dreg:s8], $0x2FFFF;
	_ =	strace $0x9FFFFFFF  }
0xca: {  	(tm) =	ssettm $0x7FFFFFFF  }
0xcb: {  	_ =	shalt  }
tec
execute0_lowered:
.L_overlay_start_1:
0x0: {  	(tag) =	ssettag $0x1  }
0x1: {  	s6 =	rddreg [dreg:$0x0]  }
0x2: {  	s7 =	rddreg [dreg:$0x1]  }
0x3: {  	s2 =	rddreg [dreg:$0x2];
	s0 =	srdreg.scid  }
0x4: {  	s3 =	rddreg [dreg:$0x3];
	s1 =	stileid.u32  }
0x5: {  	s4 =	simm.s32 $0x0;
	s15 =	simm.s32 $0x2900;
	s16 =	simm.s32 $0x2800  }
0x6: {  	s17 =	simm.s32 $0x80;
	s18 =	simm.s32 $0x6900;
	s19 =	simm.s32 $0x2880  }
0x7: {  	s20 =	simm.s32 $0x1;
	s21 =	simm.s32 $0x2;
	s22 =	simm.s32 $0x0  }
0x8: {  	s8 =	sand.u32 $0x1, s0;
	s0 =	rddreg [dreg:$0x4];
	s10 =	smul.u32 $0x13C00, s1  }
0x9: {  	[smem:$0x7FF] =	sst s4;
	s5 =	sadd.s32 $0x4600, s6;
	s13 =	smul.u32 $0x4F000, s1  }
0xa: {  	s11 =	sadd.s32 $0x2C600, s6;
	s29 =	smul.u32 $0x2780, s1;
	s31 =	sshll.u32 s1, $0x6  }
0xb: {  	s9 =	smul.u32 $0x140000, s8;
	_ =	strace $0x8000004A;
	s12 =	ssub.s32 $0x2, s8  }
0xc: {  	s25 =	sshll.u32 s8, $0x4;
	p0 =	seq.s32 s8, $0x0;
	s14 =	sshrl.u32 s12, $0x1  }
0xd: {  	s28 =	sshrl.u32 s13, $0x2;
	s11 =	smov.u32 @p0 s5;
	s9 =	sadd.s32 s10, s9  }
0xe: {  	s10 =	sor.u32 s1, s25;
	s26 =	ssub.s32 s12, s14;
	s9 =	sshrl.u32 s9, $0x3  }
0xf: {  	s13 =	sadd.s32 s28, s3;
	s9 =	sadd.s32 s9, s6;
	s6 =	smul.u32 $0x2800, s10  }
0x10: {  	s11 =	sadd.s32 s11, s29;
	s12 =	sor.u32 $0x1C03, s31;
	s14 =	simm.s32 $0x3  }
0x11: {  	s13 =	sshrl.u32 s13, $0x3;
	s10 =	smax.u32 s26, $0x1;
	s30 =	sshrl.u32 s6, $0x3  }
0x12: {  	s9 =	sadd.s32 $0x53E00, s9;
	s7 =	sadd.s32 s7, s30;
	s8 =	sadd.s32 s2, s30  }
.LBB2_1:
0x13: {  	[spmem:s13], [sflag:s12] =	dma.local [hbm:s11], $0x2780  }
0x14: {  	_ =	swait.ge [sflag:s14], $0x2780  }
0x15: {  	[sflag:s14] =	ssyncset.done $0x0  }
0x16: {  	[sflag:s14] =	ssyncadd.s32 $0xFFFFD880  }
0x17: {  	[tilespmem:s4], [sflag:$0x3] =	stream.linear.gather [hbm4b:s7+s4], $0x2780, $0x38;
	[tilespmem:$0x1E500] =	vst v63  }
0x18: {  	_ =	swait.ge [sflag:s14], $0x2780  }
0x19: {  	s23 =	simm.s32 $0x0;
	[sflag:s14] =	ssyncset.done $0x0  }
0x1a: {  	s24 =	simm.s32 $0x80;
	s23 =	sand.u32 $0x3C00, s23;
	[sflag:s14] =	ssyncadd.s32 $0xFFFFD880  }
0x1b: {  	s24 =	sand.u32 $0x380, s24;
	s23 =	sadd.s32 s6, s23;
	[bflag:$0x0] =	sbarrier.arrive $0xFFFF  }
0x1c: {  	[tilespmem:s15], [sflag:$0x1] =	stream.indirect.gather [hbm4b:s5+s17], $0x80, s4, s17, $0xb8;
	[tilespmem:$0x1E500] =	vst v63  }
0x1d: {  	s23 =	sor.u32 s23, s24  }
0x1e: {  	[tilespmem:s16], [sflag:$0x1] =	stream.linear.gather [hbm4b:s8+s4], $0x80, $0x38;
	[tilespmem:$0x1E500] =	vst v63  }
0x1f: {  	s23 =	sshrl.u32 s23, $0x3  }
0x20: {  	[tilespmem:s18], [sflag:$0x2] =	stream.indirect.gather [hbm4b:s5+s17], $0x80, s17, s17, $0xb8;
	[tilespmem:$0x1E500] =	vst v63  }
0x21: {  	s23 =	sadd.s32 s2, s23  }
0x22: {  	[tilespmem:s19], [sflag:$0x2] =	stream.linear.gather [hbm4b:s23+s4], $0x80, $0x38;
	[tilespmem:$0x1E500] =	vst v63  }
0x23: {  	_ =	swait.ge [sflag:s20], $0x4000  }
0x24: {  	[sflag:s20] =	ssyncset.done $0x0  }
0x25: {  	[sflag:s20] =	ssyncadd.s32 $0xFFFFC000  }
0x26: {  	_ =	swait.ge [sflag:s20], $0x80  }
0x27: {  	s26 =	simm.s32 $0x100;
	[sflag:s20] =	ssyncset.done $0x0  }
0x28: {  	s30 =	sand.u32 $0x7C00, s26;
	[sflag:s20] =	ssyncadd.s32 $0xFFFFFF80  }
0x29: {  	[spmem:s3] =	stream.indirect.scatter.add.f32 [tilespmem:s15], [sflag:$0x3], $0x80, s16, s17, $0xb8;
	[tilespmem:$0x1E500] =	vst v63  }
0x2a: {  	s24 =	sadd.s32 s6, s30;
	s23 =	sand.u32 $0x300, s26;
	_ =	swait.ge [sflag:s14], $0x4000  }
0x2b: {  	s23 =	sor.u32 s23, s24;
	[sflag:s14] =	ssyncset.done $0x0  }
0x2c: {  	s25 =	simm.s32 $0x100;
	s23 =	sshrl.u32 s23, $0x3;
	[sflag:s14] =	ssyncadd.s32 $0xFFFFC000  }
0x2d: {  	[tilespmem:s15], [sflag:$0x1] =	stream.indirect.gather [hbm4b:s5+s17], $0x80, s25, s17, $0xb8;
	[tilespmem:$0x1E500] =	vst v63  }
0x2e: {  	s23 =	sadd.s32 s2, s23  }
0x2f: {  	[tilespmem:s16], [sflag:$0x1] =	stream.linear.gather [hbm4b:s23+s4], $0x80, $0x38;
	[tilespmem:$0x1E500] =	vst v63  }
0x30: {  	_ =	swait.ge [sflag:s21], $0x4000  }
0x31: {  	s31 =	simm.s32 $0x100;
	s29 =	simm.s32 $0x180;
	[sflag:s21] =	ssyncset.done $0x0  }
0x32: {  	s28 =	sand.u32 $0x3C00, s31;
	s26 =	simm.s32 $0x300;
	[sflag:s21] =	ssyncadd.s32 $0xFFFFC000  }
0x33: {  	s24 =	simm.s32 $0x200;
	s23 =	simm.s32 $0x180;
	_ =	swait.ge [sflag:s21], $0x80  }
.LBB2_2:
0x34: {  	s28 =	sadd.s32 s6, s28  }
0x35: {  	s29 =	sand.u32 $0x380, s29;
	[sflag:s21] =	ssyncset.done $0x0;
	s30 =	smov.u32 s26  }
0x36: {  	s25 =	sadd.s32 $0x100, s26;
	s28 =	sor.u32 s28, s29;
	[sflag:s21] =	ssyncadd.s32 $0xFFFFFF80  }
0x37: {  	[spmem:s3] =	stream.indirect.scatter.add.f32 [tilespmem:s18], [sflag:$0x3], $0x80, s19, s17, $0xb8;
	[tilespmem:$0x1E500] =	vst v63  }
0x38: {  	p0 =	sne.s32 s26, $0x2700;
	s26 =	sshrl.u32 s28, $0x3;
	_ =	swait.ge [sflag:s14], $0x4000  }
0x39: {  	[sflag:s14] =	ssyncset.done $0x0  }
0x3a: {  	[sflag:s14] =	ssyncadd.s32 $0xFFFFC000  }
0x3b: {  	[tilespmem:s18], [sflag:$0x2] =	stream.indirect.gather [hbm4b:s5+s17], $0x80, s23, s17, $0xb8;
	[tilespmem:$0x1E500] =	vst v63  }
0x3c: {  	s26 =	sadd.s32 s2, s26  }
0x3d: {  	[tilespmem:s19], [sflag:$0x2] =	stream.linear.gather [hbm4b:s26+s4], $0x80, $0x38;
	[tilespmem:$0x1E500] =	vst v63  }
0x3e: {  	_ =	swait.ge [sflag:s20], $0x4000  }
0x3f: {  	[sflag:s20] =	ssyncset.done $0x0  }
0x40: {  	[sflag:s20] =	ssyncadd.s32 $0xFFFFC000  }
0x41: {  	_ =	swait.ge [sflag:s20], $0x80  }
0x42: {  	[sflag:s20] =	ssyncset.done $0x0  }
0x43: {  	[sflag:s20] =	ssyncadd.s32 $0xFFFFFF80  }
0x44: {  	[spmem:s3] =	stream.indirect.scatter.add.f32 [tilespmem:s15], [sflag:$0x3], $0x80, s16, s17, $0xb8;
	[tilespmem:$0x1E500] =	vst v63  }
0x45: {  	s26 =	sand.u32 $0x7C00, s24;
	_ =	swait.ge [sflag:s14], $0x4000  }
0x46: {  	s24 =	sand.u32 $0x300, s24;
	s26 =	sadd.s32 s6, s26;
	[sflag:s14] =	ssyncset.done $0x0  }
0x47: {  	s28 =	sadd.s32 $0x80, s23;
	s24 =	sor.u32 s24, s26;
	[sflag:s14] =	ssyncadd.s32 $0xFFFFC000  }
0x48: {  	[tilespmem:s15], [sflag:$0x1] =	stream.indirect.gather [hbm4b:s5+s17], $0x80, s28, s17, $0xb8;
	[tilespmem:$0x1E500] =	vst v63  }
0x49: {  	s26 =	sshrl.u32 s24, $0x3;
	s24 =	smov.u32 s30  }
0x4a: {  	s26 =	sadd.s32 s2, s26  }
0x4b: {  	[tilespmem:s16], [sflag:$0x1] =	stream.linear.gather [hbm4b:s26+s4], $0x80, $0x38;
	[tilespmem:$0x1E500] =	vst v63  }
.Ltmp0:
0x4c: {  	_ = 	snop;
	(pc) =	sbr.rel @p0 .LBB2_2-.Ltmp0, $4  }
0x4d: {  	_ =	swait.ge [sflag:s21], $0x4000  }
0x4e: {  	s23 =	sadd.s32 $0x100, s23;
	[sflag:s21] =	ssyncset.done $0x0  }
0x4f: {  	s29 =	sadd.s32 $0xFFFFFF80, s24;
	s26 =	sadd.s32 $0xFFFFFF00, s24;
	[sflag:s21] =	ssyncadd.s32 $0xFFFFC000  }
0x50: {  	s28 =	sand.u32 $0x3C00, s26;
	s26 =	smov.u32 s25;
	_ =	swait.ge [sflag:s21], $0x80  }
0x51: {  	[sflag:s21] =	ssyncset.done $0x0  }
0x52: {  	[sflag:s21] =	ssyncadd.s32 $0xFFFFFF80  }
0x53: {  	[spmem:s3] =	stream.indirect.scatter.add.f32 [tilespmem:s18], [sflag:$0x3], $0x80, s19, s17, $0xb8;
	[tilespmem:$0x1E500] =	vst v63  }
0x54: {  	s25 =	sadd.s32 s6, s28;
	s26 =	sand.u32 $0x380, s29;
	_ =	swait.ge [sflag:s14], $0x4000  }
0x55: {  	s25 =	sor.u32 s25, s26;
	[sflag:s14] =	ssyncset.done $0x0  }
0x56: {  	s25 =	sshrl.u32 s25, $0x3;
	[sflag:s14] =	ssyncadd.s32 $0xFFFFC000  }
0x57: {  	[tilespmem:s18], [sflag:$0x2] =	stream.indirect.gather [hbm4b:s5+s17], $0x80, s23, s17, $0xb8;
	[tilespmem:$0x1E500] =	vst v63  }
0x58: {  	s25 =	sadd.s32 s2, s25  }
0x59: {  	[tilespmem:s19], [sflag:$0x2] =	stream.linear.gather [hbm4b:s25+s4], $0x80, $0x38;
	[tilespmem:$0x1E500] =	vst v63  }
0x5a: {  	_ =	swait.ge [sflag:s20], $0x4000  }
0x5b: {  	[sflag:s20] =	ssyncset.done $0x0  }
0x5c: {  	[sflag:s20] =	ssyncadd.s32 $0xFFFFC000  }
0x5d: {  	_ =	swait.ge [sflag:s20], $0x80  }
0x5e: {  	[sflag:s20] =	ssyncset.done $0x0  }
0x5f: {  	s28 =	sand.u32 $0x7C00, s24;
	[sflag:s20] =	ssyncadd.s32 $0xFFFFFF80  }
0x60: {  	[spmem:s3] =	stream.indirect.scatter.add.f32 [tilespmem:s15], [sflag:$0x3], $0x80, s16, s17, $0xb8;
	[tilespmem:$0x1E500] =	vst v63  }
0x61: {  	s29 =	sand.u32 $0x300, s24;
	s25 =	sadd.s32 s6, s28;
	_ =	swait.ge [sflag:s14], $0x4000  }
0x62: {  	s24 =	sor.u32 s29, s25;
	[sflag:s14] =	ssyncset.done $0x0  }
0x63: {  	s30 =	sadd.s32 $0x80, s23;
	s31 =	sshrl.u32 s24, $0x3;
	[sflag:s14] =	ssyncadd.s32 $0xFFFFC000  }
0x64: {  	[tilespmem:s15], [sflag:$0x1] =	stream.indirect.gather [hbm4b:s5+s17], $0x80, s30, s17, $0xb8;
	[tilespmem:$0x1E500] =	vst v63  }
0x65: {  	s23 =	sadd.s32 s2, s31  }
0x66: {  	[tilespmem:s16], [sflag:$0x1] =	stream.linear.gather [hbm4b:s23+s4], $0x80, $0x38;
	[tilespmem:$0x1E500] =	vst v63  }
0x67: {  	_ =	swait.ge [sflag:s21], $0x4000  }
0x68: {  	[sflag:s21] =	ssyncset.done $0x0  }
0x69: {  	[sflag:s21] =	ssyncadd.s32 $0xFFFFC000  }
0x6a: {  	_ =	swait.ge [sflag:s21], $0x80  }
0x6b: {  	[sflag:s21] =	ssyncset.done $0x0  }
0x6c: {  	[sflag:s21] =	ssyncadd.s32 $0xFFFFFF80  }
0x6d: {  	[spmem:s3] =	stream.indirect.scatter.add.f32 [tilespmem:s18], [sflag:$0x3], $0x80, s19, s17, $0xb8;
	[tilespmem:$0x1E500] =	vst v63  }
0x6e: {  	_ =	swait.ge [sflag:s14], $0x4000  }
0x6f: {  	[sflag:s14] =	ssyncset.done $0x0  }
0x70: {  	[sflag:s14] =	ssyncadd.s32 $0xFFFFC000  }
0x71: {  	_ =	swait.ge [sflag:s20], $0x4000  }
0x72: {  	[sflag:s20] =	ssyncset.done $0x0  }
0x73: {  	[sflag:s20] =	ssyncadd.s32 $0xFFFFC000  }
0x74: {  	_ =	swait.ge [sflag:s20], $0x80  }
0x75: {  	[sflag:s20] =	ssyncset.done $0x0  }
0x76: {  	[sflag:s20] =	ssyncadd.s32 $0xFFFFFF80  }
0x77: {  	[spmem:s3] =	stream.indirect.scatter.add.f32 [tilespmem:s15], [sflag:$0x3], $0x80, s16, s17, $0xb8;
	[tilespmem:$0x1E500] =	vst v63  }
0x78: {  	_ =	swait.ge [sflag:s14], $0x4000  }
0x79: {  	s22 =	sadd.s32 $0x1, s22;
	[sflag:s14] =	ssyncset.done $0x0  }
0x7a: {  	p0 =	sne.s32 s22, s10;
	[sflag:s14] =	ssyncadd.s32 $0xFFFFC000  }
.Ltmp1:
0x7b: {  	[bflag:$0x0] =	sbarrier.arrive $0xFFFF;
	(pc) =	sbr.rel @p0 .LBB2_1-.Ltmp1, $4  }
0x7c: {  	[hbm:s9], [sflag:s12] =	dma.local [spmem:s13], $0x2780  }
0x7d: {  	_ =	swait.ge [sflag:s14], $0x2780  }
0x7e: {  	[sflag:s14] =	ssyncset.done $0x0  }
0x7f: {  	[sflag:s14] =	ssyncadd.s32 $0xFFFFD880  }
0x80: {  	_ =	sfence.sel $0x180000  }
0x81: {  	[bflag:$0x0] =	sbarrier.arrive $0xFFFF  }
0x82: {  	p0 =	sne.s32 s1, $0x0;
	_ =	strace $0x9000004A  }
0x83: {  	s0 =	sadd.s32 @!p0 $0x100000, s0;
	[bflag:$0x2] =	sbarrier.arrive $0xFFFF  }
0x84: {  	[sflag:s0] =	ssyncadd.tile.s32 @!p0 $0x1;
	_ =	shalt  }
.Lfunc_end2:
_tile_overlayer_lowered:
.L_overlay_start_2:
0x85: {  	(tag) =	ssettag $0x2  }
0x86: {  	s0 =	rddreg [dreg:$0x0];
	s2 =	stileid.u32  }
0x87: {  	s1 =	rddreg [dreg:$0x1];
	p0 =	sne.s32 s2, $0x0  }
0x88: {  	s3 =	rddreg [dreg:$0x2];
	[bflag:$0x3] =	sbarrier.arrive $0xFFFF;
	s2 =	simm.s32 @!p0 $0x1C03  }
0x89: {  	[timem:s3], [sflag:s2] =	dma.local @!p0 [hbm:s0], s1  }
0x8a: {  	s0 =	simm.s32 @!p0 $0x3  }
0x8b: {  	_ =	swait.ge @!p0 [sflag:s0], s1  }
0x8c: {  	s1 =	ssub.s32 @!p0 $0x0, s1;
	[sflag:s0] =	ssyncset.done @!p0 $0x0  }
0x8d: {  	[sflag:s0] =	ssyncadd.s32 @!p0 s1  }
0x8e: {  	[bflag:$0x3] =	sbarrier.arrive $0xFFFF  }
0x8f: {  	_ =	shalt  }

// kernel: kernel.16.cloned.1.call-start
scs
__scs_entry_jumppad:
0x0: {  	(pc) =	sbr.rel $0x88, $3  }
0x1: {  	(tag) =	ssettag $0x0;
	lr =	simm.s32 $0x1  }
0x2: {  	[smem:$0x3F8D] =	sst lr;
	_ =	strace $0xD0000000  }
0x3: {  	_ = 	snop  }
0x4: {  	_ = 	snop  }
0x5: {  	_ = 	snop  }
0x6: {  	_ = 	snop  }
0x7: {  	_ = 	snop  }
__scs_overlays_trampoline_lowered:
0x8: {  	[smem:$0x3F9C] =	sst s0  }
0x9: {  	[smem:$0x3F9D] =	sst s1  }
0xa: {  	[smem:$0x3F9E] =	sst s2  }
0xb: {  	[smem:$0x3F9F] =	sst s3  }
0xc: {  	[smem:$0x3FA0] =	sst s4  }
0xd: {  	[smem:$0x3FA1] =	sst s5  }
0xe: {  	[smem:$0x3FA2] =	sst s6  }
0xf: {  	[smem:$0x3FA3] =	sst s7  }
0x10: {  	[smem:$0x3FA4] =	sst s8  }
0x11: {  	[smem:$0x3FA5] =	sst s9;
	s0 =	simm.s32 @!p0 $0x0  }
0x12: {  	s1 =	sld [smem:$0x3F8B];
	s0 =	simm.s32 @p0 $0x1  }
0x13: {  	[smem:$0x3FA6] =	sst s0;
	s0 =	simm.s32 @!p1 $0x0  }
0x14: {  	s2 =	sld [smem:$0x3F8A];
	s0 =	simm.s32 @p1 $0x1  }
0x15: {  	[smem:$0x3FA7] =	sst s0;
	s0 =	simm.s32 @!p2 $0x0  }
0x16: {  	s3 =	sld [smem:$0x3FDB];
	s0 =	simm.s32 @p2 $0x1  }
0x17: {  	s4 =	simm.s32 $0x1BF5;
	[smem:$0x3FA9] =	sst s0  }
0x18: {  	s0 =	sld [smem:$0x3F8C];
	_ =	swait.ge [sflag:s4], $0x0  }
0x19: {  	s7 =	sld [smem:$0x3F8D]  }
0x1a: {  	s8 =	sadd.s32 $0xFFFFE003, lr  }
0x1b: {  	s9 =	sadd.s32 $0xFFFFFEF7, lr;
	s5 =	simm.s32 $0xFFFFFFFF;
	p2 =	slt.u32 s8, $0xFFFFF086  }
0x1c: {  	p1 =	slt.u32 s9, $0xF7A;
	s5 =	simm.s32 @!p2 $0x0  }
0x1d: {  	s5 =	simm.s32 @p1 $0x1;
	p0 =	seq.s32 s7, s2  }
0x1e: {  	s7 =	smul.u32 @!p0 $0xF7A, s2;
	p2 =	seq.s32 @!p0 s5, $0x0  }
0x1f: {  	s9 =	smul.u32 $0xF7A, s1;
	s8 =	simm.s32 @!p0 $0x1BF5;
	p2 =	por !p2, p0  }
0x20: {  	[sflag:s8] =	ssyncset.s32 @!p0 $0xFFFFF086;
	s6 =	sadd.s32 @!p0 s3, s7;
	s7 =	simm.s32 @!p0 $0x108  }
0x21: {  	s3 =	sadd.s32 s3, s9;
	s6 =	sadd.s32 @!p0 $0x88, s6;
	s7 =	simm.s32 @p2 $0x1082  }
0x22: {  	[simem:s7], [sflag:s8] =	dma.local @!p0 [hbm:s6], $0xF7A  }
0x23: {  	s9 =	sor.u32 $0xD0000000, s2;
	s6 =	simm.s32 $0x108;
	_ =	swait.ge @!p0 [sflag:s8], $0x0  }
0x24: {  	s3 =	sadd.s32 $0x88, s3;
	s6 =	simm.s32 @!p1 $0x1082;
	[sflag:s4] =	ssyncset.s32 $0xFFFFF086  }
0x25: {  	[simem:s6], [sflag:s4] =	dma.local [hbm:s3], $0xF7A  }
0x26: {  	[smem:$0x3F8D] =	sst s1;
	(tag) =	ssettag s2;
	_ =	strace s9  }
0x27: {  	s1 =	sld [smem:$0x3F9D]  }
0x28: {  	s2 =	sld [smem:$0x3F9E]  }
0x29: {  	s4 =	sld [smem:$0x3FA0]  }
0x2a: {  	p0 =	seq.s32 s5, $0x0;
	s5 =	sld [smem:$0x3FA1]  }
0x2b: {  	s6 =	sld [smem:$0x3FA2]  }
0x2c: {  	s7 =	sld [smem:$0x3FA3]  }
0x2d: {  	s3 =	simm.s32 $0x108;
	s8 =	sld [smem:$0x3FA4]  }
0x2e: {  	s3 =	simm.s32 @!p0 $0x1082;
	s9 =	sld [smem:$0x3FA5]  }
0x2f: {  	lr =	sadd.s32 s0, s3;
	s0 =	sld [smem:$0x3F9C]  }
0x30: {  	s3 =	sld [smem:$0x3F9F]  }
0x31: {  	[smem:$0x3FA8] =	sst s10  }
0x32: {  	s10 =	sld [smem:$0x3FA6];
	_ =	sdelay $0x3  }
0x33: {  	p0 =	seq.s32 s10, $0x1;
	s10 =	sld [smem:$0x3FA8];
	_ =	sdelay $0x3  }
0x34: {  	[smem:$0x3FA8] =	sst s10  }
0x35: {  	s10 =	sld [smem:$0x3FA7];
	_ =	sdelay $0x3  }
0x36: {  	p1 =	seq.s32 s10, $0x1;
	s10 =	sld [smem:$0x3FA8];
	_ =	sdelay $0x3  }
0x37: {  	[smem:$0x3FA8] =	sst s10  }
0x38: {  	s10 =	sld [smem:$0x3FA9]  }
0x39: {  	_ = 	snop;
	(pc) =	sbr.ind lr, $3  }
0x3a: {  	_ = 	snop  }
0x3b: {  	_ = 	snop  }
0x3c: {  	p2 =	seq.s32 s10, $0x1;
	s10 =	sld [smem:$0x3FA8]  }
0x3d: {  	_ =	shalt  }
0x3e: {  	_ =	shalt  }
0x3f: {  	_ =	shalt  }
0x40: {  	_ =	shalt  }
0x41: {  	_ =	shalt  }
0x42: {  	_ =	shalt  }
0x43: {  	_ =	shalt  }
0x44: {  	_ =	shalt  }
0x45: {  	_ =	shalt  }
0x46: {  	_ =	shalt  }
0x47: {  	_ =	shalt  }
0x48: {  	_ =	shalt  }
0x49: {  	_ =	shalt  }
0x4a: {  	_ =	shalt  }
0x4b: {  	_ =	shalt  }
0x4c: {  	_ =	shalt  }
0x4d: {  	_ =	shalt  }
0x4e: {  	_ =	shalt  }
0x4f: {  	_ =	shalt  }
0x50: {  	_ =	shalt  }
0x51: {  	_ =	shalt  }
0x52: {  	_ =	shalt  }
0x53: {  	_ =	shalt  }
0x54: {  	_ =	shalt  }
0x55: {  	_ =	shalt  }
0x56: {  	_ =	shalt  }
0x57: {  	_ =	shalt  }
0x58: {  	_ =	shalt  }
0x59: {  	_ =	shalt  }
0x5a: {  	_ =	shalt  }
0x5b: {  	_ =	shalt  }
0x5c: {  	_ =	shalt  }
0x5d: {  	_ =	shalt  }
0x5e: {  	_ =	shalt  }
0x5f: {  	_ =	shalt  }
0x60: {  	_ =	shalt  }
0x61: {  	_ =	shalt  }
0x62: {  	_ =	shalt  }
0x63: {  	_ =	shalt  }
0x64: {  	_ =	shalt  }
0x65: {  	_ =	shalt  }
0x66: {  	_ =	shalt  }
0x67: {  	_ =	shalt  }
0x68: {  	_ =	shalt  }
0x69: {  	_ =	shalt  }
0x6a: {  	_ =	shalt  }
0x6b: {  	_ =	shalt  }
0x6c: {  	_ =	shalt  }
0x6d: {  	_ =	shalt  }
0x6e: {  	_ =	shalt  }
0x6f: {  	_ =	shalt  }
0x70: {  	_ =	shalt  }
0x71: {  	_ =	shalt  }
0x72: {  	_ =	shalt  }
0x73: {  	_ =	shalt  }
0x74: {  	_ =	shalt  }
0x75: {  	_ =	shalt  }
0x76: {  	_ =	shalt  }
0x77: {  	_ =	shalt  }
0x78: {  	_ =	shalt  }
0x79: {  	_ =	shalt  }
0x7a: {  	_ =	shalt  }
0x7b: {  	_ =	shalt  }
0x7c: {  	_ =	shalt  }
0x7d: {  	_ =	shalt  }
0x7e: {  	_ =	shalt  }
0x7f: {  	_ =	shalt  }
0x80: {  	_ =	shalt  }
0x81: {  	_ =	shalt  }
0x82: {  	_ =	shalt  }
0x83: {  	_ =	shalt  }
0x84: {  	_ =	shalt  }
0x85: {  	_ =	shalt  }
0x86: {  	_ =	shalt  }
0x87: {  	_ =	shalt  }
.Lfunc_end0:
.L_simem_size_0:
called_computation.2_lowered:
.L_overlay_start_0:
0x88: {  	s2 =	sld [smem:$0x3FD9]  }
0x89: {  	s3 =	sld [smem:$0x3FFE];
	_ =	sdelay $0x1  }
0x8a: {  	s1 =	srdreg.scid  }
0x8b: {  	s0 =	sand.u32 $0x1, s1  }
0x8c: {  	s14 =	sshll.u32 s0, $0xA;
	s2 =	sadd.s32 s3, s2  }
0x8d: {  	s2 =	sadd.s32 s2, s14  }
0x8e: {  	[smem:$0x3FB4] =	sst s2  }
0x8f: {  	_ = 	snop  }
0x90: {  	s2 =	sld [smem:$0x3FD0];
	_ =	sdelay $0x2  }
0x91: {  	s15 =	simm.s32 $0xA;
	s4 =	simm.s32 $0x10  }
0x92: {  	[smem:s4], [sflag:s15] =	dma.local [hbm:s2], $0x1  }
0x93: {  	_ =	swait.eq [sflag:s15], $0x1  }
0x94: {  	[sflag:s15] =	ssyncset.done $0x0  }
0x95: {  	s16 =	sld [smem:$0x10];
	[sflag:s15] =	ssyncadd.s32 $0xFFFFFFFF  }
0x96: {  	s17 =	sld [smem:$0x11];
	(tm) =	ssettm $0x1  }
0x97: {  	s18 =	sld [smem:$0x3FFB];
	_ =	sdelay $0x3  }
0x98: {  	_ =	strace s18  }
0x99: {  	s4 =	sld [smem:$0x3FFC];
	_ =	sdelay $0x3  }
0x9a: {  	_ =	strace s4  }
0x9b: {  	s4 =	sld [smem:$0x3FFD];
	_ =	sdelay $0x3  }
0x9c: {  	_ =	strace s4  }
0x9d: {  	_ =	strace $0x8FFFFFFF  }
0x9e: {  	s19 =	sld [smem:$0x3FDB];
	_ =	sdelay $0x1  }
0x9f: {  	s5 =	simm.s32 $_scs_section_size  }
0xa0: {  	s6 =	simm.s32 $_size__tile_overlayer_lowered;
	s7 =	simm.s32 $_tile_overlayer_lowered  }
0xa1: {  	s22 =	simm.s32 $0x1BFF;
	s21 =	sshll.u32 s7, $0x1;
	s4 =	sadd.s32 s5, s19  }
0xa2: {  	s8 =	simm.s32 $0x0;
	s20 =	sshll.u32 s6, $0x1;
	s6 =	sadd.s32 s21, s4  }
0xa3: {  	[timem:s8], [sflag:s22] =	dma.local [hbm:s6], s20  }
0xa4: {  	_ =	swait.ge [sflag:s22], s20  }
0xa5: {  	s5 =	ssub.s32 $0x0, s20;
	[sflag:s22] =	ssyncset.done $0x0  }
0xa6: {  	[sflag:s22] =	ssyncadd.s32 s5;
	_ =	sdelay $0x1  }
0xa7: {  	s23 =	simm.s32 $0x1B8B  }
0xa8: {  	_ =	swait.ge [sflag:s23], $0x1  }
0xa9: {  	[sflag:s23] =	ssyncset.done $0x0  }
0xaa: {  	s25 =	simm.s32 $0x1B8E;
	s24 =	sld [smem:$0x3FFE];
	[sflag:s23] =	ssyncadd.s32 $0xFFFFFFFF  }
0xab: {  	s26 =	simm.s32 $execute0_lowered;
	[smem:$0x3FD2] =	sst s25  }
0xac: {  	s6 =	sshll.u32 s26, $0x1;
	_ =	strace $0x8000004C;
	[dreg:$0x1] =	wrdreg $0xFFFFFFFF  }
0xad: {  	s28 =	simm.s32 $_size_execute0_lowered;
	s4 =	sadd.s32 s4, s6;
	[dreg:$0x0] =	wrdreg $0x0  }
0xae: {  	s6 =	sshll.u32 s28, $0x1;
	[dreg:$0x2] =	wrdreg s4  }
0xaf: {  	[dreg:$0x3] =	wrdreg s6  }
0xb0: {  	[dreg:$0x4] =	wrdreg $0xC0  }
0xb1: {  	_ =	task [dreg:s8], $0x5FFFF  }
0xb2: {  	[dreg:$0x1] =	wrdreg $0xFFFFFFFF  }
0xb3: {  	[dreg:$0x0] =	wrdreg $0x60  }
0xb4: {  	[dreg:$0x2] =	wrdreg s24  }
0xb5: {  	[dreg:$0x3] =	wrdreg s16  }
0xb6: {  	[dreg:$0x4] =	wrdreg s17  }
0xb7: {  	[dreg:$0x5] =	wrdreg $0xA9000  }
0xb8: {  	[dreg:$0x6] =	wrdreg $0x9  }
0xb9: {  	_ =	task.clear_ibuf [dreg:s8], $0x7FFFF;
	_ =	strace $0x9000004C  }
0xba: {  	s29 =	simm.s32 $0x9;
	_ =	strace $0x8000004E  }
0xbb: {  	_ =	swait.ge [sflag:s29], $0x1  }
0xbc: {  	[sflag:s29] =	ssyncadd.s32 $0xFFFFFFFF  }
0xbd: {  	_ =	strace $0x9000004E  }
0xbe: {  	_ =	sfence  }
0xbf: {  	s30 =	sld [smem:$0x0];
	_ =	sdelay $0x2  }
0xc0: {  	s31 =	sshll.u32 s1, $0xD;
	s1 =	sshrl.u32 s1, $0x2  }
0xc1: {  	s3 =	sand.u32 $0x4000, s31;
	s1 =	sadd.s32 s1, s30  }
0xc2: {  	s0 =	sor.u32 s3, s0;
	s1 =	sshll.u32 s1, $0x11  }
0xc3: {  	s0 =	sor.u32 s1, s0  }
0xc4: {  	s0 =	sadd.s32 $0x8F2B, s0  }
0xc5: {  	[sflag:s0] =	ssyncadd.remote.s32 $0x1  }
0xc6: {  	_ =	sfence.sel $0xFFFF  }
0xc7: {  	[dreg:$0x0] =	wrdreg $0xFFFFFFFF;
	(pc) =	sbr.abs _section_cstart, $3  }
0xc8: {  	[dreg:$0x1] =	wrdreg $0xFFFFFFFF  }
0xc9: {  	_ =	task.clear_ibuf [dreg:s8], $0x2FFFF;
	_ =	strace $0x9FFFFFFF  }
0xca: {  	(tm) =	ssettm $0x7FFFFFFF  }
0xcb: {  	_ =	shalt  }
tec
execute0_lowered:
.L_overlay_start_1:
0x0: {  	(tag) =	ssettag $0x1  }
0x1: {  	s6 =	rddreg [dreg:$0x0]  }
0x2: {  	s7 =	rddreg [dreg:$0x1]  }
0x3: {  	s2 =	rddreg [dreg:$0x2];
	s0 =	srdreg.scid  }
0x4: {  	s3 =	rddreg [dreg:$0x3];
	s1 =	stileid.u32  }
0x5: {  	s4 =	simm.s32 $0x0;
	s15 =	simm.s32 $0x2900;
	s16 =	simm.s32 $0x2800  }
0x6: {  	s17 =	simm.s32 $0x80;
	s18 =	simm.s32 $0x6900;
	s19 =	simm.s32 $0x2880  }
0x7: {  	s20 =	simm.s32 $0x1;
	s21 =	simm.s32 $0x2;
	s22 =	simm.s32 $0x0  }
0x8: {  	s8 =	sand.u32 $0x1, s0;
	s0 =	rddreg [dreg:$0x4];
	s10 =	smul.u32 $0x13C00, s1  }
0x9: {  	[smem:$0x7FF] =	sst s4;
	s5 =	sadd.s32 $0x4600, s6;
	s13 =	smul.u32 $0x4F000, s1  }
0xa: {  	s11 =	sadd.s32 $0x2C600, s6;
	s29 =	smul.u32 $0x2780, s1;
	s31 =	sshll.u32 s1, $0x6  }
0xb: {  	s9 =	smul.u32 $0x140000, s8;
	_ =	strace $0x8000004D;
	s12 =	ssub.s32 $0x2, s8  }
0xc: {  	s25 =	sshll.u32 s8, $0x4;
	p0 =	seq.s32 s8, $0x0;
	s14 =	sshrl.u32 s12, $0x1  }
0xd: {  	s28 =	sshrl.u32 s13, $0x2;
	s11 =	smov.u32 @p0 s5;
	s9 =	sadd.s32 s10, s9  }
0xe: {  	s10 =	sor.u32 s1, s25;
	s26 =	ssub.s32 s12, s14;
	s9 =	sshrl.u32 s9, $0x3  }
0xf: {  	s13 =	sadd.s32 s28, s3;
	s9 =	sadd.s32 s9, s6;
	s6 =	smul.u32 $0x2800, s10  }
0x10: {  	s11 =	sadd.s32 s11, s29;
	s12 =	sor.u32 $0x1C03, s31;
	s14 =	simm.s32 $0x3  }
0x11: {  	s13 =	sshrl.u32 s13, $0x3;
	s10 =	smax.u32 s26, $0x1;
	s30 =	sshrl.u32 s6, $0x3  }
0x12: {  	s9 =	sadd.s32 $0x53E00, s9;
	s7 =	sadd.s32 s7, s30;
	s8 =	sadd.s32 s2, s30  }
.LBB2_1:
0x13: {  	[spmem:s13], [sflag:s12] =	dma.local [hbm:s11], $0x2780  }
0x14: {  	_ =	swait.ge [sflag:s14], $0x2780  }
0x15: {  	[sflag:s14] =	ssyncset.done $0x0  }
0x16: {  	[sflag:s14] =	ssyncadd.s32 $0xFFFFD880  }
0x17: {  	[tilespmem:s4], [sflag:$0x3] =	stream.linear.gather [hbm4b:s7+s4], $0x2780, $0x38;
	[tilespmem:$0x1E500] =	vst v63  }
0x18: {  	_ =	swait.ge [sflag:s14], $0x2780  }
0x19: {  	s23 =	simm.s32 $0x0;
	[sflag:s14] =	ssyncset.done $0x0  }
0x1a: {  	s24 =	simm.s32 $0x80;
	s23 =	sand.u32 $0x3C00, s23;
	[sflag:s14] =	ssyncadd.s32 $0xFFFFD880  }
0x1b: {  	s24 =	sand.u32 $0x380, s24;
	s23 =	sadd.s32 s6, s23;
	[bflag:$0x0] =	sbarrier.arrive $0xFFFF  }
0x1c: {  	[tilespmem:s15], [sflag:$0x1] =	stream.indirect.gather [hbm4b:s5+s17], $0x80, s4, s17, $0xb8;
	[tilespmem:$0x1E500] =	vst v63  }
0x1d: {  	s23 =	sor.u32 s23, s24  }
0x1e: {  	[tilespmem:s16], [sflag:$0x1] =	stream.linear.gather [hbm4b:s8+s4], $0x80, $0x38;
	[tilespmem:$0x1E500] =	vst v63  }
0x1f: {  	s23 =	sshrl.u32 s23, $0x3  }
0x20: {  	[tilespmem:s18], [sflag:$0x2] =	stream.indirect.gather [hbm4b:s5+s17], $0x80, s17, s17, $0xb8;
	[tilespmem:$0x1E500] =	vst v63  }
0x21: {  	s23 =	sadd.s32 s2, s23  }
0x22: {  	[tilespmem:s19], [sflag:$0x2] =	stream.linear.gather [hbm4b:s23+s4], $0x80, $0x38;
	[tilespmem:$0x1E500] =	vst v63  }
0x23: {  	_ =	swait.ge [sflag:s20], $0x4000  }
0x24: {  	[sflag:s20] =	ssyncset.done $0x0  }
0x25: {  	[sflag:s20] =	ssyncadd.s32 $0xFFFFC000  }
0x26: {  	_ =	swait.ge [sflag:s20], $0x80  }
0x27: {  	s26 =	simm.s32 $0x100;
	[sflag:s20] =	ssyncset.done $0x0  }
0x28: {  	s30 =	sand.u32 $0x7C00, s26;
	[sflag:s20] =	ssyncadd.s32 $0xFFFFFF80  }
0x29: {  	[spmem:s3] =	stream.indirect.scatter.add.f32 [tilespmem:s15], [sflag:$0x3], $0x80, s16, s17, $0xb8;
	[tilespmem:$0x1E500] =	vst v63  }
0x2a: {  	s24 =	sadd.s32 s6, s30;
	s23 =	sand.u32 $0x300, s26;
	_ =	swait.ge [sflag:s14], $0x4000  }
0x2b: {  	s23 =	sor.u32 s23, s24;
	[sflag:s14] =	ssyncset.done $0x0  }
0x2c: {  	s25 =	simm.s32 $0x100;
	s23 =	sshrl.u32 s23, $0x3;
	[sflag:s14] =	ssyncadd.s32 $0xFFFFC000  }
0x2d: {  	[tilespmem:s15], [sflag:$0x1] =	stream.indirect.gather [hbm4b:s5+s17], $0x80, s25, s17, $0xb8;
	[tilespmem:$0x1E500] =	vst v63  }
0x2e: {  	s23 =	sadd.s32 s2, s23  }
0x2f: {  	[tilespmem:s16], [sflag:$0x1] =	stream.linear.gather [hbm4b:s23+s4], $0x80, $0x38;
	[tilespmem:$0x1E500] =	vst v63  }
0x30: {  	_ =	swait.ge [sflag:s21], $0x4000  }
0x31: {  	s31 =	simm.s32 $0x100;
	s29 =	simm.s32 $0x180;
	[sflag:s21] =	ssyncset.done $0x0  }
0x32: {  	s28 =	sand.u32 $0x3C00, s31;
	s26 =	simm.s32 $0x300;
	[sflag:s21] =	ssyncadd.s32 $0xFFFFC000  }
0x33: {  	s24 =	simm.s32 $0x200;
	s23 =	simm.s32 $0x180;
	_ =	swait.ge [sflag:s21], $0x80  }
.LBB2_2:
0x34: {  	s28 =	sadd.s32 s6, s28  }
0x35: {  	s29 =	sand.u32 $0x380, s29;
	[sflag:s21] =	ssyncset.done $0x0;
	s30 =	smov.u32 s26  }
0x36: {  	s25 =	sadd.s32 $0x100, s26;
	s28 =	sor.u32 s28, s29;
	[sflag:s21] =	ssyncadd.s32 $0xFFFFFF80  }
0x37: {  	[spmem:s3] =	stream.indirect.scatter.add.f32 [tilespmem:s18], [sflag:$0x3], $0x80, s19, s17, $0xb8;
	[tilespmem:$0x1E500] =	vst v63  }
0x38: {  	p0 =	sne.s32 s26, $0x2700;
	s26 =	sshrl.u32 s28, $0x3;
	_ =	swait.ge [sflag:s14], $0x4000  }
0x39: {  	[sflag:s14] =	ssyncset.done $0x0  }
0x3a: {  	[sflag:s14] =	ssyncadd.s32 $0xFFFFC000  }
0x3b: {  	[tilespmem:s18], [sflag:$0x2] =	stream.indirect.gather [hbm4b:s5+s17], $0x80, s23, s17, $0xb8;
	[tilespmem:$0x1E500] =	vst v63  }
0x3c: {  	s26 =	sadd.s32 s2, s26  }
0x3d: {  	[tilespmem:s19], [sflag:$0x2] =	stream.linear.gather [hbm4b:s26+s4], $0x80, $0x38;
	[tilespmem:$0x1E500] =	vst v63  }
0x3e: {  	_ =	swait.ge [sflag:s20], $0x4000  }
0x3f: {  	[sflag:s20] =	ssyncset.done $0x0  }
0x40: {  	[sflag:s20] =	ssyncadd.s32 $0xFFFFC000  }
0x41: {  	_ =	swait.ge [sflag:s20], $0x80  }
0x42: {  	[sflag:s20] =	ssyncset.done $0x0  }
0x43: {  	[sflag:s20] =	ssyncadd.s32 $0xFFFFFF80  }
0x44: {  	[spmem:s3] =	stream.indirect.scatter.add.f32 [tilespmem:s15], [sflag:$0x3], $0x80, s16, s17, $0xb8;
	[tilespmem:$0x1E500] =	vst v63  }
0x45: {  	s26 =	sand.u32 $0x7C00, s24;
	_ =	swait.ge [sflag:s14], $0x4000  }
0x46: {  	s24 =	sand.u32 $0x300, s24;
	s26 =	sadd.s32 s6, s26;
	[sflag:s14] =	ssyncset.done $0x0  }
0x47: {  	s28 =	sadd.s32 $0x80, s23;
	s24 =	sor.u32 s24, s26;
	[sflag:s14] =	ssyncadd.s32 $0xFFFFC000  }
0x48: {  	[tilespmem:s15], [sflag:$0x1] =	stream.indirect.gather [hbm4b:s5+s17], $0x80, s28, s17, $0xb8;
	[tilespmem:$0x1E500] =	vst v63  }
0x49: {  	s26 =	sshrl.u32 s24, $0x3;
	s24 =	smov.u32 s30  }
0x4a: {  	s26 =	sadd.s32 s2, s26  }
0x4b: {  	[tilespmem:s16], [sflag:$0x1] =	stream.linear.gather [hbm4b:s26+s4], $0x80, $0x38;
	[tilespmem:$0x1E500] =	vst v63  }
.Ltmp0:
0x4c: {  	_ = 	snop;
	(pc) =	sbr.rel @p0 .LBB2_2-.Ltmp0, $4  }
0x4d: {  	_ =	swait.ge [sflag:s21], $0x4000  }
0x4e: {  	s23 =	sadd.s32 $0x100, s23;
	[sflag:s21] =	ssyncset.done $0x0  }
0x4f: {  	s29 =	sadd.s32 $0xFFFFFF80, s24;
	s26 =	sadd.s32 $0xFFFFFF00, s24;
	[sflag:s21] =	ssyncadd.s32 $0xFFFFC000  }
0x50: {  	s28 =	sand.u32 $0x3C00, s26;
	s26 =	smov.u32 s25;
	_ =	swait.ge [sflag:s21], $0x80  }
0x51: {  	[sflag:s21] =	ssyncset.done $0x0  }
0x52: {  	[sflag:s21] =	ssyncadd.s32 $0xFFFFFF80  }
0x53: {  	[spmem:s3] =	stream.indirect.scatter.add.f32 [tilespmem:s18], [sflag:$0x3], $0x80, s19, s17, $0xb8;
	[tilespmem:$0x1E500] =	vst v63  }
0x54: {  	s25 =	sadd.s32 s6, s28;
	s26 =	sand.u32 $0x380, s29;
	_ =	swait.ge [sflag:s14], $0x4000  }
0x55: {  	s25 =	sor.u32 s25, s26;
	[sflag:s14] =	ssyncset.done $0x0  }
0x56: {  	s25 =	sshrl.u32 s25, $0x3;
	[sflag:s14] =	ssyncadd.s32 $0xFFFFC000  }
0x57: {  	[tilespmem:s18], [sflag:$0x2] =	stream.indirect.gather [hbm4b:s5+s17], $0x80, s23, s17, $0xb8;
	[tilespmem:$0x1E500] =	vst v63  }
0x58: {  	s25 =	sadd.s32 s2, s25  }
0x59: {  	[tilespmem:s19], [sflag:$0x2] =	stream.linear.gather [hbm4b:s25+s4], $0x80, $0x38;
	[tilespmem:$0x1E500] =	vst v63  }
0x5a: {  	_ =	swait.ge [sflag:s20], $0x4000  }
0x5b: {  	[sflag:s20] =	ssyncset.done $0x0  }
0x5c: {  	[sflag:s20] =	ssyncadd.s32 $0xFFFFC000  }
0x5d: {  	_ =	swait.ge [sflag:s20], $0x80  }
0x5e: {  	[sflag:s20] =	ssyncset.done $0x0  }
0x5f: {  	s28 =	sand.u32 $0x7C00, s24;
	[sflag:s20] =	ssyncadd.s32 $0xFFFFFF80  }
0x60: {  	[spmem:s3] =	stream.indirect.scatter.add.f32 [tilespmem:s15], [sflag:$0x3], $0x80, s16, s17, $0xb8;
	[tilespmem:$0x1E500] =	vst v63  }
0x61: {  	s29 =	sand.u32 $0x300, s24;
	s25 =	sadd.s32 s6, s28;
	_ =	swait.ge [sflag:s14], $0x4000  }
0x62: {  	s24 =	sor.u32 s29, s25;
	[sflag:s14] =	ssyncset.done $0x0  }
0x63: {  	s30 =	sadd.s32 $0x80, s23;
	s31 =	sshrl.u32 s24, $0x3;
	[sflag:s14] =	ssyncadd.s32 $0xFFFFC000  }
0x64: {  	[tilespmem:s15], [sflag:$0x1] =	stream.indirect.gather [hbm4b:s5+s17], $0x80, s30, s17, $0xb8;
	[tilespmem:$0x1E500] =	vst v63  }
0x65: {  	s23 =	sadd.s32 s2, s31  }
0x66: {  	[tilespmem:s16], [sflag:$0x1] =	stream.linear.gather [hbm4b:s23+s4], $0x80, $0x38;
	[tilespmem:$0x1E500] =	vst v63  }
0x67: {  	_ =	swait.ge [sflag:s21], $0x4000  }
0x68: {  	[sflag:s21] =	ssyncset.done $0x0  }
0x69: {  	[sflag:s21] =	ssyncadd.s32 $0xFFFFC000  }
0x6a: {  	_ =	swait.ge [sflag:s21], $0x80  }
0x6b: {  	[sflag:s21] =	ssyncset.done $0x0  }
0x6c: {  	[sflag:s21] =	ssyncadd.s32 $0xFFFFFF80  }
0x6d: {  	[spmem:s3] =	stream.indirect.scatter.add.f32 [tilespmem:s18], [sflag:$0x3], $0x80, s19, s17, $0xb8;
	[tilespmem:$0x1E500] =	vst v63  }
0x6e: {  	_ =	swait.ge [sflag:s14], $0x4000  }
0x6f: {  	[sflag:s14] =	ssyncset.done $0x0  }
0x70: {  	[sflag:s14] =	ssyncadd.s32 $0xFFFFC000  }
0x71: {  	_ =	swait.ge [sflag:s20], $0x4000  }
0x72: {  	[sflag:s20] =	ssyncset.done $0x0  }
0x73: {  	[sflag:s20] =	ssyncadd.s32 $0xFFFFC000  }
0x74: {  	_ =	swait.ge [sflag:s20], $0x80  }
0x75: {  	[sflag:s20] =	ssyncset.done $0x0  }
0x76: {  	[sflag:s20] =	ssyncadd.s32 $0xFFFFFF80  }
0x77: {  	[spmem:s3] =	stream.indirect.scatter.add.f32 [tilespmem:s15], [sflag:$0x3], $0x80, s16, s17, $0xb8;
	[tilespmem:$0x1E500] =	vst v63  }
0x78: {  	_ =	swait.ge [sflag:s14], $0x4000  }
0x79: {  	s22 =	sadd.s32 $0x1, s22;
	[sflag:s14] =	ssyncset.done $0x0  }
0x7a: {  	p0 =	sne.s32 s22, s10;
	[sflag:s14] =	ssyncadd.s32 $0xFFFFC000  }
.Ltmp1:
0x7b: {  	[bflag:$0x0] =	sbarrier.arrive $0xFFFF;
	(pc) =	sbr.rel @p0 .LBB2_1-.Ltmp1, $4  }
0x7c: {  	[hbm:s9], [sflag:s12] =	dma.local [spmem:s13], $0x2780  }
0x7d: {  	_ =	swait.ge [sflag:s14], $0x2780  }
0x7e: {  	[sflag:s14] =	ssyncset.done $0x0  }
0x7f: {  	[sflag:s14] =	ssyncadd.s32 $0xFFFFD880  }
0x80: {  	_ =	sfence.sel $0x180000  }
0x81: {  	[bflag:$0x0] =	sbarrier.arrive $0xFFFF  }
0x82: {  	p0 =	sne.s32 s1, $0x0;
	_ =	strace $0x9000004D  }
0x83: {  	s0 =	sadd.s32 @!p0 $0x100000, s0;
	[bflag:$0x2] =	sbarrier.arrive $0xFFFF  }
0x84: {  	[sflag:s0] =	ssyncadd.tile.s32 @!p0 $0x1;
	_ =	shalt  }
.Lfunc_end2:
_tile_overlayer_lowered:
.L_overlay_start_2:
0x85: {  	(tag) =	ssettag $0x2  }
0x86: {  	s0 =	rddreg [dreg:$0x0];
	s2 =	stileid.u32  }
0x87: {  	s1 =	rddreg [dreg:$0x1];
	p0 =	sne.s32 s2, $0x0  }
0x88: {  	s3 =	rddreg [dreg:$0x2];
	[bflag:$0x3] =	sbarrier.arrive $0xFFFF;
	s2 =	simm.s32 @!p0 $0x1C03  }
0x89: {  	[timem:s3], [sflag:s2] =	dma.local @!p0 [hbm:s0], s1  }
0x8a: {  	s0 =	simm.s32 @!p0 $0x3  }
0x8b: {  	_ =	swait.ge @!p0 [sflag:s0], s1  }
0x8c: {  	s1 =	ssub.s32 @!p0 $0x0, s1;
	[sflag:s0] =	ssyncset.done @!p0 $0x0  }
0x8d: {  	[sflag:s0] =	ssyncadd.s32 @!p0 s1  }
0x8e: {  	[bflag:$0x3] =	sbarrier.arrive $0xFFFF  }
0x8f: {  	_ =	shalt  }

// kernel: kernel.19.cloned.1.call-start
scs
__scs_entry_jumppad:
0x0: {  	(pc) =	sbr.rel $0x88, $3  }
0x1: {  	(tag) =	ssettag $0x0;
	lr =	simm.s32 $0x1  }
0x2: {  	[smem:$0x3F8D] =	sst lr;
	_ =	strace $0xD0000000  }
0x3: {  	_ = 	snop  }
0x4: {  	_ = 	snop  }
0x5: {  	_ = 	snop  }
0x6: {  	_ = 	snop  }
0x7: {  	_ = 	snop  }
__scs_overlays_trampoline_lowered:
0x8: {  	[smem:$0x3F9C] =	sst s0  }
0x9: {  	[smem:$0x3F9D] =	sst s1  }
0xa: {  	[smem:$0x3F9E] =	sst s2  }
0xb: {  	[smem:$0x3F9F] =	sst s3  }
0xc: {  	[smem:$0x3FA0] =	sst s4  }
0xd: {  	[smem:$0x3FA1] =	sst s5  }
0xe: {  	[smem:$0x3FA2] =	sst s6  }
0xf: {  	[smem:$0x3FA3] =	sst s7  }
0x10: {  	[smem:$0x3FA4] =	sst s8  }
0x11: {  	[smem:$0x3FA5] =	sst s9;
	s0 =	simm.s32 @!p0 $0x0  }
0x12: {  	s1 =	sld [smem:$0x3F8B];
	s0 =	simm.s32 @p0 $0x1  }
0x13: {  	[smem:$0x3FA6] =	sst s0;
	s0 =	simm.s32 @!p1 $0x0  }
0x14: {  	s2 =	sld [smem:$0x3F8A];
	s0 =	simm.s32 @p1 $0x1  }
0x15: {  	[smem:$0x3FA7] =	sst s0;
	s0 =	simm.s32 @!p2 $0x0  }
0x16: {  	s3 =	sld [smem:$0x3FDB];
	s0 =	simm.s32 @p2 $0x1  }
0x17: {  	s4 =	simm.s32 $0x1BF5;
	[smem:$0x3FA9] =	sst s0  }
0x18: {  	s0 =	sld [smem:$0x3F8C];
	_ =	swait.ge [sflag:s4], $0x0  }
0x19: {  	s7 =	sld [smem:$0x3F8D]  }
0x1a: {  	s8 =	sadd.s32 $0xFFFFE003, lr  }
0x1b: {  	s9 =	sadd.s32 $0xFFFFFEF7, lr;
	s5 =	simm.s32 $0xFFFFFFFF;
	p2 =	slt.u32 s8, $0xFFFFF086  }
0x1c: {  	p1 =	slt.u32 s9, $0xF7A;
	s5 =	simm.s32 @!p2 $0x0  }
0x1d: {  	s5 =	simm.s32 @p1 $0x1;
	p0 =	seq.s32 s7, s2  }
0x1e: {  	s7 =	smul.u32 @!p0 $0xF7A, s2;
	p2 =	seq.s32 @!p0 s5, $0x0  }
0x1f: {  	s9 =	smul.u32 $0xF7A, s1;
	s8 =	simm.s32 @!p0 $0x1BF5;
	p2 =	por !p2, p0  }
0x20: {  	[sflag:s8] =	ssyncset.s32 @!p0 $0xFFFFF086;
	s6 =	sadd.s32 @!p0 s3, s7;
	s7 =	simm.s32 @!p0 $0x108  }
0x21: {  	s3 =	sadd.s32 s3, s9;
	s6 =	sadd.s32 @!p0 $0x88, s6;
	s7 =	simm.s32 @p2 $0x1082  }
0x22: {  	[simem:s7], [sflag:s8] =	dma.local @!p0 [hbm:s6], $0xF7A  }
0x23: {  	s9 =	sor.u32 $0xD0000000, s2;
	s6 =	simm.s32 $0x108;
	_ =	swait.ge @!p0 [sflag:s8], $0x0  }
0x24: {  	s3 =	sadd.s32 $0x88, s3;
	s6 =	simm.s32 @!p1 $0x1082;
	[sflag:s4] =	ssyncset.s32 $0xFFFFF086  }
0x25: {  	[simem:s6], [sflag:s4] =	dma.local [hbm:s3], $0xF7A  }
0x26: {  	[smem:$0x3F8D] =	sst s1;
	(tag) =	ssettag s2;
	_ =	strace s9  }
0x27: {  	s1 =	sld [smem:$0x3F9D]  }
0x28: {  	s2 =	sld [smem:$0x3F9E]  }
0x29: {  	s4 =	sld [smem:$0x3FA0]  }
0x2a: {  	p0 =	seq.s32 s5, $0x0;
	s5 =	sld [smem:$0x3FA1]  }
0x2b: {  	s6 =	sld [smem:$0x3FA2]  }
0x2c: {  	s7 =	sld [smem:$0x3FA3]  }
0x2d: {  	s3 =	simm.s32 $0x108;
	s8 =	sld [smem:$0x3FA4]  }
0x2e: {  	s3 =	simm.s32 @!p0 $0x1082;
	s9 =	sld [smem:$0x3FA5]  }
0x2f: {  	lr =	sadd.s32 s0, s3;
	s0 =	sld [smem:$0x3F9C]  }
0x30: {  	s3 =	sld [smem:$0x3F9F]  }
0x31: {  	[smem:$0x3FA8] =	sst s10  }
0x32: {  	s10 =	sld [smem:$0x3FA6];
	_ =	sdelay $0x3  }
0x33: {  	p0 =	seq.s32 s10, $0x1;
	s10 =	sld [smem:$0x3FA8];
	_ =	sdelay $0x3  }
0x34: {  	[smem:$0x3FA8] =	sst s10  }
0x35: {  	s10 =	sld [smem:$0x3FA7];
	_ =	sdelay $0x3  }
0x36: {  	p1 =	seq.s32 s10, $0x1;
	s10 =	sld [smem:$0x3FA8];
	_ =	sdelay $0x3  }
0x37: {  	[smem:$0x3FA8] =	sst s10  }
0x38: {  	s10 =	sld [smem:$0x3FA9]  }
0x39: {  	_ = 	snop;
	(pc) =	sbr.ind lr, $3  }
0x3a: {  	_ = 	snop  }
0x3b: {  	_ = 	snop  }
0x3c: {  	p2 =	seq.s32 s10, $0x1;
	s10 =	sld [smem:$0x3FA8]  }
0x3d: {  	_ =	shalt  }
0x3e: {  	_ =	shalt  }
0x3f: {  	_ =	shalt  }
0x40: {  	_ =	shalt  }
0x41: {  	_ =	shalt  }
0x42: {  	_ =	shalt  }
0x43: {  	_ =	shalt  }
0x44: {  	_ =	shalt  }
0x45: {  	_ =	shalt  }
0x46: {  	_ =	shalt  }
0x47: {  	_ =	shalt  }
0x48: {  	_ =	shalt  }
0x49: {  	_ =	shalt  }
0x4a: {  	_ =	shalt  }
0x4b: {  	_ =	shalt  }
0x4c: {  	_ =	shalt  }
0x4d: {  	_ =	shalt  }
0x4e: {  	_ =	shalt  }
0x4f: {  	_ =	shalt  }
0x50: {  	_ =	shalt  }
0x51: {  	_ =	shalt  }
0x52: {  	_ =	shalt  }
0x53: {  	_ =	shalt  }
0x54: {  	_ =	shalt  }
0x55: {  	_ =	shalt  }
0x56: {  	_ =	shalt  }
0x57: {  	_ =	shalt  }
0x58: {  	_ =	shalt  }
0x59: {  	_ =	shalt  }
0x5a: {  	_ =	shalt  }
0x5b: {  	_ =	shalt  }
0x5c: {  	_ =	shalt  }
0x5d: {  	_ =	shalt  }
0x5e: {  	_ =	shalt  }
0x5f: {  	_ =	shalt  }
0x60: {  	_ =	shalt  }
0x61: {  	_ =	shalt  }
0x62: {  	_ =	shalt  }
0x63: {  	_ =	shalt  }
0x64: {  	_ =	shalt  }
0x65: {  	_ =	shalt  }
0x66: {  	_ =	shalt  }
0x67: {  	_ =	shalt  }
0x68: {  	_ =	shalt  }
0x69: {  	_ =	shalt  }
0x6a: {  	_ =	shalt  }
0x6b: {  	_ =	shalt  }
0x6c: {  	_ =	shalt  }
0x6d: {  	_ =	shalt  }
0x6e: {  	_ =	shalt  }
0x6f: {  	_ =	shalt  }
0x70: {  	_ =	shalt  }
0x71: {  	_ =	shalt  }
0x72: {  	_ =	shalt  }
0x73: {  	_ =	shalt  }
0x74: {  	_ =	shalt  }
0x75: {  	_ =	shalt  }
0x76: {  	_ =	shalt  }
0x77: {  	_ =	shalt  }
0x78: {  	_ =	shalt  }
0x79: {  	_ =	shalt  }
0x7a: {  	_ =	shalt  }
0x7b: {  	_ =	shalt  }
0x7c: {  	_ =	shalt  }
0x7d: {  	_ =	shalt  }
0x7e: {  	_ =	shalt  }
0x7f: {  	_ =	shalt  }
0x80: {  	_ =	shalt  }
0x81: {  	_ =	shalt  }
0x82: {  	_ =	shalt  }
0x83: {  	_ =	shalt  }
0x84: {  	_ =	shalt  }
0x85: {  	_ =	shalt  }
0x86: {  	_ =	shalt  }
0x87: {  	_ =	shalt  }
.Lfunc_end0:
.L_simem_size_0:
called_computation.3_lowered:
.L_overlay_start_0:
0x88: {  	s2 =	sld [smem:$0x3FD9]  }
0x89: {  	s3 =	sld [smem:$0x3FFE];
	_ =	sdelay $0x1  }
0x8a: {  	s1 =	srdreg.scid  }
0x8b: {  	s0 =	sand.u32 $0x1, s1  }
0x8c: {  	s14 =	sshll.u32 s0, $0xA;
	s2 =	sadd.s32 s3, s2  }
0x8d: {  	s2 =	sadd.s32 s2, s14  }
0x8e: {  	[smem:$0x3FB4] =	sst s2  }
0x8f: {  	_ = 	snop  }
0x90: {  	s2 =	sld [smem:$0x3FD0];
	_ =	sdelay $0x2  }
0x91: {  	s15 =	simm.s32 $0xA;
	s4 =	simm.s32 $0x10  }
0x92: {  	[smem:s4], [sflag:s15] =	dma.local [hbm:s2], $0x1  }
0x93: {  	_ =	swait.eq [sflag:s15], $0x1  }
0x94: {  	[sflag:s15] =	ssyncset.done $0x0  }
0x95: {  	s16 =	sld [smem:$0x10];
	[sflag:s15] =	ssyncadd.s32 $0xFFFFFFFF  }
0x96: {  	s17 =	sld [smem:$0x11];
	(tm) =	ssettm $0x1  }
0x97: {  	s18 =	sld [smem:$0x3FFB];
	_ =	sdelay $0x3  }
0x98: {  	_ =	strace s18  }
0x99: {  	s4 =	sld [smem:$0x3FFC];
	_ =	sdelay $0x3  }
0x9a: {  	_ =	strace s4  }
0x9b: {  	s4 =	sld [smem:$0x3FFD];
	_ =	sdelay $0x3  }
0x9c: {  	_ =	strace s4  }
0x9d: {  	_ =	strace $0x8FFFFFFF  }
0x9e: {  	s19 =	sld [smem:$0x3FDB];
	_ =	sdelay $0x1  }
0x9f: {  	s5 =	simm.s32 $_scs_section_size  }
0xa0: {  	s6 =	simm.s32 $_size__tile_overlayer_lowered;
	s7 =	simm.s32 $_tile_overlayer_lowered  }
0xa1: {  	s22 =	simm.s32 $0x1BFF;
	s21 =	sshll.u32 s7, $0x1;
	s4 =	sadd.s32 s5, s19  }
0xa2: {  	s8 =	simm.s32 $0x0;
	s20 =	sshll.u32 s6, $0x1;
	s6 =	sadd.s32 s21, s4  }
0xa3: {  	[timem:s8], [sflag:s22] =	dma.local [hbm:s6], s20  }
0xa4: {  	_ =	swait.ge [sflag:s22], s20  }
0xa5: {  	s5 =	ssub.s32 $0x0, s20;
	[sflag:s22] =	ssyncset.done $0x0  }
0xa6: {  	[sflag:s22] =	ssyncadd.s32 s5;
	_ =	sdelay $0x1  }
0xa7: {  	s23 =	simm.s32 $0x1B8B  }
0xa8: {  	_ =	swait.ge [sflag:s23], $0x1  }
0xa9: {  	[sflag:s23] =	ssyncset.done $0x0  }
0xaa: {  	s25 =	simm.s32 $0x1B8E;
	s24 =	sld [smem:$0x3FFE];
	[sflag:s23] =	ssyncadd.s32 $0xFFFFFFFF  }
0xab: {  	s26 =	simm.s32 $execute0_lowered;
	[smem:$0x3FD2] =	sst s25  }
0xac: {  	s6 =	sshll.u32 s26, $0x1;
	_ =	strace $0x8000004F;
	[dreg:$0x1] =	wrdreg $0xFFFFFFFF  }
0xad: {  	s28 =	simm.s32 $_size_execute0_lowered;
	s4 =	sadd.s32 s4, s6;
	[dreg:$0x0] =	wrdreg $0x0  }
0xae: {  	s6 =	sshll.u32 s28, $0x1;
	[dreg:$0x2] =	wrdreg s4  }
0xaf: {  	[dreg:$0x3] =	wrdreg s6  }
0xb0: {  	[dreg:$0x4] =	wrdreg $0xC0  }
0xb1: {  	_ =	task [dreg:s8], $0x5FFFF  }
0xb2: {  	[dreg:$0x1] =	wrdreg $0xFFFFFFFF  }
0xb3: {  	[dreg:$0x0] =	wrdreg $0x60  }
0xb4: {  	[dreg:$0x2] =	wrdreg s24  }
0xb5: {  	[dreg:$0x3] =	wrdreg s16  }
0xb6: {  	[dreg:$0x4] =	wrdreg s17  }
0xb7: {  	[dreg:$0x5] =	wrdreg $0xA9000  }
0xb8: {  	[dreg:$0x6] =	wrdreg $0x9  }
0xb9: {  	_ =	task.clear_ibuf [dreg:s8], $0x7FFFF;
	_ =	strace $0x9000004F  }
0xba: {  	s29 =	simm.s32 $0x9;
	_ =	strace $0x80000051  }
0xbb: {  	_ =	swait.ge [sflag:s29], $0x1  }
0xbc: {  	[sflag:s29] =	ssyncadd.s32 $0xFFFFFFFF  }
0xbd: {  	_ =	strace $0x90000051  }
0xbe: {  	_ =	sfence  }
0xbf: {  	s30 =	sld [smem:$0x0];
	_ =	sdelay $0x2  }
0xc0: {  	s31 =	sshll.u32 s1, $0xD;
	s1 =	sshrl.u32 s1, $0x2  }
0xc1: {  	s3 =	sand.u32 $0x4000, s31;
	s1 =	sadd.s32 s1, s30  }
0xc2: {  	s0 =	sor.u32 s3, s0;
	s1 =	sshll.u32 s1, $0x11  }
0xc3: {  	s0 =	sor.u32 s1, s0  }
0xc4: {  	s0 =	sadd.s32 $0x8F2B, s0  }
0xc5: {  	[sflag:s0] =	ssyncadd.remote.s32 $0x1  }
0xc6: {  	_ =	sfence.sel $0xFFFF  }
0xc7: {  	[dreg:$0x0] =	wrdreg $0xFFFFFFFF;
	(pc) =	sbr.abs _section_cstart, $3  }
0xc8: {  	[dreg:$0x1] =	wrdreg $0xFFFFFFFF  }
0xc9: {  	_ =	task.clear_ibuf [dreg:s8], $0x2FFFF;
	_ =	strace $0x9FFFFFFF  }
0xca: {  	(tm) =	ssettm $0x7FFFFFFF  }
0xcb: {  	_ =	shalt  }
tec
execute0_lowered:
.L_overlay_start_1:
0x0: {  	(tag) =	ssettag $0x1  }
0x1: {  	s6 =	rddreg [dreg:$0x0]  }
0x2: {  	s7 =	rddreg [dreg:$0x1]  }
0x3: {  	s2 =	rddreg [dreg:$0x2];
	s0 =	srdreg.scid  }
0x4: {  	s3 =	rddreg [dreg:$0x3];
	s1 =	stileid.u32  }
0x5: {  	s4 =	simm.s32 $0x0;
	s15 =	simm.s32 $0x2900;
	s16 =	simm.s32 $0x2800  }
0x6: {  	s17 =	simm.s32 $0x80;
	s18 =	simm.s32 $0x6900;
	s19 =	simm.s32 $0x2880  }
0x7: {  	s20 =	simm.s32 $0x1;
	s21 =	simm.s32 $0x2;
	s22 =	simm.s32 $0x0  }
0x8: {  	s8 =	sand.u32 $0x1, s0;
	s0 =	rddreg [dreg:$0x4];
	s10 =	smul.u32 $0x13C00, s1  }
0x9: {  	[smem:$0x7FF] =	sst s4;
	s5 =	sadd.s32 $0x4600, s6;
	s13 =	smul.u32 $0x4F000, s1  }
0xa: {  	s11 =	sadd.s32 $0x2C600, s6;
	s29 =	smul.u32 $0x2780, s1;
	s31 =	sshll.u32 s1, $0x6  }
0xb: {  	s9 =	smul.u32 $0x140000, s8;
	_ =	strace $0x80000050;
	s12 =	ssub.s32 $0x2, s8  }
0xc: {  	s25 =	sshll.u32 s8, $0x4;
	p0 =	seq.s32 s8, $0x0;
	s14 =	sshrl.u32 s12, $0x1  }
0xd: {  	s28 =	sshrl.u32 s13, $0x2;
	s11 =	smov.u32 @p0 s5;
	s9 =	sadd.s32 s10, s9  }
0xe: {  	s10 =	sor.u32 s1, s25;
	s26 =	ssub.s32 s12, s14;
	s9 =	sshrl.u32 s9, $0x3  }
0xf: {  	s13 =	sadd.s32 s28, s3;
	s9 =	sadd.s32 s9, s6;
	s6 =	smul.u32 $0x2800, s10  }
0x10: {  	s11 =	sadd.s32 s11, s29;
	s12 =	sor.u32 $0x1C03, s31;
	s14 =	simm.s32 $0x3  }
0x11: {  	s13 =	sshrl.u32 s13, $0x3;
	s10 =	smax.u32 s26, $0x1;
	s30 =	sshrl.u32 s6, $0x3  }
0x12: {  	s9 =	sadd.s32 $0x53E00, s9;
	s7 =	sadd.s32 s7, s30;
	s8 =	sadd.s32 s2, s30  }
.LBB2_1:
0x13: {  	[spmem:s13], [sflag:s12] =	dma.local [hbm:s11], $0x2780  }
0x14: {  	_ =	swait.ge [sflag:s14], $0x2780  }
0x15: {  	[sflag:s14] =	ssyncset.done $0x0  }
0x16: {  	[sflag:s14] =	ssyncadd.s32 $0xFFFFD880  }
0x17: {  	[tilespmem:s4], [sflag:$0x3] =	stream.linear.gather [hbm4b:s7+s4], $0x2780, $0x38;
	[tilespmem:$0x1E500] =	vst v63  }
0x18: {  	_ =	swait.ge [sflag:s14], $0x2780  }
0x19: {  	s23 =	simm.s32 $0x0;
	[sflag:s14] =	ssyncset.done $0x0  }
0x1a: {  	s24 =	simm.s32 $0x80;
	s23 =	sand.u32 $0x3C00, s23;
	[sflag:s14] =	ssyncadd.s32 $0xFFFFD880  }
0x1b: {  	s24 =	sand.u32 $0x380, s24;
	s23 =	sadd.s32 s6, s23;
	[bflag:$0x0] =	sbarrier.arrive $0xFFFF  }
0x1c: {  	[tilespmem:s15], [sflag:$0x1] =	stream.indirect.gather [hbm4b:s5+s17], $0x80, s4, s17, $0xb8;
	[tilespmem:$0x1E500] =	vst v63  }
0x1d: {  	s23 =	sor.u32 s23, s24  }
0x1e: {  	[tilespmem:s16], [sflag:$0x1] =	stream.linear.gather [hbm4b:s8+s4], $0x80, $0x38;
	[tilespmem:$0x1E500] =	vst v63  }
0x1f: {  	s23 =	sshrl.u32 s23, $0x3  }
0x20: {  	[tilespmem:s18], [sflag:$0x2] =	stream.indirect.gather [hbm4b:s5+s17], $0x80, s17, s17, $0xb8;
	[tilespmem:$0x1E500] =	vst v63  }
0x21: {  	s23 =	sadd.s32 s2, s23  }
0x22: {  	[tilespmem:s19], [sflag:$0x2] =	stream.linear.gather [hbm4b:s23+s4], $0x80, $0x38;
	[tilespmem:$0x1E500] =	vst v63  }
0x23: {  	_ =	swait.ge [sflag:s20], $0x4000  }
0x24: {  	[sflag:s20] =	ssyncset.done $0x0  }
0x25: {  	[sflag:s20] =	ssyncadd.s32 $0xFFFFC000  }
0x26: {  	_ =	swait.ge [sflag:s20], $0x80  }
0x27: {  	s26 =	simm.s32 $0x100;
	[sflag:s20] =	ssyncset.done $0x0  }
0x28: {  	s30 =	sand.u32 $0x7C00, s26;
	[sflag:s20] =	ssyncadd.s32 $0xFFFFFF80  }
0x29: {  	[spmem:s3] =	stream.indirect.scatter.add.f32 [tilespmem:s15], [sflag:$0x3], $0x80, s16, s17, $0xb8;
	[tilespmem:$0x1E500] =	vst v63  }
0x2a: {  	s24 =	sadd.s32 s6, s30;
	s23 =	sand.u32 $0x300, s26;
	_ =	swait.ge [sflag:s14], $0x4000  }
0x2b: {  	s23 =	sor.u32 s23, s24;
	[sflag:s14] =	ssyncset.done $0x0  }
0x2c: {  	s25 =	simm.s32 $0x100;
	s23 =	sshrl.u32 s23, $0x3;
	[sflag:s14] =	ssyncadd.s32 $0xFFFFC000  }
0x2d: {  	[tilespmem:s15], [sflag:$0x1] =	stream.indirect.gather [hbm4b:s5+s17], $0x80, s25, s17, $0xb8;
	[tilespmem:$0x1E500] =	vst v63  }
0x2e: {  	s23 =	sadd.s32 s2, s23  }
0x2f: {  	[tilespmem:s16], [sflag:$0x1] =	stream.linear.gather [hbm4b:s23+s4], $0x80, $0x38;
	[tilespmem:$0x1E500] =	vst v63  }
0x30: {  	_ =	swait.ge [sflag:s21], $0x4000  }
0x31: {  	s31 =	simm.s32 $0x100;
	s29 =	simm.s32 $0x180;
	[sflag:s21] =	ssyncset.done $0x0  }
0x32: {  	s28 =	sand.u32 $0x3C00, s31;
	s26 =	simm.s32 $0x300;
	[sflag:s21] =	ssyncadd.s32 $0xFFFFC000  }
0x33: {  	s24 =	simm.s32 $0x200;
	s23 =	simm.s32 $0x180;
	_ =	swait.ge [sflag:s21], $0x80  }
.LBB2_2:
0x34: {  	s28 =	sadd.s32 s6, s28  }
0x35: {  	s29 =	sand.u32 $0x380, s29;
	[sflag:s21] =	ssyncset.done $0x0;
	s30 =	smov.u32 s26  }
0x36: {  	s25 =	sadd.s32 $0x100, s26;
	s28 =	sor.u32 s28, s29;
	[sflag:s21] =	ssyncadd.s32 $0xFFFFFF80  }
0x37: {  	[spmem:s3] =	stream.indirect.scatter.add.f32 [tilespmem:s18], [sflag:$0x3], $0x80, s19, s17, $0xb8;
	[tilespmem:$0x1E500] =	vst v63  }
0x38: {  	p0 =	sne.s32 s26, $0x2700;
	s26 =	sshrl.u32 s28, $0x3;
	_ =	swait.ge [sflag:s14], $0x4000  }
0x39: {  	[sflag:s14] =	ssyncset.done $0x0  }
0x3a: {  	[sflag:s14] =	ssyncadd.s32 $0xFFFFC000  }
0x3b: {  	[tilespmem:s18], [sflag:$0x2] =	stream.indirect.gather [hbm4b:s5+s17], $0x80, s23, s17, $0xb8;
	[tilespmem:$0x1E500] =	vst v63  }
0x3c: {  	s26 =	sadd.s32 s2, s26  }
0x3d: {  	[tilespmem:s19], [sflag:$0x2] =	stream.linear.gather [hbm4b:s26+s4], $0x80, $0x38;
	[tilespmem:$0x1E500] =	vst v63  }
0x3e: {  	_ =	swait.ge [sflag:s20], $0x4000  }
0x3f: {  	[sflag:s20] =	ssyncset.done $0x0  }
0x40: {  	[sflag:s20] =	ssyncadd.s32 $0xFFFFC000  }
0x41: {  	_ =	swait.ge [sflag:s20], $0x80  }
0x42: {  	[sflag:s20] =	ssyncset.done $0x0  }
0x43: {  	[sflag:s20] =	ssyncadd.s32 $0xFFFFFF80  }
0x44: {  	[spmem:s3] =	stream.indirect.scatter.add.f32 [tilespmem:s15], [sflag:$0x3], $0x80, s16, s17, $0xb8;
	[tilespmem:$0x1E500] =	vst v63  }
0x45: {  	s26 =	sand.u32 $0x7C00, s24;
	_ =	swait.ge [sflag:s14], $0x4000  }
0x46: {  	s24 =	sand.u32 $0x300, s24;
	s26 =	sadd.s32 s6, s26;
	[sflag:s14] =	ssyncset.done $0x0  }
0x47: {  	s28 =	sadd.s32 $0x80, s23;
	s24 =	sor.u32 s24, s26;
	[sflag:s14] =	ssyncadd.s32 $0xFFFFC000  }
0x48: {  	[tilespmem:s15], [sflag:$0x1] =	stream.indirect.gather [hbm4b:s5+s17], $0x80, s28, s17, $0xb8;
	[tilespmem:$0x1E500] =	vst v63  }
0x49: {  	s26 =	sshrl.u32 s24, $0x3;
	s24 =	smov.u32 s30  }
0x4a: {  	s26 =	sadd.s32 s2, s26  }
0x4b: {  	[tilespmem:s16], [sflag:$0x1] =	stream.linear.gather [hbm4b:s26+s4], $0x80, $0x38;
	[tilespmem:$0x1E500] =	vst v63  }
.Ltmp0:
0x4c: {  	_ = 	snop;
	(pc) =	sbr.rel @p0 .LBB2_2-.Ltmp0, $4  }
0x4d: {  	_ =	swait.ge [sflag:s21], $0x4000  }
0x4e: {  	s23 =	sadd.s32 $0x100, s23;
	[sflag:s21] =	ssyncset.done $0x0  }
0x4f: {  	s29 =	sadd.s32 $0xFFFFFF80, s24;
	s26 =	sadd.s32 $0xFFFFFF00, s24;
	[sflag:s21] =	ssyncadd.s32 $0xFFFFC000  }
0x50: {  	s28 =	sand.u32 $0x3C00, s26;
	s26 =	smov.u32 s25;
	_ =	swait.ge [sflag:s21], $0x80  }
0x51: {  	[sflag:s21] =	ssyncset.done $0x0  }
0x52: {  	[sflag:s21] =	ssyncadd.s32 $0xFFFFFF80  }
0x53: {  	[spmem:s3] =	stream.indirect.scatter.add.f32 [tilespmem:s18], [sflag:$0x3], $0x80, s19, s17, $0xb8;
	[tilespmem:$0x1E500] =	vst v63  }
0x54: {  	s25 =	sadd.s32 s6, s28;
	s26 =	sand.u32 $0x380, s29;
	_ =	swait.ge [sflag:s14], $0x4000  }
0x55: {  	s25 =	sor.u32 s25, s26;
	[sflag:s14] =	ssyncset.done $0x0  }
0x56: {  	s25 =	sshrl.u32 s25, $0x3;
	[sflag:s14] =	ssyncadd.s32 $0xFFFFC000  }
0x57: {  	[tilespmem:s18], [sflag:$0x2] =	stream.indirect.gather [hbm4b:s5+s17], $0x80, s23, s17, $0xb8;
	[tilespmem:$0x1E500] =	vst v63  }
0x58: {  	s25 =	sadd.s32 s2, s25  }
0x59: {  	[tilespmem:s19], [sflag:$0x2] =	stream.linear.gather [hbm4b:s25+s4], $0x80, $0x38;
	[tilespmem:$0x1E500] =	vst v63  }
0x5a: {  	_ =	swait.ge [sflag:s20], $0x4000  }
0x5b: {  	[sflag:s20] =	ssyncset.done $0x0  }
0x5c: {  	[sflag:s20] =	ssyncadd.s32 $0xFFFFC000  }
0x5d: {  	_ =	swait.ge [sflag:s20], $0x80  }
0x5e: {  	[sflag:s20] =	ssyncset.done $0x0  }
0x5f: {  	s28 =	sand.u32 $0x7C00, s24;
	[sflag:s20] =	ssyncadd.s32 $0xFFFFFF80  }
0x60: {  	[spmem:s3] =	stream.indirect.scatter.add.f32 [tilespmem:s15], [sflag:$0x3], $0x80, s16, s17, $0xb8;
	[tilespmem:$0x1E500] =	vst v63  }
0x61: {  	s29 =	sand.u32 $0x300, s24;
	s25 =	sadd.s32 s6, s28;
	_ =	swait.ge [sflag:s14], $0x4000  }
0x62: {  	s24 =	sor.u32 s29, s25;
	[sflag:s14] =	ssyncset.done $0x0  }
0x63: {  	s30 =	sadd.s32 $0x80, s23;
	s31 =	sshrl.u32 s24, $0x3;
	[sflag:s14] =	ssyncadd.s32 $0xFFFFC000  }
0x64: {  	[tilespmem:s15], [sflag:$0x1] =	stream.indirect.gather [hbm4b:s5+s17], $0x80, s30, s17, $0xb8;
	[tilespmem:$0x1E500] =	vst v63  }
0x65: {  	s23 =	sadd.s32 s2, s31  }
0x66: {  	[tilespmem:s16], [sflag:$0x1] =	stream.linear.gather [hbm4b:s23+s4], $0x80, $0x38;
	[tilespmem:$0x1E500] =	vst v63  }
0x67: {  	_ =	swait.ge [sflag:s21], $0x4000  }
0x68: {  	[sflag:s21] =	ssyncset.done $0x0  }
0x69: {  	[sflag:s21] =	ssyncadd.s32 $0xFFFFC000  }
0x6a: {  	_ =	swait.ge [sflag:s21], $0x80  }
0x6b: {  	[sflag:s21] =	ssyncset.done $0x0  }
0x6c: {  	[sflag:s21] =	ssyncadd.s32 $0xFFFFFF80  }
0x6d: {  	[spmem:s3] =	stream.indirect.scatter.add.f32 [tilespmem:s18], [sflag:$0x3], $0x80, s19, s17, $0xb8;
	[tilespmem:$0x1E500] =	vst v63  }
0x6e: {  	_ =	swait.ge [sflag:s14], $0x4000  }
0x6f: {  	[sflag:s14] =	ssyncset.done $0x0  }
0x70: {  	[sflag:s14] =	ssyncadd.s32 $0xFFFFC000  }
0x71: {  	_ =	swait.ge [sflag:s20], $0x4000  }
0x72: {  	[sflag:s20] =	ssyncset.done $0x0  }
0x73: {  	[sflag:s20] =	ssyncadd.s32 $0xFFFFC000  }
0x74: {  	_ =	swait.ge [sflag:s20], $0x80  }
0x75: {  	[sflag:s20] =	ssyncset.done $0x0  }
0x76: {  	[sflag:s20] =	ssyncadd.s32 $0xFFFFFF80  }
0x77: {  	[spmem:s3] =	stream.indirect.scatter.add.f32 [tilespmem:s15], [sflag:$0x3], $0x80, s16, s17, $0xb8;
	[tilespmem:$0x1E500] =	vst v63  }
0x78: {  	_ =	swait.ge [sflag:s14], $0x4000  }
0x79: {  	s22 =	sadd.s32 $0x1, s22;
	[sflag:s14] =	ssyncset.done $0x0  }
0x7a: {  	p0 =	sne.s32 s22, s10;
	[sflag:s14] =	ssyncadd.s32 $0xFFFFC000  }
.Ltmp1:
0x7b: {  	[bflag:$0x0] =	sbarrier.arrive $0xFFFF;
	(pc) =	sbr.rel @p0 .LBB2_1-.Ltmp1, $4  }
0x7c: {  	[hbm:s9], [sflag:s12] =	dma.local [spmem:s13], $0x2780  }
0x7d: {  	_ =	swait.ge [sflag:s14], $0x2780  }
0x7e: {  	[sflag:s14] =	ssyncset.done $0x0  }
0x7f: {  	[sflag:s14] =	ssyncadd.s32 $0xFFFFD880  }
0x80: {  	_ =	sfence.sel $0x180000  }
0x81: {  	[bflag:$0x0] =	sbarrier.arrive $0xFFFF  }
0x82: {  	p0 =	sne.s32 s1, $0x0;
	_ =	strace $0x90000050  }
0x83: {  	s0 =	sadd.s32 @!p0 $0x100000, s0;
	[bflag:$0x2] =	sbarrier.arrive $0xFFFF  }
0x84: {  	[sflag:s0] =	ssyncadd.tile.s32 @!p0 $0x1;
	_ =	shalt  }
.Lfunc_end2:
_tile_overlayer_lowered:
.L_overlay_start_2:
0x85: {  	(tag) =	ssettag $0x2  }
0x86: {  	s0 =	rddreg [dreg:$0x0];
	s2 =	stileid.u32  }
0x87: {  	s1 =	rddreg [dreg:$0x1];
	p0 =	sne.s32 s2, $0x0  }
0x88: {  	s3 =	rddreg [dreg:$0x2];
	[bflag:$0x3] =	sbarrier.arrive $0xFFFF;
	s2 =	simm.s32 @!p0 $0x1C03  }
0x89: {  	[timem:s3], [sflag:s2] =	dma.local @!p0 [hbm:s0], s1  }
0x8a: {  	s0 =	simm.s32 @!p0 $0x3  }
0x8b: {  	_ =	swait.ge @!p0 [sflag:s0], s1  }
0x8c: {  	s1 =	ssub.s32 @!p0 $0x0, s1;
	[sflag:s0] =	ssyncset.done @!p0 $0x0  }
0x8d: {  	[sflag:s0] =	ssyncadd.s32 @!p0 s1  }
0x8e: {  	[bflag:$0x3] =	sbarrier.arrive $0xFFFF  }
0x8f: {  	_ =	shalt  }

</sc_bundles>
